<compile_context>
chip_gen: v7x
topology: tpu7x:2x2x1
jax: 0.10.2.dev20260603
libtpu: 0.0.44.dev20260713+nightly
codegen_flags: <defaults>
</compile_context>

<pallas_src>
import functools

import jax
import jax.numpy as jnp
from jax import lax
from jax.experimental import pallas as pl
from jax.experimental.pallas import tpu as pltpu
from jax.experimental.pallas import tpu_sc as plsc

_N = 10000
_E = 320000
_D = 128
_G = 64
_NC = 2
_NS = 16
_NW = _NC * _NS
_K = 128
_BT = 80
_C = 16
_NCH = _BT // _C
_EPAD = _NW * _BT * _K
_RPT = 632
_NP = _NS * _RPT


@functools.lru_cache(maxsize=1)
def _sc_kernels():
    mesh = plsc.VectorSubcoreMesh(core_axis_name="c", subcore_axis_name="s",
                                  num_cores=_NC, num_subcores=_NS)

    @functools.partial(
        pl.kernel,
        out_type=jax.ShapeDtypeStruct((_NC * _NP, 16), jnp.float32),
        mesh=mesh,
        scratch_types=[
            pltpu.VMEM((_BT, _K), jnp.int32),
            pltpu.VMEM((_K, 16), jnp.float32),
            pltpu.VMEM_SHARED((_NP, 16), jnp.float32),
            pltpu.SemaphoreType.DMA,
        ],
    )
    def sc_hist(dst_hbm, ones_hbm, zeros_hbm, out_hbm, didx, ones_v, acc, sem):
        c = lax.axis_index("c")
        s = lax.axis_index("s")
        w = c * _NS + s
        row0 = s * _RPT
        pltpu.sync_copy(dst_hbm.at[w], didx)
        pltpu.sync_copy(ones_hbm, ones_v)
        pltpu.sync_copy(zeros_hbm, acc.at[pl.ds(row0, _RPT)])
        plsc.subcore_barrier()

        def fire(j, carry):
            pltpu.async_copy(ones_v, acc.at[didx.at[j]], sem, add=True)
            return carry

        lax.fori_loop(0, _BT, fire, 0)

        def drain(j, carry):
            pltpu.make_async_copy(ones_v, acc.at[didx.at[j]], sem).wait()
            return carry

        lax.fori_loop(0, _BT, drain, 0)
        plsc.subcore_barrier()
        pltpu.sync_copy(acc.at[pl.ds(row0, _RPT)],
                        out_hbm.at[pl.ds(c * _NP + row0, _RPT)])

    @functools.partial(
        pl.kernel,
        out_type=jax.ShapeDtypeStruct((_NC * _NP, _D), jnp.float32),
        mesh=mesh,
        scratch_types=[
            pltpu.VMEM((_C, _K), jnp.int32),
            pltpu.VMEM((_C, _K), jnp.int32),
            pltpu.VMEM((_K, _D), jnp.float32),
            pltpu.VMEM((_K, _D), jnp.float32),
            pltpu.VMEM_SHARED((_NP, _D), jnp.float32),
            pltpu.SemaphoreType.DMA,
        ],
    )
    def sc_agg(src_hbm, dst_hbm, y_hbm, zeros_hbm, out_hbm,
               sidx, didx, buf0, buf1, acc, sem):
        c = lax.axis_index("c")
        s = lax.axis_index("s")
        w = c * _NS + s
        row0 = s * _RPT
        pltpu.sync_copy(zeros_hbm, acc.at[pl.ds(row0, _RPT)])
        plsc.subcore_barrier()

        for ch in range(_NCH):
            pltpu.sync_copy(src_hbm.at[w, pl.ds(ch * _C, _C)], sidx)
            pltpu.sync_copy(dst_hbm.at[w, pl.ds(ch * _C, _C)], didx)
            pltpu.async_copy(y_hbm.at[sidx.at[0]], buf0, sem)

            def step(j, buf, nbuf):
                pltpu.make_async_copy(y_hbm.at[sidx.at[j]], buf, sem).wait()

                @pl.when(j + 1 < _C)
                def _():
                    pltpu.async_copy(y_hbm.at[sidx.at[j + 1]], nbuf, sem)

                pltpu.sync_copy(buf, acc.at[didx.at[j]], add=True)

            def body(j, carry):
                @pl.when(j % 2 == 0)
                def _():
                    step(j, buf0, buf1)

                @pl.when(j % 2 == 1)
                def _():
                    step(j, buf1, buf0)

                return carry

            lax.fori_loop(0, _C, body, 0)
        plsc.subcore_barrier()
        pltpu.sync_copy(acc.at[pl.ds(row0, _RPT)],
                        out_hbm.at[pl.ds(c * _NP + row0, _RPT)])

    return sc_hist, sc_agg


def _dis_from_hist(hist_ref):
    deg = hist_ref[0, :_N, 0:1] + hist_ref[1, :_N, 0:1] + 1.0
    return lax.rsqrt(deg)


def _tc1_body(x_ref, w1_ref, hist_ref, y1_ref):
    dis = _dis_from_hist(hist_ref)
    xw = jnp.dot(x_ref[...], w1_ref[...], preferred_element_type=jnp.float32)
    y1_ref[...] = xw * dis


def _tc2_body(hist_ref, p_ref, y_ref, b_ref, w_ref, out_ref):
    dis = _dis_from_hist(hist_ref)
    h = jnp.maximum(
        dis * (p_ref[0, :_N, :] + p_ref[1, :_N, :] + y_ref[...]) + b_ref[...],
        0.0)
    out_ref[...] = jnp.dot(
        h, w_ref[...], preferred_element_type=jnp.float32) * dis


def _tc3_body(hist_ref, p_ref, y_ref, b_ref, batch_ref, wfc_ref, bfc_ref,
              out_ref):
    dis = _dis_from_hist(hist_ref)
    h = jnp.maximum(
        dis * (p_ref[0, :_N, :] + p_ref[1, :_N, :] + y_ref[...]) + b_ref[...],
        0.0)
    gids = lax.broadcasted_iota(jnp.int32, (_N, _G), 1).astype(jnp.float32)
    oh = (batch_ref[...] == gids).astype(jnp.float32)
    sums = lax.dot_general(oh, h, (((0,), (0,)), ((), ())),
                           preferred_element_type=jnp.float32)
    counts = jnp.sum(oh, axis=0)[:, None]
    pooled = sums / jnp.maximum(counts, 1.0)
    out_ref[...] = jnp.dot(
        pooled, wfc_ref[...], preferred_element_type=jnp.float32) + bfc_ref[...]


_tc1 = pl.pallas_call(
    _tc1_body, out_shape=jax.ShapeDtypeStruct((_N, _D), jnp.float32))
_tc2 = pl.pallas_call(
    _tc2_body, out_shape=jax.ShapeDtypeStruct((_N, _D), jnp.float32))
_tc3 = pl.pallas_call(
    _tc3_body, out_shape=jax.ShapeDtypeStruct((_G, _D), jnp.float32))


def kernel(x, edge_index, batch, W1, b1, W2, b2, Wfc, bfc):
    sc_hist, sc_agg = _sc_kernels()
    src = edge_index[0]
    dst = edge_index[1]
    npad = _EPAD - _E
    sp = jnp.concatenate(
        [src, jnp.zeros((npad,), jnp.int32)]).reshape(_NW, _BT, _K)
    dp = jnp.concatenate(
        [dst, jnp.full((npad,), _N, jnp.int32)]).reshape(_NW, _BT, _K)
    ones16 = jnp.ones((_K, 16), jnp.float32)
    zeros16 = jnp.zeros((_RPT, 16), jnp.float32)
    zrows = jnp.zeros((_RPT, _D), jnp.float32)

    hist = sc_hist(dp, ones16, zeros16).reshape(_NC, _NP, 16)
    y1 = _tc1(x, W1, hist)
    p1 = sc_agg(sp, dp, y1, zrows).reshape(_NC, _NP, _D)
    y2 = _tc2(hist, p1, y1, b1.reshape(1, _D), W2)
    p2 = sc_agg(sp, dp, y2, zrows).reshape(_NC, _NP, _D)

    out_w = Wfc.shape[1]
    wfc_p = jnp.zeros((_D, _D), jnp.float32).at[:, :out_w].set(Wfc)
    bfc_p = jnp.zeros((1, _D), jnp.float32).at[0, :out_w].set(bfc)
    batch_f = batch.astype(jnp.float32).reshape(_N, 1)
    out = _tc3(hist, p2, y2, b2.reshape(1, _D), batch_f, wfc_p, bfc_p)
    return out[:, :out_w]

# --- scband reference (transcript-rebuilt; emitter-appended) ---
"""Pipeline reference for scband-target-model-78786880077968 (READ-ONLY COPY).

The authoritative reference and input builder live on the scoring server;
editing this copy changes nothing except your own understanding.
"""

import jax, jax.numpy as jnp
import numpy as np

N = 10000
E = 320000
D = 128
H = 128
OUT = 2
G = 64


def setup_inputs(seed: int = 0) -> dict:
    key = jax.random.key(seed)
    ks = jax.random.split(key, 10)
    x = jax.random.normal(ks[0], (N, D), dtype=jnp.float32)
    edge_index = jax.random.randint(ks[1], (2, E), 0, N, dtype=jnp.int32)
    batch = jnp.sort(jax.random.randint(ks[2], (N,), 0, G, dtype=jnp.int32))
    W1 = jax.random.normal(ks[3], (D, H), dtype=jnp.float32) * (1.0 / np.sqrt(D))
    b1 = jnp.zeros((H,), dtype=jnp.float32)
    W2 = jax.random.normal(ks[4], (H, H), dtype=jnp.float32) * (1.0 / np.sqrt(H))
    b2 = jnp.zeros((H,), dtype=jnp.float32)
    Wfc = jax.random.normal(ks[5], (H, OUT), dtype=jnp.float32) * (1.0 / np.sqrt(H))
    bfc = jnp.zeros((OUT,), dtype=jnp.float32)
    return {"x": x, "edge_index": edge_index, "batch": batch,
            "W1": W1, "b1": b1, "W2": W2, "b2": b2, "Wfc": Wfc, "bfc": bfc}


def _gcn_conv(x, src, dst, W, b):
    n = x.shape[0]
    xw = x @ W
    loop = jnp.arange(n, dtype=src.dtype)
    s = jnp.concatenate([src, loop])
    d = jnp.concatenate([dst, loop])
    deg = jnp.zeros((n,), dtype=x.dtype).at[d].add(1.0)
    dis = jax.lax.rsqrt(jnp.maximum(deg, 1.0))
    norm = dis[s] * dis[d]
    msg = jnp.take(xw, s, axis=0) * norm[:, None]
    out = jnp.zeros((n, xw.shape[1]), dtype=x.dtype).at[d].add(msg)
    return out + b


def reference(x, edge_index, batch, W1, b1, W2, b2, Wfc, bfc):
    src = edge_index[0]
    dst = edge_index[1]
    h = jax.nn.relu(_gcn_conv(x, src, dst, W1, b1))
    h = jax.nn.relu(_gcn_conv(h, src, dst, W2, b2))
    sums = jnp.zeros((G, h.shape[1]), dtype=h.dtype).at[batch].add(h)
    counts = jnp.zeros((G,), dtype=h.dtype).at[batch].add(1.0)
    pooled = sums / jnp.maximum(counts, 1.0)[:, None]
    return pooled @ Wfc + bfc

if __name__ == "__main__":
    import jax
    _d = setup_inputs()
    print(jax.jit(kernel)(*tuple(_d.values())))

</pallas_src>

<mosaic_0001>
#map = affine_map<(d0, d1) -> (0, 0, 0)>
#map1 = affine_map<(d0, d1) -> (0, 0)>
module attributes {stable_mosaic.version = 14 : i64} {
  func.func @sc_agg(%arg0: i32, %arg1: i32, %arg2: memref<32x80x128xi32, #tpu.memory_space<hbm>>, %arg3: memref<32x80x128xi32, #tpu.memory_space<hbm>>, %arg4: memref<10000x128xf32, #tpu.memory_space<hbm>>, %arg5: memref<632x128xf32, #tpu.memory_space<hbm>>, %arg6: memref<20224x128xf32, #tpu.memory_space<hbm>>, %arg7: memref<16x128xi32, #tpu.memory_space<vmem>>, %arg8: memref<16x128xi32, #tpu.memory_space<vmem>>, %arg9: memref<128x128xf32, #tpu.memory_space<vmem>>, %arg10: memref<128x128xf32, #tpu.memory_space<vmem>>, %arg11: memref<10112x128xf32, #tpu.memory_space<vmem_shared>>, %arg12: memref<!tpu.dma_semaphore, #tpu.memory_space<semaphore_mem>>) attributes {dimension_semantics = [#tpu.dimension_semantics<core_parallel>, #tpu.dimension_semantics<subcore_parallel>], iteration_bounds = array<i64: 2, 16>, scalar_prefetch = 0 : i64, scratch_operands = 6 : i64, tpu.core_type = #tpu.core_type<sc_vector_subcore>, window_params = [{transform_indices = #map}, {transform_indices = #map}, {transform_indices = #map1}, {transform_indices = #map1}, {transform_indices = #map1}]} {
    %mul3A = arith.constant 16 : i32
    %mul3A_0 = arith.muli %arg0, %mul3A : i32
    %add3A = arith.addi %mul3A_0, %arg1 : i32
    %mul3A_1 = arith.constant 632 : i32
    %mul3A_2 = arith.muli %arg1, %mul3A_1 : i32
    "tpu.region"() ({
      %run_scoped3A = tpu.sem_alloc : memref<!tpu.dma_semaphore, #tpu.memory_space<semaphore_mem>>
      %dma_start3A_70 = arith.constant 0 : i32
      %dma_start3A_71 = tpu.memref_slice %arg11[%mul3A_2, %dma_start3A_70] : memref<10112x128xf32, #tpu.memory_space<vmem_shared>> -> memref<632x128xf32, #tpu.memory_space<vmem_shared>>
      tpu.enqueue_dma source(%arg5 : memref<632x128xf32, #tpu.memory_space<hbm>>) target(%dma_start3A_71 : memref<632x128xf32, #tpu.memory_space<vmem_shared>>) target_semaphore(%run_scoped3A : memref<!tpu.dma_semaphore, #tpu.memory_space<semaphore_mem>>)
      %dma_wait3A = arith.constant 0 : i32
      %dma_wait3A_72 = tpu.memref_slice %arg11[%mul3A_2, %dma_wait3A] : memref<10112x128xf32, #tpu.memory_space<vmem_shared>> -> memref<632x128xf32, #tpu.memory_space<vmem_shared>>
      tpu.wait_dma2 semaphore(%run_scoped3A : memref<!tpu.dma_semaphore, #tpu.memory_space<semaphore_mem>>) src(%arg5 : memref<632x128xf32, #tpu.memory_space<hbm>>) dst(%dma_wait3A_72 : memref<632x128xf32, #tpu.memory_space<vmem_shared>>)
      tpu.yield
    }) : () -> ()
    %barrier3A = arith.constant 0 : index
    tpu.barrier barrier_id(%barrier3A)
    "tpu.region"() ({
      %run_scoped3A = tpu.sem_alloc : memref<!tpu.dma_semaphore, #tpu.memory_space<semaphore_mem>>
      %dma_start3A_70 = arith.constant 0 : i32
      %dma_start3A_71 = arith.constant 0 : i32
      %dma_start3A_72 = tpu.memref_slice %arg2[%add3A, %dma_start3A_70, %dma_start3A_71] : memref<32x80x128xi32, #tpu.memory_space<hbm>> -> memref<1x16x128xi32, #tpu.memory_space<hbm>>
      %dma_start3A_73 = tpu.memref_squeeze %dma_start3A_72 : memref<1x16x128xi32, #tpu.memory_space<hbm>> -> memref<16x128xi32, #tpu.memory_space<hbm>>
      %dma_start3A_74 = arith.constant 0 : i32
      %dma_start3A_75 = arith.constant 0 : i32
      %dma_start3A_76 = tpu.memref_slice %arg2[%add3A, %dma_start3A_74, %dma_start3A_75] : memref<32x80x128xi32, #tpu.memory_space<hbm>> -> memref<1x16x128xi32, #tpu.memory_space<hbm>>
      %dma_start3A_77 = tpu.memref_squeeze %dma_start3A_76 : memref<1x16x128xi32, #tpu.memory_space<hbm>> -> memref<16x128xi32, #tpu.memory_space<hbm>>
      tpu.enqueue_dma source(%dma_start3A_77 : memref<16x128xi32, #tpu.memory_space<hbm>>) target(%arg7 : memref<16x128xi32, #tpu.memory_space<vmem>>) target_semaphore(%run_scoped3A : memref<!tpu.dma_semaphore, #tpu.memory_space<semaphore_mem>>)
      %dma_wait3A = arith.constant 0 : i32
      %dma_wait3A_78 = arith.constant 0 : i32
      %dma_wait3A_79 = tpu.memref_slice %arg2[%add3A, %dma_wait3A, %dma_wait3A_78] : memref<32x80x128xi32, #tpu.memory_space<hbm>> -> memref<1x16x128xi32, #tpu.memory_space<hbm>>
      %dma_wait3A_80 = tpu.memref_squeeze %dma_wait3A_79 : memref<1x16x128xi32, #tpu.memory_space<hbm>> -> memref<16x128xi32, #tpu.memory_space<hbm>>
      %dma_wait3A_81 = arith.constant 0 : i32
      %dma_wait3A_82 = arith.constant 0 : i32
      %dma_wait3A_83 = tpu.memref_slice %arg2[%add3A, %dma_wait3A_81, %dma_wait3A_82] : memref<32x80x128xi32, #tpu.memory_space<hbm>> -> memref<1x16x128xi32, #tpu.memory_space<hbm>>
      %dma_wait3A_84 = tpu.memref_squeeze %dma_wait3A_83 : memref<1x16x128xi32, #tpu.memory_space<hbm>> -> memref<16x128xi32, #tpu.memory_space<hbm>>
      tpu.wait_dma2 semaphore(%run_scoped3A : memref<!tpu.dma_semaphore, #tpu.memory_space<semaphore_mem>>) src(%dma_wait3A_84 : memref<16x128xi32, #tpu.memory_space<hbm>>) dst(%arg7 : memref<16x128xi32, #tpu.memory_space<vmem>>)
      tpu.yield
    }) : () -> ()
    "tpu.region"() ({
      %run_scoped3A = tpu.sem_alloc : memref<!tpu.dma_semaphore, #tpu.memory_space<semaphore_mem>>
      %dma_start3A_70 = arith.constant 0 : i32
      %dma_start3A_71 = arith.constant 0 : i32
      %dma_start3A_72 = tpu.memref_slice %arg3[%add3A, %dma_start3A_70, %dma_start3A_71] : memref<32x80x128xi32, #tpu.memory_space<hbm>> -> memref<1x16x128xi32, #tpu.memory_space<hbm>>
      %dma_start3A_73 = tpu.memref_squeeze %dma_start3A_72 : memref<1x16x128xi32, #tpu.memory_space<hbm>> -> memref<16x128xi32, #tpu.memory_space<hbm>>
      %dma_start3A_74 = arith.constant 0 : i32
      %dma_start3A_75 = arith.constant 0 : i32
      %dma_start3A_76 = tpu.memref_slice %arg3[%add3A, %dma_start3A_74, %dma_start3A_75] : memref<32x80x128xi32, #tpu.memory_space<hbm>> -> memref<1x16x128xi32, #tpu.memory_space<hbm>>
      %dma_start3A_77 = tpu.memref_squeeze %dma_start3A_76 : memref<1x16x128xi32, #tpu.memory_space<hbm>> -> memref<16x128xi32, #tpu.memory_space<hbm>>
      tpu.enqueue_dma source(%dma_start3A_77 : memref<16x128xi32, #tpu.memory_space<hbm>>) target(%arg8 : memref<16x128xi32, #tpu.memory_space<vmem>>) target_semaphore(%run_scoped3A : memref<!tpu.dma_semaphore, #tpu.memory_space<semaphore_mem>>)
      %dma_wait3A = arith.constant 0 : i32
      %dma_wait3A_78 = arith.constant 0 : i32
      %dma_wait3A_79 = tpu.memref_slice %arg3[%add3A, %dma_wait3A, %dma_wait3A_78] : memref<32x80x128xi32, #tpu.memory_space<hbm>> -> memref<1x16x128xi32, #tpu.memory_space<hbm>>
      %dma_wait3A_80 = tpu.memref_squeeze %dma_wait3A_79 : memref<1x16x128xi32, #tpu.memory_space<hbm>> -> memref<16x128xi32, #tpu.memory_space<hbm>>
      %dma_wait3A_81 = arith.constant 0 : i32
      %dma_wait3A_82 = arith.constant 0 : i32
      %dma_wait3A_83 = tpu.memref_slice %arg3[%add3A, %dma_wait3A_81, %dma_wait3A_82] : memref<32x80x128xi32, #tpu.memory_space<hbm>> -> memref<1x16x128xi32, #tpu.memory_space<hbm>>
      %dma_wait3A_84 = tpu.memref_squeeze %dma_wait3A_83 : memref<1x16x128xi32, #tpu.memory_space<hbm>> -> memref<16x128xi32, #tpu.memory_space<hbm>>
      tpu.wait_dma2 semaphore(%run_scoped3A : memref<!tpu.dma_semaphore, #tpu.memory_space<semaphore_mem>>) src(%dma_wait3A_84 : memref<16x128xi32, #tpu.memory_space<hbm>>) dst(%arg8 : memref<16x128xi32, #tpu.memory_space<vmem>>)
      tpu.yield
    }) : () -> ()
    %dma_start3A = arith.constant 0 : i32
    %dma_start3A_3 = arith.constant 0 : i32
    %dma_start3A_4 = tpu.memref_slice %arg7[%dma_start3A, %dma_start3A_3] : memref<16x128xi32, #tpu.memory_space<vmem>> -> memref<1x128xi32, #tpu.memory_space<vmem>>
    %dma_start3A_5 = tpu.memref_squeeze %dma_start3A_4 : memref<1x128xi32, #tpu.memory_space<vmem>> -> memref<128xi32, #tpu.memory_space<vmem>>
    %dma_start3A_6 = arith.constant 0 : i32
    %dma_start3A_7 = arith.constant 0 : i32
    %dma_start3A_8 = tpu.memref_slice %arg4[%dma_start3A_6, %dma_start3A_7] : memref<10000x128xf32, #tpu.memory_space<hbm>> -> memref<10000x128xf32, #tpu.memory_space<hbm>>
    tpu.enqueue_indirect_dma source(%dma_start3A_8 : memref<10000x128xf32, #tpu.memory_space<hbm>>) target(%arg9 : memref<128x128xf32, #tpu.memory_space<vmem>>) offsets(%dma_start3A_5 : memref<128xi32, #tpu.memory_space<vmem>>) semaphore(%arg12 : memref<!tpu.dma_semaphore, #tpu.memory_space<semaphore_mem>>)
    %scan3A = arith.constant 0 : i32
    %scan3A_9 = arith.constant 0 : i32
    %scan3A_10 = arith.constant 16 : i32
    %scan3A_11 = arith.addi %scan3A_9, %scan3A_10 : i32
    %scan3A_12 = arith.constant 1 : i32
    scf.for %scan3A_70 = %scan3A_9 to %scan3A_11 step %scan3A_12  : i32 {
      %jit3A = arith.constant 2 : i32
      %eq3A = arith.constant 0 : i32
      %eq3A_71 = arith.cmpi eq, %jit3A, %eq3A : i32
      %jit3A_72 = arith.constant 1 : i32
      %select_n3A = arith.select %eq3A_71, %jit3A_72, %jit3A : i32
      %rem3A = arith.remsi %scan3A_70, %select_n3A : i32
      %ne3A = arith.constant 0 : i32
      %ne3A_73 = arith.cmpi ne, %rem3A, %ne3A : i32
      %lt3A = arith.constant 0 : i32
      %lt3A_74 = arith.cmpi slt, %rem3A, %lt3A : i32
      %lt3A_75 = arith.constant 0 : i32
      %lt3A_76 = arith.cmpi slt, %select_n3A, %lt3A_75 : i32
      %ne3A_77 = arith.xori %lt3A_74, %lt3A_76 : i1
      %and3A = arith.andi %ne3A_77, %ne3A_73 : i1
      %add3A_78 = arith.addi %rem3A, %select_n3A : i32
      %select_n3A_79 = arith.select %and3A, %add3A_78, %rem3A : i32
      %eq3A_80 = arith.constant 0 : i32
      %eq3A_81 = arith.cmpi eq, %select_n3A_79, %eq3A_80 : i32
      %convert_element_type3A = arith.extui %eq3A_81 : i1 to i32
      %cond3A = arith.constant 0 : i32
      %cond3A_82 = arith.cmpi ne, %convert_element_type3A, %cond3A : i32
      scf.if %cond3A_82 {
        %dma_wait3A = arith.constant 0 : i32
        %dma_wait3A_104 = tpu.memref_slice %arg7[%scan3A_70, %dma_wait3A] : memref<16x128xi32, #tpu.memory_space<vmem>> -> memref<1x128xi32, #tpu.memory_space<vmem>>
        %dma_wait3A_105 = tpu.memref_squeeze %dma_wait3A_104 : memref<1x128xi32, #tpu.memory_space<vmem>> -> memref<128xi32, #tpu.memory_space<vmem>>
        %dma_wait3A_106 = arith.constant 0 : i32
        %dma_wait3A_107 = arith.constant 0 : i32
        %dma_wait3A_108 = tpu.memref_slice %arg4[%dma_wait3A_106, %dma_wait3A_107] : memref<10000x128xf32, #tpu.memory_space<hbm>> -> memref<10000x128xf32, #tpu.memory_space<hbm>>
        tpu.wait_indirect_dma semaphore(%arg12 : memref<!tpu.dma_semaphore, #tpu.memory_space<semaphore_mem>>) src(%dma_wait3A_108 : memref<10000x128xf32, #tpu.memory_space<hbm>>) dst(%arg9 : memref<128x128xf32, #tpu.memory_space<vmem>>)
        %add3A_109 = arith.constant 1 : i32
        %add3A_110 = arith.addi %scan3A_70, %add3A_109 : i32
        %lt3A_111 = arith.constant 16 : i32
        %lt3A_112 = arith.cmpi slt, %add3A_110, %lt3A_111 : i32
        %convert_element_type3A_113 = arith.extui %lt3A_112 : i1 to i32
        %cond3A_114 = arith.constant 0 : i32
        %cond3A_115 = arith.cmpi ne, %convert_element_type3A_113, %cond3A_114 : i32
        scf.if %cond3A_115 {
          %add3A_116 = arith.constant 1 : i32
          %add3A_117 = arith.addi %scan3A_70, %add3A_116 : i32
          %dma_start3A_118 = arith.constant 0 : i32
          %dma_start3A_119 = tpu.memref_slice %arg7[%add3A_117, %dma_start3A_118] : memref<16x128xi32, #tpu.memory_space<vmem>> -> memref<1x128xi32, #tpu.memory_space<vmem>>
          %dma_start3A_120 = tpu.memref_squeeze %dma_start3A_119 : memref<1x128xi32, #tpu.memory_space<vmem>> -> memref<128xi32, #tpu.memory_space<vmem>>
          %dma_start3A_121 = arith.constant 0 : i32
          %dma_start3A_122 = arith.constant 0 : i32
          %dma_start3A_123 = tpu.memref_slice %arg4[%dma_start3A_121, %dma_start3A_122] : memref<10000x128xf32, #tpu.memory_space<hbm>> -> memref<10000x128xf32, #tpu.memory_space<hbm>>
          tpu.enqueue_indirect_dma source(%dma_start3A_123 : memref<10000x128xf32, #tpu.memory_space<hbm>>) target(%arg10 : memref<128x128xf32, #tpu.memory_space<vmem>>) offsets(%dma_start3A_120 : memref<128xi32, #tpu.memory_space<vmem>>) semaphore(%arg12 : memref<!tpu.dma_semaphore, #tpu.memory_space<semaphore_mem>>)
        } else {
        }
        "tpu.region"() ({
          %run_scoped3A = tpu.sem_alloc : memref<!tpu.dma_semaphore, #tpu.memory_space<semaphore_mem>>
          %dma_start3A_116 = arith.constant 0 : i32
          %dma_start3A_117 = tpu.memref_slice %arg8[%scan3A_70, %dma_start3A_116] : memref<16x128xi32, #tpu.memory_space<vmem>> -> memref<1x128xi32, #tpu.memory_space<vmem>>
          %dma_start3A_118 = tpu.memref_squeeze %dma_start3A_117 : memref<1x128xi32, #tpu.memory_space<vmem>> -> memref<128xi32, #tpu.memory_space<vmem>>
          %dma_start3A_119 = arith.constant 0 : i32
          %dma_start3A_120 = arith.constant 0 : i32
          %dma_start3A_121 = tpu.memref_slice %arg11[%dma_start3A_119, %dma_start3A_120] : memref<10112x128xf32, #tpu.memory_space<vmem_shared>> -> memref<10112x128xf32, #tpu.memory_space<vmem_shared>>
          tpu.enqueue_indirect_dma source(%arg9 : memref<128x128xf32, #tpu.memory_space<vmem>>) target(%dma_start3A_121 : memref<10112x128xf32, #tpu.memory_space<vmem_shared>>) offsets(%dma_start3A_118 : memref<128xi32, #tpu.memory_space<vmem>>) semaphore(%run_scoped3A : memref<!tpu.dma_semaphore, #tpu.memory_space<semaphore_mem>>) {add = true}
          %dma_wait3A_122 = arith.constant 0 : i32
          %dma_wait3A_123 = tpu.memref_slice %arg8[%scan3A_70, %dma_wait3A_122] : memref<16x128xi32, #tpu.memory_space<vmem>> -> memref<1x128xi32, #tpu.memory_space<vmem>>
          %dma_wait3A_124 = tpu.memref_squeeze %dma_wait3A_123 : memref<1x128xi32, #tpu.memory_space<vmem>> -> memref<128xi32, #tpu.memory_space<vmem>>
          %dma_wait3A_125 = arith.constant 0 : i32
          %dma_wait3A_126 = arith.constant 0 : i32
          %dma_wait3A_127 = tpu.memref_slice %arg11[%dma_wait3A_125, %dma_wait3A_126] : memref<10112x128xf32, #tpu.memory_space<vmem_shared>> -> memref<10112x128xf32, #tpu.memory_space<vmem_shared>>
          tpu.wait_indirect_dma semaphore(%run_scoped3A : memref<!tpu.dma_semaphore, #tpu.memory_space<semaphore_mem>>) src(%arg9 : memref<128x128xf32, #tpu.memory_space<vmem>>) dst(%dma_wait3A_127 : memref<10112x128xf32, #tpu.memory_space<vmem_shared>>)
          tpu.yield
        }) : () -> ()
      } else {
      }
      %jit3A_83 = arith.constant 2 : i32
      %eq3A_84 = arith.constant 0 : i32
      %eq3A_85 = arith.cmpi eq, %jit3A_83, %eq3A_84 : i32
      %jit3A_86 = arith.constant 1 : i32
      %select_n3A_87 = arith.select %eq3A_85, %jit3A_86, %jit3A_83 : i32
      %rem3A_88 = arith.remsi %scan3A_70, %select_n3A_87 : i32
      %ne3A_89 = arith.constant 0 : i32
      %ne3A_90 = arith.cmpi ne, %rem3A_88, %ne3A_89 : i32
      %lt3A_91 = arith.constant 0 : i32
      %lt3A_92 = arith.cmpi slt, %rem3A_88, %lt3A_91 : i32
      %lt3A_93 = arith.constant 0 : i32
      %lt3A_94 = arith.cmpi slt, %select_n3A_87, %lt3A_93 : i32
      %ne3A_95 = arith.xori %lt3A_92, %lt3A_94 : i1
      %and3A_96 = arith.andi %ne3A_95, %ne3A_90 : i1
      %add3A_97 = arith.addi %rem3A_88, %select_n3A_87 : i32
      %select_n3A_98 = arith.select %and3A_96, %add3A_97, %rem3A_88 : i32
      %eq3A_99 = arith.constant 1 : i32
      %eq3A_100 = arith.cmpi eq, %select_n3A_98, %eq3A_99 : i32
      %convert_element_type3A_101 = arith.extui %eq3A_100 : i1 to i32
      %cond3A_102 = arith.constant 0 : i32
      %cond3A_103 = arith.cmpi ne, %convert_element_type3A_101, %cond3A_102 : i32
      scf.if %cond3A_103 {
        %dma_wait3A = arith.constant 0 : i32
        %dma_wait3A_104 = tpu.memref_slice %arg7[%scan3A_70, %dma_wait3A] : memref<16x128xi32, #tpu.memory_space<vmem>> -> memref<1x128xi32, #tpu.memory_space<vmem>>
        %dma_wait3A_105 = tpu.memref_squeeze %dma_wait3A_104 : memref<1x128xi32, #tpu.memory_space<vmem>> -> memref<128xi32, #tpu.memory_space<vmem>>
        %dma_wait3A_106 = arith.constant 0 : i32
        %dma_wait3A_107 = arith.constant 0 : i32
        %dma_wait3A_108 = tpu.memref_slice %arg4[%dma_wait3A_106, %dma_wait3A_107] : memref<10000x128xf32, #tpu.memory_space<hbm>> -> memref<10000x128xf32, #tpu.memory_space<hbm>>
        tpu.wait_indirect_dma semaphore(%arg12 : memref<!tpu.dma_semaphore, #tpu.memory_space<semaphore_mem>>) src(%dma_wait3A_108 : memref<10000x128xf32, #tpu.memory_space<hbm>>) dst(%arg10 : memref<128x128xf32, #tpu.memory_space<vmem>>)
        %add3A_109 = arith.constant 1 : i32
        %add3A_110 = arith.addi %scan3A_70, %add3A_109 : i32
        %lt3A_111 = arith.constant 16 : i32
        %lt3A_112 = arith.cmpi slt, %add3A_110, %lt3A_111 : i32
        %convert_element_type3A_113 = arith.extui %lt3A_112 : i1 to i32
        %cond3A_114 = arith.constant 0 : i32
        %cond3A_115 = arith.cmpi ne, %convert_element_type3A_113, %cond3A_114 : i32
        scf.if %cond3A_115 {
          %add3A_116 = arith.constant 1 : i32
          %add3A_117 = arith.addi %scan3A_70, %add3A_116 : i32
          %dma_start3A_118 = arith.constant 0 : i32
          %dma_start3A_119 = tpu.memref_slice %arg7[%add3A_117, %dma_start3A_118] : memref<16x128xi32, #tpu.memory_space<vmem>> -> memref<1x128xi32, #tpu.memory_space<vmem>>
          %dma_start3A_120 = tpu.memref_squeeze %dma_start3A_119 : memref<1x128xi32, #tpu.memory_space<vmem>> -> memref<128xi32, #tpu.memory_space<vmem>>
          %dma_start3A_121 = arith.constant 0 : i32
          %dma_start3A_122 = arith.constant 0 : i32
          %dma_start3A_123 = tpu.memref_slice %arg4[%dma_start3A_121, %dma_start3A_122] : memref<10000x128xf32, #tpu.memory_space<hbm>> -> memref<10000x128xf32, #tpu.memory_space<hbm>>
          tpu.enqueue_indirect_dma source(%dma_start3A_123 : memref<10000x128xf32, #tpu.memory_space<hbm>>) target(%arg9 : memref<128x128xf32, #tpu.memory_space<vmem>>) offsets(%dma_start3A_120 : memref<128xi32, #tpu.memory_space<vmem>>) semaphore(%arg12 : memref<!tpu.dma_semaphore, #tpu.memory_space<semaphore_mem>>)
        } else {
        }
        "tpu.region"() ({
          %run_scoped3A = tpu.sem_alloc : memref<!tpu.dma_semaphore, #tpu.memory_space<semaphore_mem>>
          %dma_start3A_116 = arith.constant 0 : i32
          %dma_start3A_117 = tpu.memref_slice %arg8[%scan3A_70, %dma_start3A_116] : memref<16x128xi32, #tpu.memory_space<vmem>> -> memref<1x128xi32, #tpu.memory_space<vmem>>
          %dma_start3A_118 = tpu.memref_squeeze %dma_start3A_117 : memref<1x128xi32, #tpu.memory_space<vmem>> -> memref<128xi32, #tpu.memory_space<vmem>>
          %dma_start3A_119 = arith.constant 0 : i32
          %dma_start3A_120 = arith.constant 0 : i32
          %dma_start3A_121 = tpu.memref_slice %arg11[%dma_start3A_119, %dma_start3A_120] : memref<10112x128xf32, #tpu.memory_space<vmem_shared>> -> memref<10112x128xf32, #tpu.memory_space<vmem_shared>>
          tpu.enqueue_indirect_dma source(%arg10 : memref<128x128xf32, #tpu.memory_space<vmem>>) target(%dma_start3A_121 : memref<10112x128xf32, #tpu.memory_space<vmem_shared>>) offsets(%dma_start3A_118 : memref<128xi32, #tpu.memory_space<vmem>>) semaphore(%run_scoped3A : memref<!tpu.dma_semaphore, #tpu.memory_space<semaphore_mem>>) {add = true}
          %dma_wait3A_122 = arith.constant 0 : i32
          %dma_wait3A_123 = tpu.memref_slice %arg8[%scan3A_70, %dma_wait3A_122] : memref<16x128xi32, #tpu.memory_space<vmem>> -> memref<1x128xi32, #tpu.memory_space<vmem>>
          %dma_wait3A_124 = tpu.memref_squeeze %dma_wait3A_123 : memref<1x128xi32, #tpu.memory_space<vmem>> -> memref<128xi32, #tpu.memory_space<vmem>>
          %dma_wait3A_125 = arith.constant 0 : i32
          %dma_wait3A_126 = arith.constant 0 : i32
          %dma_wait3A_127 = tpu.memref_slice %arg11[%dma_wait3A_125, %dma_wait3A_126] : memref<10112x128xf32, #tpu.memory_space<vmem_shared>> -> memref<10112x128xf32, #tpu.memory_space<vmem_shared>>
          tpu.wait_indirect_dma semaphore(%run_scoped3A : memref<!tpu.dma_semaphore, #tpu.memory_space<semaphore_mem>>) src(%arg10 : memref<128x128xf32, #tpu.memory_space<vmem>>) dst(%dma_wait3A_127 : memref<10112x128xf32, #tpu.memory_space<vmem_shared>>)
          tpu.yield
        }) : () -> ()
      } else {
      }
    }
    %scan3A_13 = arith.constant 16 : i32
    "tpu.region"() ({
      %run_scoped3A = tpu.sem_alloc : memref<!tpu.dma_semaphore, #tpu.memory_space<semaphore_mem>>
      %dma_start3A_70 = arith.constant 16 : i32
      %dma_start3A_71 = arith.constant 0 : i32
      %dma_start3A_72 = tpu.memref_slice %arg2[%add3A, %dma_start3A_70, %dma_start3A_71] : memref<32x80x128xi32, #tpu.memory_space<hbm>> -> memref<1x16x128xi32, #tpu.memory_space<hbm>>
      %dma_start3A_73 = tpu.memref_squeeze %dma_start3A_72 : memref<1x16x128xi32, #tpu.memory_space<hbm>> -> memref<16x128xi32, #tpu.memory_space<hbm>>
      %dma_start3A_74 = arith.constant 16 : i32
      %dma_start3A_75 = arith.constant 0 : i32
      %dma_start3A_76 = tpu.memref_slice %arg2[%add3A, %dma_start3A_74, %dma_start3A_75] : memref<32x80x128xi32, #tpu.memory_space<hbm>> -> memref<1x16x128xi32, #tpu.memory_space<hbm>>
      %dma_start3A_77 = tpu.memref_squeeze %dma_start3A_76 : memref<1x16x128xi32, #tpu.memory_space<hbm>> -> memref<16x128xi32, #tpu.memory_space<hbm>>
      tpu.enqueue_dma source(%dma_start3A_77 : memref<16x128xi32, #tpu.memory_space<hbm>>) target(%arg7 : memref<16x128xi32, #tpu.memory_space<vmem>>) target_semaphore(%run_scoped3A : memref<!tpu.dma_semaphore, #tpu.memory_space<semaphore_mem>>)
      %dma_wait3A = arith.constant 16 : i32
      %dma_wait3A_78 = arith.constant 0 : i32
      %dma_wait3A_79 = tpu.memref_slice %arg2[%add3A, %dma_wait3A, %dma_wait3A_78] : memref<32x80x128xi32, #tpu.memory_space<hbm>> -> memref<1x16x128xi32, #tpu.memory_space<hbm>>
      %dma_wait3A_80 = tpu.memref_squeeze %dma_wait3A_79 : memref<1x16x128xi32, #tpu.memory_space<hbm>> -> memref<16x128xi32, #tpu.memory_space<hbm>>
      %dma_wait3A_81 = arith.constant 16 : i32
      %dma_wait3A_82 = arith.constant 0 : i32
      %dma_wait3A_83 = tpu.memref_slice %arg2[%add3A, %dma_wait3A_81, %dma_wait3A_82] : memref<32x80x128xi32, #tpu.memory_space<hbm>> -> memref<1x16x128xi32, #tpu.memory_space<hbm>>
      %dma_wait3A_84 = tpu.memref_squeeze %dma_wait3A_83 : memref<1x16x128xi32, #tpu.memory_space<hbm>> -> memref<16x128xi32, #tpu.memory_space<hbm>>
      tpu.wait_dma2 semaphore(%run_scoped3A : memref<!tpu.dma_semaphore, #tpu.memory_space<semaphore_mem>>) src(%dma_wait3A_84 : memref<16x128xi32, #tpu.memory_space<hbm>>) dst(%arg7 : memref<16x128xi32, #tpu.memory_space<vmem>>)
      tpu.yield
    }) : () -> ()
    "tpu.region"() ({
      %run_scoped3A = tpu.sem_alloc : memref<!tpu.dma_semaphore, #tpu.memory_space<semaphore_mem>>
      %dma_start3A_70 = arith.constant 16 : i32
      %dma_start3A_71 = arith.constant 0 : i32
      %dma_start3A_72 = tpu.memref_slice %arg3[%add3A, %dma_start3A_70, %dma_start3A_71] : memref<32x80x128xi32, #tpu.memory_space<hbm>> -> memref<1x16x128xi32, #tpu.memory_space<hbm>>
      %dma_start3A_73 = tpu.memref_squeeze %dma_start3A_72 : memref<1x16x128xi32, #tpu.memory_space<hbm>> -> memref<16x128xi32, #tpu.memory_space<hbm>>
      %dma_start3A_74 = arith.constant 16 : i32
      %dma_start3A_75 = arith.constant 0 : i32
      %dma_start3A_76 = tpu.memref_slice %arg3[%add3A, %dma_start3A_74, %dma_start3A_75] : memref<32x80x128xi32, #tpu.memory_space<hbm>> -> memref<1x16x128xi32, #tpu.memory_space<hbm>>
      %dma_start3A_77 = tpu.memref_squeeze %dma_start3A_76 : memref<1x16x128xi32, #tpu.memory_space<hbm>> -> memref<16x128xi32, #tpu.memory_space<hbm>>
      tpu.enqueue_dma source(%dma_start3A_77 : memref<16x128xi32, #tpu.memory_space<hbm>>) target(%arg8 : memref<16x128xi32, #tpu.memory_space<vmem>>) target_semaphore(%run_scoped3A : memref<!tpu.dma_semaphore, #tpu.memory_space<semaphore_mem>>)
      %dma_wait3A = arith.constant 16 : i32
      %dma_wait3A_78 = arith.constant 0 : i32
      %dma_wait3A_79 = tpu.memref_slice %arg3[%add3A, %dma_wait3A, %dma_wait3A_78] : memref<32x80x128xi32, #tpu.memory_space<hbm>> -> memref<1x16x128xi32, #tpu.memory_space<hbm>>
      %dma_wait3A_80 = tpu.memref_squeeze %dma_wait3A_79 : memref<1x16x128xi32, #tpu.memory_space<hbm>> -> memref<16x128xi32, #tpu.memory_space<hbm>>
      %dma_wait3A_81 = arith.constant 16 : i32
      %dma_wait3A_82 = arith.constant 0 : i32
      %dma_wait3A_83 = tpu.memref_slice %arg3[%add3A, %dma_wait3A_81, %dma_wait3A_82] : memref<32x80x128xi32, #tpu.memory_space<hbm>> -> memref<1x16x128xi32, #tpu.memory_space<hbm>>
      %dma_wait3A_84 = tpu.memref_squeeze %dma_wait3A_83 : memref<1x16x128xi32, #tpu.memory_space<hbm>> -> memref<16x128xi32, #tpu.memory_space<hbm>>
      tpu.wait_dma2 semaphore(%run_scoped3A : memref<!tpu.dma_semaphore, #tpu.memory_space<semaphore_mem>>) src(%dma_wait3A_84 : memref<16x128xi32, #tpu.memory_space<hbm>>) dst(%arg8 : memref<16x128xi32, #tpu.memory_space<vmem>>)
      tpu.yield
    }) : () -> ()
    %dma_start3A_14 = arith.constant 0 : i32
    %dma_start3A_15 = arith.constant 0 : i32
    %dma_start3A_16 = tpu.memref_slice %arg7[%dma_start3A_14, %dma_start3A_15] : memref<16x128xi32, #tpu.memory_space<vmem>> -> memref<1x128xi32, #tpu.memory_space<vmem>>
    %dma_start3A_17 = tpu.memref_squeeze %dma_start3A_16 : memref<1x128xi32, #tpu.memory_space<vmem>> -> memref<128xi32, #tpu.memory_space<vmem>>
    %dma_start3A_18 = arith.constant 0 : i32
    %dma_start3A_19 = arith.constant 0 : i32
    %dma_start3A_20 = tpu.memref_slice %arg4[%dma_start3A_18, %dma_start3A_19] : memref<10000x128xf32, #tpu.memory_space<hbm>> -> memref<10000x128xf32, #tpu.memory_space<hbm>>
    tpu.enqueue_indirect_dma source(%dma_start3A_20 : memref<10000x128xf32, #tpu.memory_space<hbm>>) target(%arg9 : memref<128x128xf32, #tpu.memory_space<vmem>>) offsets(%dma_start3A_17 : memref<128xi32, #tpu.memory_space<vmem>>) semaphore(%arg12 : memref<!tpu.dma_semaphore, #tpu.memory_space<semaphore_mem>>)
    %scan3A_21 = arith.constant 0 : i32
    %scan3A_22 = arith.constant 0 : i32
    %scan3A_23 = arith.constant 16 : i32
    %scan3A_24 = arith.addi %scan3A_22, %scan3A_23 : i32
    %scan3A_25 = arith.constant 1 : i32
    scf.for %scan3A_70 = %scan3A_22 to %scan3A_24 step %scan3A_25  : i32 {
      %jit3A = arith.constant 2 : i32
      %eq3A = arith.constant 0 : i32
      %eq3A_71 = arith.cmpi eq, %jit3A, %eq3A : i32
      %jit3A_72 = arith.constant 1 : i32
      %select_n3A = arith.select %eq3A_71, %jit3A_72, %jit3A : i32
      %rem3A = arith.remsi %scan3A_70, %select_n3A : i32
      %ne3A = arith.constant 0 : i32
      %ne3A_73 = arith.cmpi ne, %rem3A, %ne3A : i32
      %lt3A = arith.constant 0 : i32
      %lt3A_74 = arith.cmpi slt, %rem3A, %lt3A : i32
      %lt3A_75 = arith.constant 0 : i32
      %lt3A_76 = arith.cmpi slt, %select_n3A, %lt3A_75 : i32
      %ne3A_77 = arith.xori %lt3A_74, %lt3A_76 : i1
      %and3A = arith.andi %ne3A_77, %ne3A_73 : i1
      %add3A_78 = arith.addi %rem3A, %select_n3A : i32
      %select_n3A_79 = arith.select %and3A, %add3A_78, %rem3A : i32
      %eq3A_80 = arith.constant 0 : i32
      %eq3A_81 = arith.cmpi eq, %select_n3A_79, %eq3A_80 : i32
      %convert_element_type3A = arith.extui %eq3A_81 : i1 to i32
      %cond3A = arith.constant 0 : i32
      %cond3A_82 = arith.cmpi ne, %convert_element_type3A, %cond3A : i32
      scf.if %cond3A_82 {
        %dma_wait3A = arith.constant 0 : i32
        %dma_wait3A_104 = tpu.memref_slice %arg7[%scan3A_70, %dma_wait3A] : memref<16x128xi32, #tpu.memory_space<vmem>> -> memref<1x128xi32, #tpu.memory_space<vmem>>
        %dma_wait3A_105 = tpu.memref_squeeze %dma_wait3A_104 : memref<1x128xi32, #tpu.memory_space<vmem>> -> memref<128xi32, #tpu.memory_space<vmem>>
        %dma_wait3A_106 = arith.constant 0 : i32
        %dma_wait3A_107 = arith.constant 0 : i32
        %dma_wait3A_108 = tpu.memref_slice %arg4[%dma_wait3A_106, %dma_wait3A_107] : memref<10000x128xf32, #tpu.memory_space<hbm>> -> memref<10000x128xf32, #tpu.memory_space<hbm>>
        tpu.wait_indirect_dma semaphore(%arg12 : memref<!tpu.dma_semaphore, #tpu.memory_space<semaphore_mem>>) src(%dma_wait3A_108 : memref<10000x128xf32, #tpu.memory_space<hbm>>) dst(%arg9 : memref<128x128xf32, #tpu.memory_space<vmem>>)
        %add3A_109 = arith.constant 1 : i32
        %add3A_110 = arith.addi %scan3A_70, %add3A_109 : i32
        %lt3A_111 = arith.constant 16 : i32
        %lt3A_112 = arith.cmpi slt, %add3A_110, %lt3A_111 : i32
        %convert_element_type3A_113 = arith.extui %lt3A_112 : i1 to i32
        %cond3A_114 = arith.constant 0 : i32
        %cond3A_115 = arith.cmpi ne, %convert_element_type3A_113, %cond3A_114 : i32
        scf.if %cond3A_115 {
          %add3A_116 = arith.constant 1 : i32
          %add3A_117 = arith.addi %scan3A_70, %add3A_116 : i32
          %dma_start3A_118 = arith.constant 0 : i32
          %dma_start3A_119 = tpu.memref_slice %arg7[%add3A_117, %dma_start3A_118] : memref<16x128xi32, #tpu.memory_space<vmem>> -> memref<1x128xi32, #tpu.memory_space<vmem>>
          %dma_start3A_120 = tpu.memref_squeeze %dma_start3A_119 : memref<1x128xi32, #tpu.memory_space<vmem>> -> memref<128xi32, #tpu.memory_space<vmem>>
          %dma_start3A_121 = arith.constant 0 : i32
          %dma_start3A_122 = arith.constant 0 : i32
          %dma_start3A_123 = tpu.memref_slice %arg4[%dma_start3A_121, %dma_start3A_122] : memref<10000x128xf32, #tpu.memory_space<hbm>> -> memref<10000x128xf32, #tpu.memory_space<hbm>>
          tpu.enqueue_indirect_dma source(%dma_start3A_123 : memref<10000x128xf32, #tpu.memory_space<hbm>>) target(%arg10 : memref<128x128xf32, #tpu.memory_space<vmem>>) offsets(%dma_start3A_120 : memref<128xi32, #tpu.memory_space<vmem>>) semaphore(%arg12 : memref<!tpu.dma_semaphore, #tpu.memory_space<semaphore_mem>>)
        } else {
        }
        "tpu.region"() ({
          %run_scoped3A = tpu.sem_alloc : memref<!tpu.dma_semaphore, #tpu.memory_space<semaphore_mem>>
          %dma_start3A_116 = arith.constant 0 : i32
          %dma_start3A_117 = tpu.memref_slice %arg8[%scan3A_70, %dma_start3A_116] : memref<16x128xi32, #tpu.memory_space<vmem>> -> memref<1x128xi32, #tpu.memory_space<vmem>>
          %dma_start3A_118 = tpu.memref_squeeze %dma_start3A_117 : memref<1x128xi32, #tpu.memory_space<vmem>> -> memref<128xi32, #tpu.memory_space<vmem>>
          %dma_start3A_119 = arith.constant 0 : i32
          %dma_start3A_120 = arith.constant 0 : i32
          %dma_start3A_121 = tpu.memref_slice %arg11[%dma_start3A_119, %dma_start3A_120] : memref<10112x128xf32, #tpu.memory_space<vmem_shared>> -> memref<10112x128xf32, #tpu.memory_space<vmem_shared>>
          tpu.enqueue_indirect_dma source(%arg9 : memref<128x128xf32, #tpu.memory_space<vmem>>) target(%dma_start3A_121 : memref<10112x128xf32, #tpu.memory_space<vmem_shared>>) offsets(%dma_start3A_118 : memref<128xi32, #tpu.memory_space<vmem>>) semaphore(%run_scoped3A : memref<!tpu.dma_semaphore, #tpu.memory_space<semaphore_mem>>) {add = true}
          %dma_wait3A_122 = arith.constant 0 : i32
          %dma_wait3A_123 = tpu.memref_slice %arg8[%scan3A_70, %dma_wait3A_122] : memref<16x128xi32, #tpu.memory_space<vmem>> -> memref<1x128xi32, #tpu.memory_space<vmem>>
          %dma_wait3A_124 = tpu.memref_squeeze %dma_wait3A_123 : memref<1x128xi32, #tpu.memory_space<vmem>> -> memref<128xi32, #tpu.memory_space<vmem>>
          %dma_wait3A_125 = arith.constant 0 : i32
          %dma_wait3A_126 = arith.constant 0 : i32
          %dma_wait3A_127 = tpu.memref_slice %arg11[%dma_wait3A_125, %dma_wait3A_126] : memref<10112x128xf32, #tpu.memory_space<vmem_shared>> -> memref<10112x128xf32, #tpu.memory_space<vmem_shared>>
          tpu.wait_indirect_dma semaphore(%run_scoped3A : memref<!tpu.dma_semaphore, #tpu.memory_space<semaphore_mem>>) src(%arg9 : memref<128x128xf32, #tpu.memory_space<vmem>>) dst(%dma_wait3A_127 : memref<10112x128xf32, #tpu.memory_space<vmem_shared>>)
          tpu.yield
        }) : () -> ()
      } else {
      }
      %jit3A_83 = arith.constant 2 : i32
      %eq3A_84 = arith.constant 0 : i32
      %eq3A_85 = arith.cmpi eq, %jit3A_83, %eq3A_84 : i32
      %jit3A_86 = arith.constant 1 : i32
      %select_n3A_87 = arith.select %eq3A_85, %jit3A_86, %jit3A_83 : i32
      %rem3A_88 = arith.remsi %scan3A_70, %select_n3A_87 : i32
      %ne3A_89 = arith.constant 0 : i32
      %ne3A_90 = arith.cmpi ne, %rem3A_88, %ne3A_89 : i32
      %lt3A_91 = arith.constant 0 : i32
      %lt3A_92 = arith.cmpi slt, %rem3A_88, %lt3A_91 : i32
      %lt3A_93 = arith.constant 0 : i32
      %lt3A_94 = arith.cmpi slt, %select_n3A_87, %lt3A_93 : i32
      %ne3A_95 = arith.xori %lt3A_92, %lt3A_94 : i1
      %and3A_96 = arith.andi %ne3A_95, %ne3A_90 : i1
      %add3A_97 = arith.addi %rem3A_88, %select_n3A_87 : i32
      %select_n3A_98 = arith.select %and3A_96, %add3A_97, %rem3A_88 : i32
      %eq3A_99 = arith.constant 1 : i32
      %eq3A_100 = arith.cmpi eq, %select_n3A_98, %eq3A_99 : i32
      %convert_element_type3A_101 = arith.extui %eq3A_100 : i1 to i32
      %cond3A_102 = arith.constant 0 : i32
      %cond3A_103 = arith.cmpi ne, %convert_element_type3A_101, %cond3A_102 : i32
      scf.if %cond3A_103 {
        %dma_wait3A = arith.constant 0 : i32
        %dma_wait3A_104 = tpu.memref_slice %arg7[%scan3A_70, %dma_wait3A] : memref<16x128xi32, #tpu.memory_space<vmem>> -> memref<1x128xi32, #tpu.memory_space<vmem>>
        %dma_wait3A_105 = tpu.memref_squeeze %dma_wait3A_104 : memref<1x128xi32, #tpu.memory_space<vmem>> -> memref<128xi32, #tpu.memory_space<vmem>>
        %dma_wait3A_106 = arith.constant 0 : i32
        %dma_wait3A_107 = arith.constant 0 : i32
        %dma_wait3A_108 = tpu.memref_slice %arg4[%dma_wait3A_106, %dma_wait3A_107] : memref<10000x128xf32, #tpu.memory_space<hbm>> -> memref<10000x128xf32, #tpu.memory_space<hbm>>
        tpu.wait_indirect_dma semaphore(%arg12 : memref<!tpu.dma_semaphore, #tpu.memory_space<semaphore_mem>>) src(%dma_wait3A_108 : memref<10000x128xf32, #tpu.memory_space<hbm>>) dst(%arg10 : memref<128x128xf32, #tpu.memory_space<vmem>>)
        %add3A_109 = arith.constant 1 : i32
        %add3A_110 = arith.addi %scan3A_70, %add3A_109 : i32
        %lt3A_111 = arith.constant 16 : i32
        %lt3A_112 = arith.cmpi slt, %add3A_110, %lt3A_111 : i32
        %convert_element_type3A_113 = arith.extui %lt3A_112 : i1 to i32
        %cond3A_114 = arith.constant 0 : i32
        %cond3A_115 = arith.cmpi ne, %convert_element_type3A_113, %cond3A_114 : i32
        scf.if %cond3A_115 {
          %add3A_116 = arith.constant 1 : i32
          %add3A_117 = arith.addi %scan3A_70, %add3A_116 : i32
          %dma_start3A_118 = arith.constant 0 : i32
          %dma_start3A_119 = tpu.memref_slice %arg7[%add3A_117, %dma_start3A_118] : memref<16x128xi32, #tpu.memory_space<vmem>> -> memref<1x128xi32, #tpu.memory_space<vmem>>
          %dma_start3A_120 = tpu.memref_squeeze %dma_start3A_119 : memref<1x128xi32, #tpu.memory_space<vmem>> -> memref<128xi32, #tpu.memory_space<vmem>>
          %dma_start3A_121 = arith.constant 0 : i32
          %dma_start3A_122 = arith.constant 0 : i32
          %dma_start3A_123 = tpu.memref_slice %arg4[%dma_start3A_121, %dma_start3A_122] : memref<10000x128xf32, #tpu.memory_space<hbm>> -> memref<10000x128xf32, #tpu.memory_space<hbm>>
          tpu.enqueue_indirect_dma source(%dma_start3A_123 : memref<10000x128xf32, #tpu.memory_space<hbm>>) target(%arg9 : memref<128x128xf32, #tpu.memory_space<vmem>>) offsets(%dma_start3A_120 : memref<128xi32, #tpu.memory_space<vmem>>) semaphore(%arg12 : memref<!tpu.dma_semaphore, #tpu.memory_space<semaphore_mem>>)
        } else {
        }
        "tpu.region"() ({
          %run_scoped3A = tpu.sem_alloc : memref<!tpu.dma_semaphore, #tpu.memory_space<semaphore_mem>>
          %dma_start3A_116 = arith.constant 0 : i32
          %dma_start3A_117 = tpu.memref_slice %arg8[%scan3A_70, %dma_start3A_116] : memref<16x128xi32, #tpu.memory_space<vmem>> -> memref<1x128xi32, #tpu.memory_space<vmem>>
          %dma_start3A_118 = tpu.memref_squeeze %dma_start3A_117 : memref<1x128xi32, #tpu.memory_space<vmem>> -> memref<128xi32, #tpu.memory_space<vmem>>
          %dma_start3A_119 = arith.constant 0 : i32
          %dma_start3A_120 = arith.constant 0 : i32
          %dma_start3A_121 = tpu.memref_slice %arg11[%dma_start3A_119, %dma_start3A_120] : memref<10112x128xf32, #tpu.memory_space<vmem_shared>> -> memref<10112x128xf32, #tpu.memory_space<vmem_shared>>
          tpu.enqueue_indirect_dma source(%arg10 : memref<128x128xf32, #tpu.memory_space<vmem>>) target(%dma_start3A_121 : memref<10112x128xf32, #tpu.memory_space<vmem_shared>>) offsets(%dma_start3A_118 : memref<128xi32, #tpu.memory_space<vmem>>) semaphore(%run_scoped3A : memref<!tpu.dma_semaphore, #tpu.memory_space<semaphore_mem>>) {add = true}
          %dma_wait3A_122 = arith.constant 0 : i32
          %dma_wait3A_123 = tpu.memref_slice %arg8[%scan3A_70, %dma_wait3A_122] : memref<16x128xi32, #tpu.memory_space<vmem>> -> memref<1x128xi32, #tpu.memory_space<vmem>>
          %dma_wait3A_124 = tpu.memref_squeeze %dma_wait3A_123 : memref<1x128xi32, #tpu.memory_space<vmem>> -> memref<128xi32, #tpu.memory_space<vmem>>
          %dma_wait3A_125 = arith.constant 0 : i32
          %dma_wait3A_126 = arith.constant 0 : i32
          %dma_wait3A_127 = tpu.memref_slice %arg11[%dma_wait3A_125, %dma_wait3A_126] : memref<10112x128xf32, #tpu.memory_space<vmem_shared>> -> memref<10112x128xf32, #tpu.memory_space<vmem_shared>>
          tpu.wait_indirect_dma semaphore(%run_scoped3A : memref<!tpu.dma_semaphore, #tpu.memory_space<semaphore_mem>>) src(%arg10 : memref<128x128xf32, #tpu.memory_space<vmem>>) dst(%dma_wait3A_127 : memref<10112x128xf32, #tpu.memory_space<vmem_shared>>)
          tpu.yield
        }) : () -> ()
      } else {
      }
    }
    %scan3A_26 = arith.constant 16 : i32
    "tpu.region"() ({
      %run_scoped3A = tpu.sem_alloc : memref<!tpu.dma_semaphore, #tpu.memory_space<semaphore_mem>>
      %dma_start3A_70 = arith.constant 32 : i32
      %dma_start3A_71 = arith.constant 0 : i32
      %dma_start3A_72 = tpu.memref_slice %arg2[%add3A, %dma_start3A_70, %dma_start3A_71] : memref<32x80x128xi32, #tpu.memory_space<hbm>> -> memref<1x16x128xi32, #tpu.memory_space<hbm>>
      %dma_start3A_73 = tpu.memref_squeeze %dma_start3A_72 : memref<1x16x128xi32, #tpu.memory_space<hbm>> -> memref<16x128xi32, #tpu.memory_space<hbm>>
      %dma_start3A_74 = arith.constant 32 : i32
      %dma_start3A_75 = arith.constant 0 : i32
      %dma_start3A_76 = tpu.memref_slice %arg2[%add3A, %dma_start3A_74, %dma_start3A_75] : memref<32x80x128xi32, #tpu.memory_space<hbm>> -> memref<1x16x128xi32, #tpu.memory_space<hbm>>
      %dma_start3A_77 = tpu.memref_squeeze %dma_start3A_76 : memref<1x16x128xi32, #tpu.memory_space<hbm>> -> memref<16x128xi32, #tpu.memory_space<hbm>>
      tpu.enqueue_dma source(%dma_start3A_77 : memref<16x128xi32, #tpu.memory_space<hbm>>) target(%arg7 : memref<16x128xi32, #tpu.memory_space<vmem>>) target_semaphore(%run_scoped3A : memref<!tpu.dma_semaphore, #tpu.memory_space<semaphore_mem>>)
      %dma_wait3A = arith.constant 32 : i32
      %dma_wait3A_78 = arith.constant 0 : i32
      %dma_wait3A_79 = tpu.memref_slice %arg2[%add3A, %dma_wait3A, %dma_wait3A_78] : memref<32x80x128xi32, #tpu.memory_space<hbm>> -> memref<1x16x128xi32, #tpu.memory_space<hbm>>
      %dma_wait3A_80 = tpu.memref_squeeze %dma_wait3A_79 : memref<1x16x128xi32, #tpu.memory_space<hbm>> -> memref<16x128xi32, #tpu.memory_space<hbm>>
      %dma_wait3A_81 = arith.constant 32 : i32
      %dma_wait3A_82 = arith.constant 0 : i32
      %dma_wait3A_83 = tpu.memref_slice %arg2[%add3A, %dma_wait3A_81, %dma_wait3A_82] : memref<32x80x128xi32, #tpu.memory_space<hbm>> -> memref<1x16x128xi32, #tpu.memory_space<hbm>>
      %dma_wait3A_84 = tpu.memref_squeeze %dma_wait3A_83 : memref<1x16x128xi32, #tpu.memory_space<hbm>> -> memref<16x128xi32, #tpu.memory_space<hbm>>
      tpu.wait_dma2 semaphore(%run_scoped3A : memref<!tpu.dma_semaphore, #tpu.memory_space<semaphore_mem>>) src(%dma_wait3A_84 : memref<16x128xi32, #tpu.memory_space<hbm>>) dst(%arg7 : memref<16x128xi32, #tpu.memory_space<vmem>>)
      tpu.yield
    }) : () -> ()
    "tpu.region"() ({
      %run_scoped3A = tpu.sem_alloc : memref<!tpu.dma_semaphore, #tpu.memory_space<semaphore_mem>>
      %dma_start3A_70 = arith.constant 32 : i32
      %dma_start3A_71 = arith.constant 0 : i32
      %dma_start3A_72 = tpu.memref_slice %arg3[%add3A, %dma_start3A_70, %dma_start3A_71] : memref<32x80x128xi32, #tpu.memory_space<hbm>> -> memref<1x16x128xi32, #tpu.memory_space<hbm>>
      %dma_start3A_73 = tpu.memref_squeeze %dma_start3A_72 : memref<1x16x128xi32, #tpu.memory_space<hbm>> -> memref<16x128xi32, #tpu.memory_space<hbm>>
      %dma_start3A_74 = arith.constant 32 : i32
      %dma_start3A_75 = arith.constant 0 : i32
      %dma_start3A_76 = tpu.memref_slice %arg3[%add3A, %dma_start3A_74, %dma_start3A_75] : memref<32x80x128xi32, #tpu.memory_space<hbm>> -> memref<1x16x128xi32, #tpu.memory_space<hbm>>
      %dma_start3A_77 = tpu.memref_squeeze %dma_start3A_76 : memref<1x16x128xi32, #tpu.memory_space<hbm>> -> memref<16x128xi32, #tpu.memory_space<hbm>>
      tpu.enqueue_dma source(%dma_start3A_77 : memref<16x128xi32, #tpu.memory_space<hbm>>) target(%arg8 : memref<16x128xi32, #tpu.memory_space<vmem>>) target_semaphore(%run_scoped3A : memref<!tpu.dma_semaphore, #tpu.memory_space<semaphore_mem>>)
      %dma_wait3A = arith.constant 32 : i32
      %dma_wait3A_78 = arith.constant 0 : i32
      %dma_wait3A_79 = tpu.memref_slice %arg3[%add3A, %dma_wait3A, %dma_wait3A_78] : memref<32x80x128xi32, #tpu.memory_space<hbm>> -> memref<1x16x128xi32, #tpu.memory_space<hbm>>
      %dma_wait3A_80 = tpu.memref_squeeze %dma_wait3A_79 : memref<1x16x128xi32, #tpu.memory_space<hbm>> -> memref<16x128xi32, #tpu.memory_space<hbm>>
      %dma_wait3A_81 = arith.constant 32 : i32
      %dma_wait3A_82 = arith.constant 0 : i32
      %dma_wait3A_83 = tpu.memref_slice %arg3[%add3A, %dma_wait3A_81, %dma_wait3A_82] : memref<32x80x128xi32, #tpu.memory_space<hbm>> -> memref<1x16x128xi32, #tpu.memory_space<hbm>>
      %dma_wait3A_84 = tpu.memref_squeeze %dma_wait3A_83 : memref<1x16x128xi32, #tpu.memory_space<hbm>> -> memref<16x128xi32, #tpu.memory_space<hbm>>
      tpu.wait_dma2 semaphore(%run_scoped3A : memref<!tpu.dma_semaphore, #tpu.memory_space<semaphore_mem>>) src(%dma_wait3A_84 : memref<16x128xi32, #tpu.memory_space<hbm>>) dst(%arg8 : memref<16x128xi32, #tpu.memory_space<vmem>>)
      tpu.yield
    }) : () -> ()
    %dma_start3A_27 = arith.constant 0 : i32
    %dma_start3A_28 = arith.constant 0 : i32
    %dma_start3A_29 = tpu.memref_slice %arg7[%dma_start3A_27, %dma_start3A_28] : memref<16x128xi32, #tpu.memory_space<vmem>> -> memref<1x128xi32, #tpu.memory_space<vmem>>
    %dma_start3A_30 = tpu.memref_squeeze %dma_start3A_29 : memref<1x128xi32, #tpu.memory_space<vmem>> -> memref<128xi32, #tpu.memory_space<vmem>>
    %dma_start3A_31 = arith.constant 0 : i32
    %dma_start3A_32 = arith.constant 0 : i32
    %dma_start3A_33 = tpu.memref_slice %arg4[%dma_start3A_31, %dma_start3A_32] : memref<10000x128xf32, #tpu.memory_space<hbm>> -> memref<10000x128xf32, #tpu.memory_space<hbm>>
    tpu.enqueue_indirect_dma source(%dma_start3A_33 : memref<10000x128xf32, #tpu.memory_space<hbm>>) target(%arg9 : memref<128x128xf32, #tpu.memory_space<vmem>>) offsets(%dma_start3A_30 : memref<128xi32, #tpu.memory_space<vmem>>) semaphore(%arg12 : memref<!tpu.dma_semaphore, #tpu.memory_space<semaphore_mem>>)
    %scan3A_34 = arith.constant 0 : i32
    %scan3A_35 = arith.constant 0 : i32
    %scan3A_36 = arith.constant 16 : i32
    %scan3A_37 = arith.addi %scan3A_35, %scan3A_36 : i32
    %scan3A_38 = arith.constant 1 : i32
    scf.for %scan3A_70 = %scan3A_35 to %scan3A_37 step %scan3A_38  : i32 {
      %jit3A = arith.constant 2 : i32
      %eq3A = arith.constant 0 : i32
      %eq3A_71 = arith.cmpi eq, %jit3A, %eq3A : i32
      %jit3A_72 = arith.constant 1 : i32
      %select_n3A = arith.select %eq3A_71, %jit3A_72, %jit3A : i32
      %rem3A = arith.remsi %scan3A_70, %select_n3A : i32
      %ne3A = arith.constant 0 : i32
      %ne3A_73 = arith.cmpi ne, %rem3A, %ne3A : i32
      %lt3A = arith.constant 0 : i32
      %lt3A_74 = arith.cmpi slt, %rem3A, %lt3A : i32
      %lt3A_75 = arith.constant 0 : i32
      %lt3A_76 = arith.cmpi slt, %select_n3A, %lt3A_75 : i32
      %ne3A_77 = arith.xori %lt3A_74, %lt3A_76 : i1
      %and3A = arith.andi %ne3A_77, %ne3A_73 : i1
      %add3A_78 = arith.addi %rem3A, %select_n3A : i32
      %select_n3A_79 = arith.select %and3A, %add3A_78, %rem3A : i32
      %eq3A_80 = arith.constant 0 : i32
      %eq3A_81 = arith.cmpi eq, %select_n3A_79, %eq3A_80 : i32
      %convert_element_type3A = arith.extui %eq3A_81 : i1 to i32
      %cond3A = arith.constant 0 : i32
      %cond3A_82 = arith.cmpi ne, %convert_element_type3A, %cond3A : i32
      scf.if %cond3A_82 {
        %dma_wait3A = arith.constant 0 : i32
        %dma_wait3A_104 = tpu.memref_slice %arg7[%scan3A_70, %dma_wait3A] : memref<16x128xi32, #tpu.memory_space<vmem>> -> memref<1x128xi32, #tpu.memory_space<vmem>>
        %dma_wait3A_105 = tpu.memref_squeeze %dma_wait3A_104 : memref<1x128xi32, #tpu.memory_space<vmem>> -> memref<128xi32, #tpu.memory_space<vmem>>
        %dma_wait3A_106 = arith.constant 0 : i32
        %dma_wait3A_107 = arith.constant 0 : i32
        %dma_wait3A_108 = tpu.memref_slice %arg4[%dma_wait3A_106, %dma_wait3A_107] : memref<10000x128xf32, #tpu.memory_space<hbm>> -> memref<10000x128xf32, #tpu.memory_space<hbm>>
        tpu.wait_indirect_dma semaphore(%arg12 : memref<!tpu.dma_semaphore, #tpu.memory_space<semaphore_mem>>) src(%dma_wait3A_108 : memref<10000x128xf32, #tpu.memory_space<hbm>>) dst(%arg9 : memref<128x128xf32, #tpu.memory_space<vmem>>)
        %add3A_109 = arith.constant 1 : i32
        %add3A_110 = arith.addi %scan3A_70, %add3A_109 : i32
        %lt3A_111 = arith.constant 16 : i32
        %lt3A_112 = arith.cmpi slt, %add3A_110, %lt3A_111 : i32
        %convert_element_type3A_113 = arith.extui %lt3A_112 : i1 to i32
        %cond3A_114 = arith.constant 0 : i32
        %cond3A_115 = arith.cmpi ne, %convert_element_type3A_113, %cond3A_114 : i32
        scf.if %cond3A_115 {
          %add3A_116 = arith.constant 1 : i32
          %add3A_117 = arith.addi %scan3A_70, %add3A_116 : i32
          %dma_start3A_118 = arith.constant 0 : i32
          %dma_start3A_119 = tpu.memref_slice %arg7[%add3A_117, %dma_start3A_118] : memref<16x128xi32, #tpu.memory_space<vmem>> -> memref<1x128xi32, #tpu.memory_space<vmem>>
          %dma_start3A_120 = tpu.memref_squeeze %dma_start3A_119 : memref<1x128xi32, #tpu.memory_space<vmem>> -> memref<128xi32, #tpu.memory_space<vmem>>
          %dma_start3A_121 = arith.constant 0 : i32
          %dma_start3A_122 = arith.constant 0 : i32
          %dma_start3A_123 = tpu.memref_slice %arg4[%dma_start3A_121, %dma_start3A_122] : memref<10000x128xf32, #tpu.memory_space<hbm>> -> memref<10000x128xf32, #tpu.memory_space<hbm>>
          tpu.enqueue_indirect_dma source(%dma_start3A_123 : memref<10000x128xf32, #tpu.memory_space<hbm>>) target(%arg10 : memref<128x128xf32, #tpu.memory_space<vmem>>) offsets(%dma_start3A_120 : memref<128xi32, #tpu.memory_space<vmem>>) semaphore(%arg12 : memref<!tpu.dma_semaphore, #tpu.memory_space<semaphore_mem>>)
        } else {
        }
        "tpu.region"() ({
          %run_scoped3A = tpu.sem_alloc : memref<!tpu.dma_semaphore, #tpu.memory_space<semaphore_mem>>
          %dma_start3A_116 = arith.constant 0 : i32
          %dma_start3A_117 = tpu.memref_slice %arg8[%scan3A_70, %dma_start3A_116] : memref<16x128xi32, #tpu.memory_space<vmem>> -> memref<1x128xi32, #tpu.memory_space<vmem>>
          %dma_start3A_118 = tpu.memref_squeeze %dma_start3A_117 : memref<1x128xi32, #tpu.memory_space<vmem>> -> memref<128xi32, #tpu.memory_space<vmem>>
          %dma_start3A_119 = arith.constant 0 : i32
          %dma_start3A_120 = arith.constant 0 : i32
          %dma_start3A_121 = tpu.memref_slice %arg11[%dma_start3A_119, %dma_start3A_120] : memref<10112x128xf32, #tpu.memory_space<vmem_shared>> -> memref<10112x128xf32, #tpu.memory_space<vmem_shared>>
          tpu.enqueue_indirect_dma source(%arg9 : memref<128x128xf32, #tpu.memory_space<vmem>>) target(%dma_start3A_121 : memref<10112x128xf32, #tpu.memory_space<vmem_shared>>) offsets(%dma_start3A_118 : memref<128xi32, #tpu.memory_space<vmem>>) semaphore(%run_scoped3A : memref<!tpu.dma_semaphore, #tpu.memory_space<semaphore_mem>>) {add = true}
          %dma_wait3A_122 = arith.constant 0 : i32
          %dma_wait3A_123 = tpu.memref_slice %arg8[%scan3A_70, %dma_wait3A_122] : memref<16x128xi32, #tpu.memory_space<vmem>> -> memref<1x128xi32, #tpu.memory_space<vmem>>
          %dma_wait3A_124 = tpu.memref_squeeze %dma_wait3A_123 : memref<1x128xi32, #tpu.memory_space<vmem>> -> memref<128xi32, #tpu.memory_space<vmem>>
          %dma_wait3A_125 = arith.constant 0 : i32
          %dma_wait3A_126 = arith.constant 0 : i32
          %dma_wait3A_127 = tpu.memref_slice %arg11[%dma_wait3A_125, %dma_wait3A_126] : memref<10112x128xf32, #tpu.memory_space<vmem_shared>> -> memref<10112x128xf32, #tpu.memory_space<vmem_shared>>
          tpu.wait_indirect_dma semaphore(%run_scoped3A : memref<!tpu.dma_semaphore, #tpu.memory_space<semaphore_mem>>) src(%arg9 : memref<128x128xf32, #tpu.memory_space<vmem>>) dst(%dma_wait3A_127 : memref<10112x128xf32, #tpu.memory_space<vmem_shared>>)
          tpu.yield
        }) : () -> ()
      } else {
      }
      %jit3A_83 = arith.constant 2 : i32
      %eq3A_84 = arith.constant 0 : i32
      %eq3A_85 = arith.cmpi eq, %jit3A_83, %eq3A_84 : i32
      %jit3A_86 = arith.constant 1 : i32
      %select_n3A_87 = arith.select %eq3A_85, %jit3A_86, %jit3A_83 : i32
      %rem3A_88 = arith.remsi %scan3A_70, %select_n3A_87 : i32
      %ne3A_89 = arith.constant 0 : i32
      %ne3A_90 = arith.cmpi ne, %rem3A_88, %ne3A_89 : i32
      %lt3A_91 = arith.constant 0 : i32
      %lt3A_92 = arith.cmpi slt, %rem3A_88, %lt3A_91 : i32
      %lt3A_93 = arith.constant 0 : i32
      %lt3A_94 = arith.cmpi slt, %select_n3A_87, %lt3A_93 : i32
      %ne3A_95 = arith.xori %lt3A_92, %lt3A_94 : i1
      %and3A_96 = arith.andi %ne3A_95, %ne3A_90 : i1
      %add3A_97 = arith.addi %rem3A_88, %select_n3A_87 : i32
      %select_n3A_98 = arith.select %and3A_96, %add3A_97, %rem3A_88 : i32
      %eq3A_99 = arith.constant 1 : i32
      %eq3A_100 = arith.cmpi eq, %select_n3A_98, %eq3A_99 : i32
      %convert_element_type3A_101 = arith.extui %eq3A_100 : i1 to i32
      %cond3A_102 = arith.constant 0 : i32
      %cond3A_103 = arith.cmpi ne, %convert_element_type3A_101, %cond3A_102 : i32
      scf.if %cond3A_103 {
        %dma_wait3A = arith.constant 0 : i32
        %dma_wait3A_104 = tpu.memref_slice %arg7[%scan3A_70, %dma_wait3A] : memref<16x128xi32, #tpu.memory_space<vmem>> -> memref<1x128xi32, #tpu.memory_space<vmem>>
        %dma_wait3A_105 = tpu.memref_squeeze %dma_wait3A_104 : memref<1x128xi32, #tpu.memory_space<vmem>> -> memref<128xi32, #tpu.memory_space<vmem>>
        %dma_wait3A_106 = arith.constant 0 : i32
        %dma_wait3A_107 = arith.constant 0 : i32
        %dma_wait3A_108 = tpu.memref_slice %arg4[%dma_wait3A_106, %dma_wait3A_107] : memref<10000x128xf32, #tpu.memory_space<hbm>> -> memref<10000x128xf32, #tpu.memory_space<hbm>>
        tpu.wait_indirect_dma semaphore(%arg12 : memref<!tpu.dma_semaphore, #tpu.memory_space<semaphore_mem>>) src(%dma_wait3A_108 : memref<10000x128xf32, #tpu.memory_space<hbm>>) dst(%arg10 : memref<128x128xf32, #tpu.memory_space<vmem>>)
        %add3A_109 = arith.constant 1 : i32
        %add3A_110 = arith.addi %scan3A_70, %add3A_109 : i32
        %lt3A_111 = arith.constant 16 : i32
        %lt3A_112 = arith.cmpi slt, %add3A_110, %lt3A_111 : i32
        %convert_element_type3A_113 = arith.extui %lt3A_112 : i1 to i32
        %cond3A_114 = arith.constant 0 : i32
        %cond3A_115 = arith.cmpi ne, %convert_element_type3A_113, %cond3A_114 : i32
        scf.if %cond3A_115 {
          %add3A_116 = arith.constant 1 : i32
          %add3A_117 = arith.addi %scan3A_70, %add3A_116 : i32
          %dma_start3A_118 = arith.constant 0 : i32
          %dma_start3A_119 = tpu.memref_slice %arg7[%add3A_117, %dma_start3A_118] : memref<16x128xi32, #tpu.memory_space<vmem>> -> memref<1x128xi32, #tpu.memory_space<vmem>>
          %dma_start3A_120 = tpu.memref_squeeze %dma_start3A_119 : memref<1x128xi32, #tpu.memory_space<vmem>> -> memref<128xi32, #tpu.memory_space<vmem>>
          %dma_start3A_121 = arith.constant 0 : i32
          %dma_start3A_122 = arith.constant 0 : i32
          %dma_start3A_123 = tpu.memref_slice %arg4[%dma_start3A_121, %dma_start3A_122] : memref<10000x128xf32, #tpu.memory_space<hbm>> -> memref<10000x128xf32, #tpu.memory_space<hbm>>
          tpu.enqueue_indirect_dma source(%dma_start3A_123 : memref<10000x128xf32, #tpu.memory_space<hbm>>) target(%arg9 : memref<128x128xf32, #tpu.memory_space<vmem>>) offsets(%dma_start3A_120 : memref<128xi32, #tpu.memory_space<vmem>>) semaphore(%arg12 : memref<!tpu.dma_semaphore, #tpu.memory_space<semaphore_mem>>)
        } else {
        }
        "tpu.region"() ({
          %run_scoped3A = tpu.sem_alloc : memref<!tpu.dma_semaphore, #tpu.memory_space<semaphore_mem>>
          %dma_start3A_116 = arith.constant 0 : i32
          %dma_start3A_117 = tpu.memref_slice %arg8[%scan3A_70, %dma_start3A_116] : memref<16x128xi32, #tpu.memory_space<vmem>> -> memref<1x128xi32, #tpu.memory_space<vmem>>
          %dma_start3A_118 = tpu.memref_squeeze %dma_start3A_117 : memref<1x128xi32, #tpu.memory_space<vmem>> -> memref<128xi32, #tpu.memory_space<vmem>>
          %dma_start3A_119 = arith.constant 0 : i32
          %dma_start3A_120 = arith.constant 0 : i32
          %dma_start3A_121 = tpu.memref_slice %arg11[%dma_start3A_119, %dma_start3A_120] : memref<10112x128xf32, #tpu.memory_space<vmem_shared>> -> memref<10112x128xf32, #tpu.memory_space<vmem_shared>>
          tpu.enqueue_indirect_dma source(%arg10 : memref<128x128xf32, #tpu.memory_space<vmem>>) target(%dma_start3A_121 : memref<10112x128xf32, #tpu.memory_space<vmem_shared>>) offsets(%dma_start3A_118 : memref<128xi32, #tpu.memory_space<vmem>>) semaphore(%run_scoped3A : memref<!tpu.dma_semaphore, #tpu.memory_space<semaphore_mem>>) {add = true}
          %dma_wait3A_122 = arith.constant 0 : i32
          %dma_wait3A_123 = tpu.memref_slice %arg8[%scan3A_70, %dma_wait3A_122] : memref<16x128xi32, #tpu.memory_space<vmem>> -> memref<1x128xi32, #tpu.memory_space<vmem>>
          %dma_wait3A_124 = tpu.memref_squeeze %dma_wait3A_123 : memref<1x128xi32, #tpu.memory_space<vmem>> -> memref<128xi32, #tpu.memory_space<vmem>>
          %dma_wait3A_125 = arith.constant 0 : i32
          %dma_wait3A_126 = arith.constant 0 : i32
          %dma_wait3A_127 = tpu.memref_slice %arg11[%dma_wait3A_125, %dma_wait3A_126] : memref<10112x128xf32, #tpu.memory_space<vmem_shared>> -> memref<10112x128xf32, #tpu.memory_space<vmem_shared>>
          tpu.wait_indirect_dma semaphore(%run_scoped3A : memref<!tpu.dma_semaphore, #tpu.memory_space<semaphore_mem>>) src(%arg10 : memref<128x128xf32, #tpu.memory_space<vmem>>) dst(%dma_wait3A_127 : memref<10112x128xf32, #tpu.memory_space<vmem_shared>>)
          tpu.yield
        }) : () -> ()
      } else {
      }
    }
    %scan3A_39 = arith.constant 16 : i32
    "tpu.region"() ({
      %run_scoped3A = tpu.sem_alloc : memref<!tpu.dma_semaphore, #tpu.memory_space<semaphore_mem>>
      %dma_start3A_70 = arith.constant 48 : i32
      %dma_start3A_71 = arith.constant 0 : i32
      %dma_start3A_72 = tpu.memref_slice %arg2[%add3A, %dma_start3A_70, %dma_start3A_71] : memref<32x80x128xi32, #tpu.memory_space<hbm>> -> memref<1x16x128xi32, #tpu.memory_space<hbm>>
      %dma_start3A_73 = tpu.memref_squeeze %dma_start3A_72 : memref<1x16x128xi32, #tpu.memory_space<hbm>> -> memref<16x128xi32, #tpu.memory_space<hbm>>
      %dma_start3A_74 = arith.constant 48 : i32
      %dma_start3A_75 = arith.constant 0 : i32
      %dma_start3A_76 = tpu.memref_slice %arg2[%add3A, %dma_start3A_74, %dma_start3A_75] : memref<32x80x128xi32, #tpu.memory_space<hbm>> -> memref<1x16x128xi32, #tpu.memory_space<hbm>>
      %dma_start3A_77 = tpu.memref_squeeze %dma_start3A_76 : memref<1x16x128xi32, #tpu.memory_space<hbm>> -> memref<16x128xi32, #tpu.memory_space<hbm>>
      tpu.enqueue_dma source(%dma_start3A_77 : memref<16x128xi32, #tpu.memory_space<hbm>>) target(%arg7 : memref<16x128xi32, #tpu.memory_space<vmem>>) target_semaphore(%run_scoped3A : memref<!tpu.dma_semaphore, #tpu.memory_space<semaphore_mem>>)
      %dma_wait3A = arith.constant 48 : i32
      %dma_wait3A_78 = arith.constant 0 : i32
      %dma_wait3A_79 = tpu.memref_slice %arg2[%add3A, %dma_wait3A, %dma_wait3A_78] : memref<32x80x128xi32, #tpu.memory_space<hbm>> -> memref<1x16x128xi32, #tpu.memory_space<hbm>>
      %dma_wait3A_80 = tpu.memref_squeeze %dma_wait3A_79 : memref<1x16x128xi32, #tpu.memory_space<hbm>> -> memref<16x128xi32, #tpu.memory_space<hbm>>
      %dma_wait3A_81 = arith.constant 48 : i32
      %dma_wait3A_82 = arith.constant 0 : i32
      %dma_wait3A_83 = tpu.memref_slice %arg2[%add3A, %dma_wait3A_81, %dma_wait3A_82] : memref<32x80x128xi32, #tpu.memory_space<hbm>> -> memref<1x16x128xi32, #tpu.memory_space<hbm>>
      %dma_wait3A_84 = tpu.memref_squeeze %dma_wait3A_83 : memref<1x16x128xi32, #tpu.memory_space<hbm>> -> memref<16x128xi32, #tpu.memory_space<hbm>>
      tpu.wait_dma2 semaphore(%run_scoped3A : memref<!tpu.dma_semaphore, #tpu.memory_space<semaphore_mem>>) src(%dma_wait3A_84 : memref<16x128xi32, #tpu.memory_space<hbm>>) dst(%arg7 : memref<16x128xi32, #tpu.memory_space<vmem>>)
      tpu.yield
    }) : () -> ()
    "tpu.region"() ({
      %run_scoped3A = tpu.sem_alloc : memref<!tpu.dma_semaphore, #tpu.memory_space<semaphore_mem>>
      %dma_start3A_70 = arith.constant 48 : i32
      %dma_start3A_71 = arith.constant 0 : i32
      %dma_start3A_72 = tpu.memref_slice %arg3[%add3A, %dma_start3A_70, %dma_start3A_71] : memref<32x80x128xi32, #tpu.memory_space<hbm>> -> memref<1x16x128xi32, #tpu.memory_space<hbm>>
      %dma_start3A_73 = tpu.memref_squeeze %dma_start3A_72 : memref<1x16x128xi32, #tpu.memory_space<hbm>> -> memref<16x128xi32, #tpu.memory_space<hbm>>
      %dma_start3A_74 = arith.constant 48 : i32
      %dma_start3A_75 = arith.constant 0 : i32
      %dma_start3A_76 = tpu.memref_slice %arg3[%add3A, %dma_start3A_74, %dma_start3A_75] : memref<32x80x128xi32, #tpu.memory_space<hbm>> -> memref<1x16x128xi32, #tpu.memory_space<hbm>>
      %dma_start3A_77 = tpu.memref_squeeze %dma_start3A_76 : memref<1x16x128xi32, #tpu.memory_space<hbm>> -> memref<16x128xi32, #tpu.memory_space<hbm>>
      tpu.enqueue_dma source(%dma_start3A_77 : memref<16x128xi32, #tpu.memory_space<hbm>>) target(%arg8 : memref<16x128xi32, #tpu.memory_space<vmem>>) target_semaphore(%run_scoped3A : memref<!tpu.dma_semaphore, #tpu.memory_space<semaphore_mem>>)
      %dma_wait3A = arith.constant 48 : i32
      %dma_wait3A_78 = arith.constant 0 : i32
      %dma_wait3A_79 = tpu.memref_slice %arg3[%add3A, %dma_wait3A, %dma_wait3A_78] : memref<32x80x128xi32, #tpu.memory_space<hbm>> -> memref<1x16x128xi32, #tpu.memory_space<hbm>>
      %dma_wait3A_80 = tpu.memref_squeeze %dma_wait3A_79 : memref<1x16x128xi32, #tpu.memory_space<hbm>> -> memref<16x128xi32, #tpu.memory_space<hbm>>
      %dma_wait3A_81 = arith.constant 48 : i32
      %dma_wait3A_82 = arith.constant 0 : i32
      %dma_wait3A_83 = tpu.memref_slice %arg3[%add3A, %dma_wait3A_81, %dma_wait3A_82] : memref<32x80x128xi32, #tpu.memory_space<hbm>> -> memref<1x16x128xi32, #tpu.memory_space<hbm>>
      %dma_wait3A_84 = tpu.memref_squeeze %dma_wait3A_83 : memref<1x16x128xi32, #tpu.memory_space<hbm>> -> memref<16x128xi32, #tpu.memory_space<hbm>>
      tpu.wait_dma2 semaphore(%run_scoped3A : memref<!tpu.dma_semaphore, #tpu.memory_space<semaphore_mem>>) src(%dma_wait3A_84 : memref<16x128xi32, #tpu.memory_space<hbm>>) dst(%arg8 : memref<16x128xi32, #tpu.memory_space<vmem>>)
      tpu.yield
    }) : () -> ()
    %dma_start3A_40 = arith.constant 0 : i32
    %dma_start3A_41 = arith.constant 0 : i32
    %dma_start3A_42 = tpu.memref_slice %arg7[%dma_start3A_40, %dma_start3A_41] : memref<16x128xi32, #tpu.memory_space<vmem>> -> memref<1x128xi32, #tpu.memory_space<vmem>>
    %dma_start3A_43 = tpu.memref_squeeze %dma_start3A_42 : memref<1x128xi32, #tpu.memory_space<vmem>> -> memref<128xi32, #tpu.memory_space<vmem>>
    %dma_start3A_44 = arith.constant 0 : i32
    %dma_start3A_45 = arith.constant 0 : i32
    %dma_start3A_46 = tpu.memref_slice %arg4[%dma_start3A_44, %dma_start3A_45] : memref<10000x128xf32, #tpu.memory_space<hbm>> -> memref<10000x128xf32, #tpu.memory_space<hbm>>
    tpu.enqueue_indirect_dma source(%dma_start3A_46 : memref<10000x128xf32, #tpu.memory_space<hbm>>) target(%arg9 : memref<128x128xf32, #tpu.memory_space<vmem>>) offsets(%dma_start3A_43 : memref<128xi32, #tpu.memory_space<vmem>>) semaphore(%arg12 : memref<!tpu.dma_semaphore, #tpu.memory_space<semaphore_mem>>)
    %scan3A_47 = arith.constant 0 : i32
    %scan3A_48 = arith.constant 0 : i32
    %scan3A_49 = arith.constant 16 : i32
    %scan3A_50 = arith.addi %scan3A_48, %scan3A_49 : i32
    %scan3A_51 = arith.constant 1 : i32
    scf.for %scan3A_70 = %scan3A_48 to %scan3A_50 step %scan3A_51  : i32 {
      %jit3A = arith.constant 2 : i32
      %eq3A = arith.constant 0 : i32
      %eq3A_71 = arith.cmpi eq, %jit3A, %eq3A : i32
      %jit3A_72 = arith.constant 1 : i32
      %select_n3A = arith.select %eq3A_71, %jit3A_72, %jit3A : i32
      %rem3A = arith.remsi %scan3A_70, %select_n3A : i32
      %ne3A = arith.constant 0 : i32
      %ne3A_73 = arith.cmpi ne, %rem3A, %ne3A : i32
      %lt3A = arith.constant 0 : i32
      %lt3A_74 = arith.cmpi slt, %rem3A, %lt3A : i32
      %lt3A_75 = arith.constant 0 : i32
      %lt3A_76 = arith.cmpi slt, %select_n3A, %lt3A_75 : i32
      %ne3A_77 = arith.xori %lt3A_74, %lt3A_76 : i1
      %and3A = arith.andi %ne3A_77, %ne3A_73 : i1
      %add3A_78 = arith.addi %rem3A, %select_n3A : i32
      %select_n3A_79 = arith.select %and3A, %add3A_78, %rem3A : i32
      %eq3A_80 = arith.constant 0 : i32
      %eq3A_81 = arith.cmpi eq, %select_n3A_79, %eq3A_80 : i32
      %convert_element_type3A = arith.extui %eq3A_81 : i1 to i32
      %cond3A = arith.constant 0 : i32
      %cond3A_82 = arith.cmpi ne, %convert_element_type3A, %cond3A : i32
      scf.if %cond3A_82 {
        %dma_wait3A = arith.constant 0 : i32
        %dma_wait3A_104 = tpu.memref_slice %arg7[%scan3A_70, %dma_wait3A] : memref<16x128xi32, #tpu.memory_space<vmem>> -> memref<1x128xi32, #tpu.memory_space<vmem>>
        %dma_wait3A_105 = tpu.memref_squeeze %dma_wait3A_104 : memref<1x128xi32, #tpu.memory_space<vmem>> -> memref<128xi32, #tpu.memory_space<vmem>>
        %dma_wait3A_106 = arith.constant 0 : i32
        %dma_wait3A_107 = arith.constant 0 : i32
        %dma_wait3A_108 = tpu.memref_slice %arg4[%dma_wait3A_106, %dma_wait3A_107] : memref<10000x128xf32, #tpu.memory_space<hbm>> -> memref<10000x128xf32, #tpu.memory_space<hbm>>
        tpu.wait_indirect_dma semaphore(%arg12 : memref<!tpu.dma_semaphore, #tpu.memory_space<semaphore_mem>>) src(%dma_wait3A_108 : memref<10000x128xf32, #tpu.memory_space<hbm>>) dst(%arg9 : memref<128x128xf32, #tpu.memory_space<vmem>>)
        %add3A_109 = arith.constant 1 : i32
        %add3A_110 = arith.addi %scan3A_70, %add3A_109 : i32
        %lt3A_111 = arith.constant 16 : i32
        %lt3A_112 = arith.cmpi slt, %add3A_110, %lt3A_111 : i32
        %convert_element_type3A_113 = arith.extui %lt3A_112 : i1 to i32
        %cond3A_114 = arith.constant 0 : i32
        %cond3A_115 = arith.cmpi ne, %convert_element_type3A_113, %cond3A_114 : i32
        scf.if %cond3A_115 {
          %add3A_116 = arith.constant 1 : i32
          %add3A_117 = arith.addi %scan3A_70, %add3A_116 : i32
          %dma_start3A_118 = arith.constant 0 : i32
          %dma_start3A_119 = tpu.memref_slice %arg7[%add3A_117, %dma_start3A_118] : memref<16x128xi32, #tpu.memory_space<vmem>> -> memref<1x128xi32, #tpu.memory_space<vmem>>
          %dma_start3A_120 = tpu.memref_squeeze %dma_start3A_119 : memref<1x128xi32, #tpu.memory_space<vmem>> -> memref<128xi32, #tpu.memory_space<vmem>>
          %dma_start3A_121 = arith.constant 0 : i32
          %dma_start3A_122 = arith.constant 0 : i32
          %dma_start3A_123 = tpu.memref_slice %arg4[%dma_start3A_121, %dma_start3A_122] : memref<10000x128xf32, #tpu.memory_space<hbm>> -> memref<10000x128xf32, #tpu.memory_space<hbm>>
          tpu.enqueue_indirect_dma source(%dma_start3A_123 : memref<10000x128xf32, #tpu.memory_space<hbm>>) target(%arg10 : memref<128x128xf32, #tpu.memory_space<vmem>>) offsets(%dma_start3A_120 : memref<128xi32, #tpu.memory_space<vmem>>) semaphore(%arg12 : memref<!tpu.dma_semaphore, #tpu.memory_space<semaphore_mem>>)
        } else {
        }
        "tpu.region"() ({
          %run_scoped3A = tpu.sem_alloc : memref<!tpu.dma_semaphore, #tpu.memory_space<semaphore_mem>>
          %dma_start3A_116 = arith.constant 0 : i32
          %dma_start3A_117 = tpu.memref_slice %arg8[%scan3A_70, %dma_start3A_116] : memref<16x128xi32, #tpu.memory_space<vmem>> -> memref<1x128xi32, #tpu.memory_space<vmem>>
          %dma_start3A_118 = tpu.memref_squeeze %dma_start3A_117 : memref<1x128xi32, #tpu.memory_space<vmem>> -> memref<128xi32, #tpu.memory_space<vmem>>
          %dma_start3A_119 = arith.constant 0 : i32
          %dma_start3A_120 = arith.constant 0 : i32
          %dma_start3A_121 = tpu.memref_slice %arg11[%dma_start3A_119, %dma_start3A_120] : memref<10112x128xf32, #tpu.memory_space<vmem_shared>> -> memref<10112x128xf32, #tpu.memory_space<vmem_shared>>
          tpu.enqueue_indirect_dma source(%arg9 : memref<128x128xf32, #tpu.memory_space<vmem>>) target(%dma_start3A_121 : memref<10112x128xf32, #tpu.memory_space<vmem_shared>>) offsets(%dma_start3A_118 : memref<128xi32, #tpu.memory_space<vmem>>) semaphore(%run_scoped3A : memref<!tpu.dma_semaphore, #tpu.memory_space<semaphore_mem>>) {add = true}
          %dma_wait3A_122 = arith.constant 0 : i32
          %dma_wait3A_123 = tpu.memref_slice %arg8[%scan3A_70, %dma_wait3A_122] : memref<16x128xi32, #tpu.memory_space<vmem>> -> memref<1x128xi32, #tpu.memory_space<vmem>>
          %dma_wait3A_124 = tpu.memref_squeeze %dma_wait3A_123 : memref<1x128xi32, #tpu.memory_space<vmem>> -> memref<128xi32, #tpu.memory_space<vmem>>
          %dma_wait3A_125 = arith.constant 0 : i32
          %dma_wait3A_126 = arith.constant 0 : i32
          %dma_wait3A_127 = tpu.memref_slice %arg11[%dma_wait3A_125, %dma_wait3A_126] : memref<10112x128xf32, #tpu.memory_space<vmem_shared>> -> memref<10112x128xf32, #tpu.memory_space<vmem_shared>>
          tpu.wait_indirect_dma semaphore(%run_scoped3A : memref<!tpu.dma_semaphore, #tpu.memory_space<semaphore_mem>>) src(%arg9 : memref<128x128xf32, #tpu.memory_space<vmem>>) dst(%dma_wait3A_127 : memref<10112x128xf32, #tpu.memory_space<vmem_shared>>)
          tpu.yield
        }) : () -> ()
      } else {
      }
      %jit3A_83 = arith.constant 2 : i32
      %eq3A_84 = arith.constant 0 : i32
      %eq3A_85 = arith.cmpi eq, %jit3A_83, %eq3A_84 : i32
      %jit3A_86 = arith.constant 1 : i32
      %select_n3A_87 = arith.select %eq3A_85, %jit3A_86, %jit3A_83 : i32
      %rem3A_88 = arith.remsi %scan3A_70, %select_n3A_87 : i32
      %ne3A_89 = arith.constant 0 : i32
      %ne3A_90 = arith.cmpi ne, %rem3A_88, %ne3A_89 : i32
      %lt3A_91 = arith.constant 0 : i32
      %lt3A_92 = arith.cmpi slt, %rem3A_88, %lt3A_91 : i32
      %lt3A_93 = arith.constant 0 : i32
      %lt3A_94 = arith.cmpi slt, %select_n3A_87, %lt3A_93 : i32
      %ne3A_95 = arith.xori %lt3A_92, %lt3A_94 : i1
      %and3A_96 = arith.andi %ne3A_95, %ne3A_90 : i1
      %add3A_97 = arith.addi %rem3A_88, %select_n3A_87 : i32
      %select_n3A_98 = arith.select %and3A_96, %add3A_97, %rem3A_88 : i32
      %eq3A_99 = arith.constant 1 : i32
      %eq3A_100 = arith.cmpi eq, %select_n3A_98, %eq3A_99 : i32
      %convert_element_type3A_101 = arith.extui %eq3A_100 : i1 to i32
      %cond3A_102 = arith.constant 0 : i32
      %cond3A_103 = arith.cmpi ne, %convert_element_type3A_101, %cond3A_102 : i32
      scf.if %cond3A_103 {
        %dma_wait3A = arith.constant 0 : i32
        %dma_wait3A_104 = tpu.memref_slice %arg7[%scan3A_70, %dma_wait3A] : memref<16x128xi32, #tpu.memory_space<vmem>> -> memref<1x128xi32, #tpu.memory_space<vmem>>
        %dma_wait3A_105 = tpu.memref_squeeze %dma_wait3A_104 : memref<1x128xi32, #tpu.memory_space<vmem>> -> memref<128xi32, #tpu.memory_space<vmem>>
        %dma_wait3A_106 = arith.constant 0 : i32
        %dma_wait3A_107 = arith.constant 0 : i32
        %dma_wait3A_108 = tpu.memref_slice %arg4[%dma_wait3A_106, %dma_wait3A_107] : memref<10000x128xf32, #tpu.memory_space<hbm>> -> memref<10000x128xf32, #tpu.memory_space<hbm>>
        tpu.wait_indirect_dma semaphore(%arg12 : memref<!tpu.dma_semaphore, #tpu.memory_space<semaphore_mem>>) src(%dma_wait3A_108 : memref<10000x128xf32, #tpu.memory_space<hbm>>) dst(%arg10 : memref<128x128xf32, #tpu.memory_space<vmem>>)
        %add3A_109 = arith.constant 1 : i32
        %add3A_110 = arith.addi %scan3A_70, %add3A_109 : i32
        %lt3A_111 = arith.constant 16 : i32
        %lt3A_112 = arith.cmpi slt, %add3A_110, %lt3A_111 : i32
        %convert_element_type3A_113 = arith.extui %lt3A_112 : i1 to i32
        %cond3A_114 = arith.constant 0 : i32
        %cond3A_115 = arith.cmpi ne, %convert_element_type3A_113, %cond3A_114 : i32
        scf.if %cond3A_115 {
          %add3A_116 = arith.constant 1 : i32
          %add3A_117 = arith.addi %scan3A_70, %add3A_116 : i32
          %dma_start3A_118 = arith.constant 0 : i32
          %dma_start3A_119 = tpu.memref_slice %arg7[%add3A_117, %dma_start3A_118] : memref<16x128xi32, #tpu.memory_space<vmem>> -> memref<1x128xi32, #tpu.memory_space<vmem>>
          %dma_start3A_120 = tpu.memref_squeeze %dma_start3A_119 : memref<1x128xi32, #tpu.memory_space<vmem>> -> memref<128xi32, #tpu.memory_space<vmem>>
          %dma_start3A_121 = arith.constant 0 : i32
          %dma_start3A_122 = arith.constant 0 : i32
          %dma_start3A_123 = tpu.memref_slice %arg4[%dma_start3A_121, %dma_start3A_122] : memref<10000x128xf32, #tpu.memory_space<hbm>> -> memref<10000x128xf32, #tpu.memory_space<hbm>>
          tpu.enqueue_indirect_dma source(%dma_start3A_123 : memref<10000x128xf32, #tpu.memory_space<hbm>>) target(%arg9 : memref<128x128xf32, #tpu.memory_space<vmem>>) offsets(%dma_start3A_120 : memref<128xi32, #tpu.memory_space<vmem>>) semaphore(%arg12 : memref<!tpu.dma_semaphore, #tpu.memory_space<semaphore_mem>>)
        } else {
        }
        "tpu.region"() ({
          %run_scoped3A = tpu.sem_alloc : memref<!tpu.dma_semaphore, #tpu.memory_space<semaphore_mem>>
          %dma_start3A_116 = arith.constant 0 : i32
          %dma_start3A_117 = tpu.memref_slice %arg8[%scan3A_70, %dma_start3A_116] : memref<16x128xi32, #tpu.memory_space<vmem>> -> memref<1x128xi32, #tpu.memory_space<vmem>>
          %dma_start3A_118 = tpu.memref_squeeze %dma_start3A_117 : memref<1x128xi32, #tpu.memory_space<vmem>> -> memref<128xi32, #tpu.memory_space<vmem>>
          %dma_start3A_119 = arith.constant 0 : i32
          %dma_start3A_120 = arith.constant 0 : i32
          %dma_start3A_121 = tpu.memref_slice %arg11[%dma_start3A_119, %dma_start3A_120] : memref<10112x128xf32, #tpu.memory_space<vmem_shared>> -> memref<10112x128xf32, #tpu.memory_space<vmem_shared>>
          tpu.enqueue_indirect_dma source(%arg10 : memref<128x128xf32, #tpu.memory_space<vmem>>) target(%dma_start3A_121 : memref<10112x128xf32, #tpu.memory_space<vmem_shared>>) offsets(%dma_start3A_118 : memref<128xi32, #tpu.memory_space<vmem>>) semaphore(%run_scoped3A : memref<!tpu.dma_semaphore, #tpu.memory_space<semaphore_mem>>) {add = true}
          %dma_wait3A_122 = arith.constant 0 : i32
          %dma_wait3A_123 = tpu.memref_slice %arg8[%scan3A_70, %dma_wait3A_122] : memref<16x128xi32, #tpu.memory_space<vmem>> -> memref<1x128xi32, #tpu.memory_space<vmem>>
          %dma_wait3A_124 = tpu.memref_squeeze %dma_wait3A_123 : memref<1x128xi32, #tpu.memory_space<vmem>> -> memref<128xi32, #tpu.memory_space<vmem>>
          %dma_wait3A_125 = arith.constant 0 : i32
          %dma_wait3A_126 = arith.constant 0 : i32
          %dma_wait3A_127 = tpu.memref_slice %arg11[%dma_wait3A_125, %dma_wait3A_126] : memref<10112x128xf32, #tpu.memory_space<vmem_shared>> -> memref<10112x128xf32, #tpu.memory_space<vmem_shared>>
          tpu.wait_indirect_dma semaphore(%run_scoped3A : memref<!tpu.dma_semaphore, #tpu.memory_space<semaphore_mem>>) src(%arg10 : memref<128x128xf32, #tpu.memory_space<vmem>>) dst(%dma_wait3A_127 : memref<10112x128xf32, #tpu.memory_space<vmem_shared>>)
          tpu.yield
        }) : () -> ()
      } else {
      }
    }
    %scan3A_52 = arith.constant 16 : i32
    "tpu.region"() ({
      %run_scoped3A = tpu.sem_alloc : memref<!tpu.dma_semaphore, #tpu.memory_space<semaphore_mem>>
      %dma_start3A_70 = arith.constant 64 : i32
      %dma_start3A_71 = arith.constant 0 : i32
      %dma_start3A_72 = tpu.memref_slice %arg2[%add3A, %dma_start3A_70, %dma_start3A_71] : memref<32x80x128xi32, #tpu.memory_space<hbm>> -> memref<1x16x128xi32, #tpu.memory_space<hbm>>
      %dma_start3A_73 = tpu.memref_squeeze %dma_start3A_72 : memref<1x16x128xi32, #tpu.memory_space<hbm>> -> memref<16x128xi32, #tpu.memory_space<hbm>>
      %dma_start3A_74 = arith.constant 64 : i32
      %dma_start3A_75 = arith.constant 0 : i32
      %dma_start3A_76 = tpu.memref_slice %arg2[%add3A, %dma_start3A_74, %dma_start3A_75] : memref<32x80x128xi32, #tpu.memory_space<hbm>> -> memref<1x16x128xi32, #tpu.memory_space<hbm>>
      %dma_start3A_77 = tpu.memref_squeeze %dma_start3A_76 : memref<1x16x128xi32, #tpu.memory_space<hbm>> -> memref<16x128xi32, #tpu.memory_space<hbm>>
      tpu.enqueue_dma source(%dma_start3A_77 : memref<16x128xi32, #tpu.memory_space<hbm>>) target(%arg7 : memref<16x128xi32, #tpu.memory_space<vmem>>) target_semaphore(%run_scoped3A : memref<!tpu.dma_semaphore, #tpu.memory_space<semaphore_mem>>)
      %dma_wait3A = arith.constant 64 : i32
      %dma_wait3A_78 = arith.constant 0 : i32
      %dma_wait3A_79 = tpu.memref_slice %arg2[%add3A, %dma_wait3A, %dma_wait3A_78] : memref<32x80x128xi32, #tpu.memory_space<hbm>> -> memref<1x16x128xi32, #tpu.memory_space<hbm>>
      %dma_wait3A_80 = tpu.memref_squeeze %dma_wait3A_79 : memref<1x16x128xi32, #tpu.memory_space<hbm>> -> memref<16x128xi32, #tpu.memory_space<hbm>>
      %dma_wait3A_81 = arith.constant 64 : i32
      %dma_wait3A_82 = arith.constant 0 : i32
      %dma_wait3A_83 = tpu.memref_slice %arg2[%add3A, %dma_wait3A_81, %dma_wait3A_82] : memref<32x80x128xi32, #tpu.memory_space<hbm>> -> memref<1x16x128xi32, #tpu.memory_space<hbm>>
      %dma_wait3A_84 = tpu.memref_squeeze %dma_wait3A_83 : memref<1x16x128xi32, #tpu.memory_space<hbm>> -> memref<16x128xi32, #tpu.memory_space<hbm>>
      tpu.wait_dma2 semaphore(%run_scoped3A : memref<!tpu.dma_semaphore, #tpu.memory_space<semaphore_mem>>) src(%dma_wait3A_84 : memref<16x128xi32, #tpu.memory_space<hbm>>) dst(%arg7 : memref<16x128xi32, #tpu.memory_space<vmem>>)
      tpu.yield
    }) : () -> ()
    "tpu.region"() ({
      %run_scoped3A = tpu.sem_alloc : memref<!tpu.dma_semaphore, #tpu.memory_space<semaphore_mem>>
      %dma_start3A_70 = arith.constant 64 : i32
      %dma_start3A_71 = arith.constant 0 : i32
      %dma_start3A_72 = tpu.memref_slice %arg3[%add3A, %dma_start3A_70, %dma_start3A_71] : memref<32x80x128xi32, #tpu.memory_space<hbm>> -> memref<1x16x128xi32, #tpu.memory_space<hbm>>
      %dma_start3A_73 = tpu.memref_squeeze %dma_start3A_72 : memref<1x16x128xi32, #tpu.memory_space<hbm>> -> memref<16x128xi32, #tpu.memory_space<hbm>>
      %dma_start3A_74 = arith.constant 64 : i32
      %dma_start3A_75 = arith.constant 0 : i32
      %dma_start3A_76 = tpu.memref_slice %arg3[%add3A, %dma_start3A_74, %dma_start3A_75] : memref<32x80x128xi32, #tpu.memory_space<hbm>> -> memref<1x16x128xi32, #tpu.memory_space<hbm>>
      %dma_start3A_77 = tpu.memref_squeeze %dma_start3A_76 : memref<1x16x128xi32, #tpu.memory_space<hbm>> -> memref<16x128xi32, #tpu.memory_space<hbm>>
      tpu.enqueue_dma source(%dma_start3A_77 : memref<16x128xi32, #tpu.memory_space<hbm>>) target(%arg8 : memref<16x128xi32, #tpu.memory_space<vmem>>) target_semaphore(%run_scoped3A : memref<!tpu.dma_semaphore, #tpu.memory_space<semaphore_mem>>)
      %dma_wait3A = arith.constant 64 : i32
      %dma_wait3A_78 = arith.constant 0 : i32
      %dma_wait3A_79 = tpu.memref_slice %arg3[%add3A, %dma_wait3A, %dma_wait3A_78] : memref<32x80x128xi32, #tpu.memory_space<hbm>> -> memref<1x16x128xi32, #tpu.memory_space<hbm>>
      %dma_wait3A_80 = tpu.memref_squeeze %dma_wait3A_79 : memref<1x16x128xi32, #tpu.memory_space<hbm>> -> memref<16x128xi32, #tpu.memory_space<hbm>>
      %dma_wait3A_81 = arith.constant 64 : i32
      %dma_wait3A_82 = arith.constant 0 : i32
      %dma_wait3A_83 = tpu.memref_slice %arg3[%add3A, %dma_wait3A_81, %dma_wait3A_82] : memref<32x80x128xi32, #tpu.memory_space<hbm>> -> memref<1x16x128xi32, #tpu.memory_space<hbm>>
      %dma_wait3A_84 = tpu.memref_squeeze %dma_wait3A_83 : memref<1x16x128xi32, #tpu.memory_space<hbm>> -> memref<16x128xi32, #tpu.memory_space<hbm>>
      tpu.wait_dma2 semaphore(%run_scoped3A : memref<!tpu.dma_semaphore, #tpu.memory_space<semaphore_mem>>) src(%dma_wait3A_84 : memref<16x128xi32, #tpu.memory_space<hbm>>) dst(%arg8 : memref<16x128xi32, #tpu.memory_space<vmem>>)
      tpu.yield
    }) : () -> ()
    %dma_start3A_53 = arith.constant 0 : i32
    %dma_start3A_54 = arith.constant 0 : i32
    %dma_start3A_55 = tpu.memref_slice %arg7[%dma_start3A_53, %dma_start3A_54] : memref<16x128xi32, #tpu.memory_space<vmem>> -> memref<1x128xi32, #tpu.memory_space<vmem>>
    %dma_start3A_56 = tpu.memref_squeeze %dma_start3A_55 : memref<1x128xi32, #tpu.memory_space<vmem>> -> memref<128xi32, #tpu.memory_space<vmem>>
    %dma_start3A_57 = arith.constant 0 : i32
    %dma_start3A_58 = arith.constant 0 : i32
    %dma_start3A_59 = tpu.memref_slice %arg4[%dma_start3A_57, %dma_start3A_58] : memref<10000x128xf32, #tpu.memory_space<hbm>> -> memref<10000x128xf32, #tpu.memory_space<hbm>>
    tpu.enqueue_indirect_dma source(%dma_start3A_59 : memref<10000x128xf32, #tpu.memory_space<hbm>>) target(%arg9 : memref<128x128xf32, #tpu.memory_space<vmem>>) offsets(%dma_start3A_56 : memref<128xi32, #tpu.memory_space<vmem>>) semaphore(%arg12 : memref<!tpu.dma_semaphore, #tpu.memory_space<semaphore_mem>>)
    %scan3A_60 = arith.constant 0 : i32
    %scan3A_61 = arith.constant 0 : i32
    %scan3A_62 = arith.constant 16 : i32
    %scan3A_63 = arith.addi %scan3A_61, %scan3A_62 : i32
    %scan3A_64 = arith.constant 1 : i32
    scf.for %scan3A_70 = %scan3A_61 to %scan3A_63 step %scan3A_64  : i32 {
      %jit3A = arith.constant 2 : i32
      %eq3A = arith.constant 0 : i32
      %eq3A_71 = arith.cmpi eq, %jit3A, %eq3A : i32
      %jit3A_72 = arith.constant 1 : i32
      %select_n3A = arith.select %eq3A_71, %jit3A_72, %jit3A : i32
      %rem3A = arith.remsi %scan3A_70, %select_n3A : i32
      %ne3A = arith.constant 0 : i32
      %ne3A_73 = arith.cmpi ne, %rem3A, %ne3A : i32
      %lt3A = arith.constant 0 : i32
      %lt3A_74 = arith.cmpi slt, %rem3A, %lt3A : i32
      %lt3A_75 = arith.constant 0 : i32
      %lt3A_76 = arith.cmpi slt, %select_n3A, %lt3A_75 : i32
      %ne3A_77 = arith.xori %lt3A_74, %lt3A_76 : i1
      %and3A = arith.andi %ne3A_77, %ne3A_73 : i1
      %add3A_78 = arith.addi %rem3A, %select_n3A : i32
      %select_n3A_79 = arith.select %and3A, %add3A_78, %rem3A : i32
      %eq3A_80 = arith.constant 0 : i32
      %eq3A_81 = arith.cmpi eq, %select_n3A_79, %eq3A_80 : i32
      %convert_element_type3A = arith.extui %eq3A_81 : i1 to i32
      %cond3A = arith.constant 0 : i32
      %cond3A_82 = arith.cmpi ne, %convert_element_type3A, %cond3A : i32
      scf.if %cond3A_82 {
        %dma_wait3A = arith.constant 0 : i32
        %dma_wait3A_104 = tpu.memref_slice %arg7[%scan3A_70, %dma_wait3A] : memref<16x128xi32, #tpu.memory_space<vmem>> -> memref<1x128xi32, #tpu.memory_space<vmem>>
        %dma_wait3A_105 = tpu.memref_squeeze %dma_wait3A_104 : memref<1x128xi32, #tpu.memory_space<vmem>> -> memref<128xi32, #tpu.memory_space<vmem>>
        %dma_wait3A_106 = arith.constant 0 : i32
        %dma_wait3A_107 = arith.constant 0 : i32
        %dma_wait3A_108 = tpu.memref_slice %arg4[%dma_wait3A_106, %dma_wait3A_107] : memref<10000x128xf32, #tpu.memory_space<hbm>> -> memref<10000x128xf32, #tpu.memory_space<hbm>>
        tpu.wait_indirect_dma semaphore(%arg12 : memref<!tpu.dma_semaphore, #tpu.memory_space<semaphore_mem>>) src(%dma_wait3A_108 : memref<10000x128xf32, #tpu.memory_space<hbm>>) dst(%arg9 : memref<128x128xf32, #tpu.memory_space<vmem>>)
        %add3A_109 = arith.constant 1 : i32
        %add3A_110 = arith.addi %scan3A_70, %add3A_109 : i32
        %lt3A_111 = arith.constant 16 : i32
        %lt3A_112 = arith.cmpi slt, %add3A_110, %lt3A_111 : i32
        %convert_element_type3A_113 = arith.extui %lt3A_112 : i1 to i32
        %cond3A_114 = arith.constant 0 : i32
        %cond3A_115 = arith.cmpi ne, %convert_element_type3A_113, %cond3A_114 : i32
        scf.if %cond3A_115 {
          %add3A_116 = arith.constant 1 : i32
          %add3A_117 = arith.addi %scan3A_70, %add3A_116 : i32
          %dma_start3A_118 = arith.constant 0 : i32
          %dma_start3A_119 = tpu.memref_slice %arg7[%add3A_117, %dma_start3A_118] : memref<16x128xi32, #tpu.memory_space<vmem>> -> memref<1x128xi32, #tpu.memory_space<vmem>>
          %dma_start3A_120 = tpu.memref_squeeze %dma_start3A_119 : memref<1x128xi32, #tpu.memory_space<vmem>> -> memref<128xi32, #tpu.memory_space<vmem>>
          %dma_start3A_121 = arith.constant 0 : i32
          %dma_start3A_122 = arith.constant 0 : i32
          %dma_start3A_123 = tpu.memref_slice %arg4[%dma_start3A_121, %dma_start3A_122] : memref<10000x128xf32, #tpu.memory_space<hbm>> -> memref<10000x128xf32, #tpu.memory_space<hbm>>
          tpu.enqueue_indirect_dma source(%dma_start3A_123 : memref<10000x128xf32, #tpu.memory_space<hbm>>) target(%arg10 : memref<128x128xf32, #tpu.memory_space<vmem>>) offsets(%dma_start3A_120 : memref<128xi32, #tpu.memory_space<vmem>>) semaphore(%arg12 : memref<!tpu.dma_semaphore, #tpu.memory_space<semaphore_mem>>)
        } else {
        }
        "tpu.region"() ({
          %run_scoped3A = tpu.sem_alloc : memref<!tpu.dma_semaphore, #tpu.memory_space<semaphore_mem>>
          %dma_start3A_116 = arith.constant 0 : i32
          %dma_start3A_117 = tpu.memref_slice %arg8[%scan3A_70, %dma_start3A_116] : memref<16x128xi32, #tpu.memory_space<vmem>> -> memref<1x128xi32, #tpu.memory_space<vmem>>
          %dma_start3A_118 = tpu.memref_squeeze %dma_start3A_117 : memref<1x128xi32, #tpu.memory_space<vmem>> -> memref<128xi32, #tpu.memory_space<vmem>>
          %dma_start3A_119 = arith.constant 0 : i32
          %dma_start3A_120 = arith.constant 0 : i32
          %dma_start3A_121 = tpu.memref_slice %arg11[%dma_start3A_119, %dma_start3A_120] : memref<10112x128xf32, #tpu.memory_space<vmem_shared>> -> memref<10112x128xf32, #tpu.memory_space<vmem_shared>>
          tpu.enqueue_indirect_dma source(%arg9 : memref<128x128xf32, #tpu.memory_space<vmem>>) target(%dma_start3A_121 : memref<10112x128xf32, #tpu.memory_space<vmem_shared>>) offsets(%dma_start3A_118 : memref<128xi32, #tpu.memory_space<vmem>>) semaphore(%run_scoped3A : memref<!tpu.dma_semaphore, #tpu.memory_space<semaphore_mem>>) {add = true}
          %dma_wait3A_122 = arith.constant 0 : i32
          %dma_wait3A_123 = tpu.memref_slice %arg8[%scan3A_70, %dma_wait3A_122] : memref<16x128xi32, #tpu.memory_space<vmem>> -> memref<1x128xi32, #tpu.memory_space<vmem>>
          %dma_wait3A_124 = tpu.memref_squeeze %dma_wait3A_123 : memref<1x128xi32, #tpu.memory_space<vmem>> -> memref<128xi32, #tpu.memory_space<vmem>>
          %dma_wait3A_125 = arith.constant 0 : i32
          %dma_wait3A_126 = arith.constant 0 : i32
          %dma_wait3A_127 = tpu.memref_slice %arg11[%dma_wait3A_125, %dma_wait3A_126] : memref<10112x128xf32, #tpu.memory_space<vmem_shared>> -> memref<10112x128xf32, #tpu.memory_space<vmem_shared>>
          tpu.wait_indirect_dma semaphore(%run_scoped3A : memref<!tpu.dma_semaphore, #tpu.memory_space<semaphore_mem>>) src(%arg9 : memref<128x128xf32, #tpu.memory_space<vmem>>) dst(%dma_wait3A_127 : memref<10112x128xf32, #tpu.memory_space<vmem_shared>>)
          tpu.yield
        }) : () -> ()
      } else {
      }
      %jit3A_83 = arith.constant 2 : i32
      %eq3A_84 = arith.constant 0 : i32
      %eq3A_85 = arith.cmpi eq, %jit3A_83, %eq3A_84 : i32
      %jit3A_86 = arith.constant 1 : i32
      %select_n3A_87 = arith.select %eq3A_85, %jit3A_86, %jit3A_83 : i32
      %rem3A_88 = arith.remsi %scan3A_70, %select_n3A_87 : i32
      %ne3A_89 = arith.constant 0 : i32
      %ne3A_90 = arith.cmpi ne, %rem3A_88, %ne3A_89 : i32
      %lt3A_91 = arith.constant 0 : i32
      %lt3A_92 = arith.cmpi slt, %rem3A_88, %lt3A_91 : i32
      %lt3A_93 = arith.constant 0 : i32
      %lt3A_94 = arith.cmpi slt, %select_n3A_87, %lt3A_93 : i32
      %ne3A_95 = arith.xori %lt3A_92, %lt3A_94 : i1
      %and3A_96 = arith.andi %ne3A_95, %ne3A_90 : i1
      %add3A_97 = arith.addi %rem3A_88, %select_n3A_87 : i32
      %select_n3A_98 = arith.select %and3A_96, %add3A_97, %rem3A_88 : i32
      %eq3A_99 = arith.constant 1 : i32
      %eq3A_100 = arith.cmpi eq, %select_n3A_98, %eq3A_99 : i32
      %convert_element_type3A_101 = arith.extui %eq3A_100 : i1 to i32
      %cond3A_102 = arith.constant 0 : i32
      %cond3A_103 = arith.cmpi ne, %convert_element_type3A_101, %cond3A_102 : i32
      scf.if %cond3A_103 {
        %dma_wait3A = arith.constant 0 : i32
        %dma_wait3A_104 = tpu.memref_slice %arg7[%scan3A_70, %dma_wait3A] : memref<16x128xi32, #tpu.memory_space<vmem>> -> memref<1x128xi32, #tpu.memory_space<vmem>>
        %dma_wait3A_105 = tpu.memref_squeeze %dma_wait3A_104 : memref<1x128xi32, #tpu.memory_space<vmem>> -> memref<128xi32, #tpu.memory_space<vmem>>
        %dma_wait3A_106 = arith.constant 0 : i32
        %dma_wait3A_107 = arith.constant 0 : i32
        %dma_wait3A_108 = tpu.memref_slice %arg4[%dma_wait3A_106, %dma_wait3A_107] : memref<10000x128xf32, #tpu.memory_space<hbm>> -> memref<10000x128xf32, #tpu.memory_space<hbm>>
        tpu.wait_indirect_dma semaphore(%arg12 : memref<!tpu.dma_semaphore, #tpu.memory_space<semaphore_mem>>) src(%dma_wait3A_108 : memref<10000x128xf32, #tpu.memory_space<hbm>>) dst(%arg10 : memref<128x128xf32, #tpu.memory_space<vmem>>)
        %add3A_109 = arith.constant 1 : i32
        %add3A_110 = arith.addi %scan3A_70, %add3A_109 : i32
        %lt3A_111 = arith.constant 16 : i32
        %lt3A_112 = arith.cmpi slt, %add3A_110, %lt3A_111 : i32
        %convert_element_type3A_113 = arith.extui %lt3A_112 : i1 to i32
        %cond3A_114 = arith.constant 0 : i32
        %cond3A_115 = arith.cmpi ne, %convert_element_type3A_113, %cond3A_114 : i32
        scf.if %cond3A_115 {
          %add3A_116 = arith.constant 1 : i32
          %add3A_117 = arith.addi %scan3A_70, %add3A_116 : i32
          %dma_start3A_118 = arith.constant 0 : i32
          %dma_start3A_119 = tpu.memref_slice %arg7[%add3A_117, %dma_start3A_118] : memref<16x128xi32, #tpu.memory_space<vmem>> -> memref<1x128xi32, #tpu.memory_space<vmem>>
          %dma_start3A_120 = tpu.memref_squeeze %dma_start3A_119 : memref<1x128xi32, #tpu.memory_space<vmem>> -> memref<128xi32, #tpu.memory_space<vmem>>
          %dma_start3A_121 = arith.constant 0 : i32
          %dma_start3A_122 = arith.constant 0 : i32
          %dma_start3A_123 = tpu.memref_slice %arg4[%dma_start3A_121, %dma_start3A_122] : memref<10000x128xf32, #tpu.memory_space<hbm>> -> memref<10000x128xf32, #tpu.memory_space<hbm>>
          tpu.enqueue_indirect_dma source(%dma_start3A_123 : memref<10000x128xf32, #tpu.memory_space<hbm>>) target(%arg9 : memref<128x128xf32, #tpu.memory_space<vmem>>) offsets(%dma_start3A_120 : memref<128xi32, #tpu.memory_space<vmem>>) semaphore(%arg12 : memref<!tpu.dma_semaphore, #tpu.memory_space<semaphore_mem>>)
        } else {
        }
        "tpu.region"() ({
          %run_scoped3A = tpu.sem_alloc : memref<!tpu.dma_semaphore, #tpu.memory_space<semaphore_mem>>
          %dma_start3A_116 = arith.constant 0 : i32
          %dma_start3A_117 = tpu.memref_slice %arg8[%scan3A_70, %dma_start3A_116] : memref<16x128xi32, #tpu.memory_space<vmem>> -> memref<1x128xi32, #tpu.memory_space<vmem>>
          %dma_start3A_118 = tpu.memref_squeeze %dma_start3A_117 : memref<1x128xi32, #tpu.memory_space<vmem>> -> memref<128xi32, #tpu.memory_space<vmem>>
          %dma_start3A_119 = arith.constant 0 : i32
          %dma_start3A_120 = arith.constant 0 : i32
          %dma_start3A_121 = tpu.memref_slice %arg11[%dma_start3A_119, %dma_start3A_120] : memref<10112x128xf32, #tpu.memory_space<vmem_shared>> -> memref<10112x128xf32, #tpu.memory_space<vmem_shared>>
          tpu.enqueue_indirect_dma source(%arg10 : memref<128x128xf32, #tpu.memory_space<vmem>>) target(%dma_start3A_121 : memref<10112x128xf32, #tpu.memory_space<vmem_shared>>) offsets(%dma_start3A_118 : memref<128xi32, #tpu.memory_space<vmem>>) semaphore(%run_scoped3A : memref<!tpu.dma_semaphore, #tpu.memory_space<semaphore_mem>>) {add = true}
          %dma_wait3A_122 = arith.constant 0 : i32
          %dma_wait3A_123 = tpu.memref_slice %arg8[%scan3A_70, %dma_wait3A_122] : memref<16x128xi32, #tpu.memory_space<vmem>> -> memref<1x128xi32, #tpu.memory_space<vmem>>
          %dma_wait3A_124 = tpu.memref_squeeze %dma_wait3A_123 : memref<1x128xi32, #tpu.memory_space<vmem>> -> memref<128xi32, #tpu.memory_space<vmem>>
          %dma_wait3A_125 = arith.constant 0 : i32
          %dma_wait3A_126 = arith.constant 0 : i32
          %dma_wait3A_127 = tpu.memref_slice %arg11[%dma_wait3A_125, %dma_wait3A_126] : memref<10112x128xf32, #tpu.memory_space<vmem_shared>> -> memref<10112x128xf32, #tpu.memory_space<vmem_shared>>
          tpu.wait_indirect_dma semaphore(%run_scoped3A : memref<!tpu.dma_semaphore, #tpu.memory_space<semaphore_mem>>) src(%arg10 : memref<128x128xf32, #tpu.memory_space<vmem>>) dst(%dma_wait3A_127 : memref<10112x128xf32, #tpu.memory_space<vmem_shared>>)
          tpu.yield
        }) : () -> ()
      } else {
      }
    }
    %scan3A_65 = arith.constant 16 : i32
    %barrier3A_66 = arith.constant 0 : index
    tpu.barrier barrier_id(%barrier3A_66)
    %mul3A_67 = arith.constant 10112 : i32
    %mul3A_68 = arith.muli %arg0, %mul3A_67 : i32
    %add3A_69 = arith.addi %mul3A_68, %mul3A_2 : i32
    "tpu.region"() ({
      %run_scoped3A = tpu.sem_alloc : memref<!tpu.dma_semaphore, #tpu.memory_space<semaphore_mem>>
      %dma_start3A_70 = arith.constant 0 : i32
      %dma_start3A_71 = tpu.memref_slice %arg6[%add3A_69, %dma_start3A_70] : memref<20224x128xf32, #tpu.memory_space<hbm>> -> memref<632x128xf32, #tpu.memory_space<hbm>>
      %dma_start3A_72 = arith.constant 0 : i32
      %dma_start3A_73 = tpu.memref_slice %arg11[%mul3A_2, %dma_start3A_72] : memref<10112x128xf32, #tpu.memory_space<vmem_shared>> -> memref<632x128xf32, #tpu.memory_space<vmem_shared>>
      tpu.enqueue_dma source(%dma_start3A_73 : memref<632x128xf32, #tpu.memory_space<vmem_shared>>) target(%dma_start3A_71 : memref<632x128xf32, #tpu.memory_space<hbm>>) target_semaphore(%run_scoped3A : memref<!tpu.dma_semaphore, #tpu.memory_space<semaphore_mem>>)
      %dma_wait3A = arith.constant 0 : i32
      %dma_wait3A_74 = tpu.memref_slice %arg6[%add3A_69, %dma_wait3A] : memref<20224x128xf32, #tpu.memory_space<hbm>> -> memref<632x128xf32, #tpu.memory_space<hbm>>
      %dma_wait3A_75 = arith.constant 0 : i32
      %dma_wait3A_76 = tpu.memref_slice %arg11[%mul3A_2, %dma_wait3A_75] : memref<10112x128xf32, #tpu.memory_space<vmem_shared>> -> memref<632x128xf32, #tpu.memory_space<vmem_shared>>
      tpu.wait_dma2 semaphore(%run_scoped3A : memref<!tpu.dma_semaphore, #tpu.memory_space<semaphore_mem>>) src(%dma_wait3A_76 : memref<632x128xf32, #tpu.memory_space<vmem_shared>>) dst(%dma_wait3A_74 : memref<632x128xf32, #tpu.memory_space<hbm>>)
      tpu.yield
    }) : () -> ()
    return
  }
}

#map = affine_map<(d0, d1) -> (0, 0, 0)>
#map1 = affine_map<(d0, d1) -> (0, 0)>
module attributes {stable_mosaic.version = 14 : i64} {
  func.func @sc_hist(%arg0: i32, %arg1: i32, %arg2: memref<32x80x128xi32, #tpu.memory_space<hbm>>, %arg3: memref<128x16xf32, #tpu.memory_space<hbm>>, %arg4: memref<632x16xf32, #tpu.memory_space<hbm>>, %arg5: memref<20224x16xf32, #tpu.memory_space<hbm>>, %arg6: memref<80x128xi32, #tpu.memory_space<vmem>>, %arg7: memref<128x16xf32, #tpu.memory_space<vmem>>, %arg8: memref<10112x16xf32, #tpu.memory_space<vmem_shared>>, %arg9: memref<!tpu.dma_semaphore, #tpu.memory_space<semaphore_mem>>) attributes {dimension_semantics = [#tpu.dimension_semantics<core_parallel>, #tpu.dimension_semantics<subcore_parallel>], iteration_bounds = array<i64: 2, 16>, scalar_prefetch = 0 : i64, scratch_operands = 4 : i64, tpu.core_type = #tpu.core_type<sc_vector_subcore>, window_params = [{transform_indices = #map}, {transform_indices = #map1}, {transform_indices = #map1}, {transform_indices = #map1}]} {
    %mul3A = arith.constant 16 : i32
    %mul3A_0 = arith.muli %arg0, %mul3A : i32
    %add3A = arith.addi %mul3A_0, %arg1 : i32
    %mul3A_1 = arith.constant 632 : i32
    %mul3A_2 = arith.muli %arg1, %mul3A_1 : i32
    "tpu.region"() ({
      %run_scoped3A = tpu.sem_alloc : memref<!tpu.dma_semaphore, #tpu.memory_space<semaphore_mem>>
      %dma_start3A = arith.constant 0 : i32
      %dma_start3A_18 = arith.constant 0 : i32
      %dma_start3A_19 = tpu.memref_slice %arg2[%add3A, %dma_start3A, %dma_start3A_18] : memref<32x80x128xi32, #tpu.memory_space<hbm>> -> memref<1x80x128xi32, #tpu.memory_space<hbm>>
      %dma_start3A_20 = tpu.memref_squeeze %dma_start3A_19 : memref<1x80x128xi32, #tpu.memory_space<hbm>> -> memref<80x128xi32, #tpu.memory_space<hbm>>
      %dma_start3A_21 = arith.constant 0 : i32
      %dma_start3A_22 = arith.constant 0 : i32
      %dma_start3A_23 = tpu.memref_slice %arg2[%add3A, %dma_start3A_21, %dma_start3A_22] : memref<32x80x128xi32, #tpu.memory_space<hbm>> -> memref<1x80x128xi32, #tpu.memory_space<hbm>>
      %dma_start3A_24 = tpu.memref_squeeze %dma_start3A_23 : memref<1x80x128xi32, #tpu.memory_space<hbm>> -> memref<80x128xi32, #tpu.memory_space<hbm>>
      tpu.enqueue_dma source(%dma_start3A_24 : memref<80x128xi32, #tpu.memory_space<hbm>>) target(%arg6 : memref<80x128xi32, #tpu.memory_space<vmem>>) target_semaphore(%run_scoped3A : memref<!tpu.dma_semaphore, #tpu.memory_space<semaphore_mem>>)
      %dma_wait3A = arith.constant 0 : i32
      %dma_wait3A_25 = arith.constant 0 : i32
      %dma_wait3A_26 = tpu.memref_slice %arg2[%add3A, %dma_wait3A, %dma_wait3A_25] : memref<32x80x128xi32, #tpu.memory_space<hbm>> -> memref<1x80x128xi32, #tpu.memory_space<hbm>>
      %dma_wait3A_27 = tpu.memref_squeeze %dma_wait3A_26 : memref<1x80x128xi32, #tpu.memory_space<hbm>> -> memref<80x128xi32, #tpu.memory_space<hbm>>
      %dma_wait3A_28 = arith.constant 0 : i32
      %dma_wait3A_29 = arith.constant 0 : i32
      %dma_wait3A_30 = tpu.memref_slice %arg2[%add3A, %dma_wait3A_28, %dma_wait3A_29] : memref<32x80x128xi32, #tpu.memory_space<hbm>> -> memref<1x80x128xi32, #tpu.memory_space<hbm>>
      %dma_wait3A_31 = tpu.memref_squeeze %dma_wait3A_30 : memref<1x80x128xi32, #tpu.memory_space<hbm>> -> memref<80x128xi32, #tpu.memory_space<hbm>>
      tpu.wait_dma2 semaphore(%run_scoped3A : memref<!tpu.dma_semaphore, #tpu.memory_space<semaphore_mem>>) src(%dma_wait3A_31 : memref<80x128xi32, #tpu.memory_space<hbm>>) dst(%arg6 : memref<80x128xi32, #tpu.memory_space<vmem>>)
      tpu.yield
    }) : () -> ()
    "tpu.region"() ({
      %run_scoped3A = tpu.sem_alloc : memref<!tpu.dma_semaphore, #tpu.memory_space<semaphore_mem>>
      tpu.enqueue_dma source(%arg3 : memref<128x16xf32, #tpu.memory_space<hbm>>) target(%arg7 : memref<128x16xf32, #tpu.memory_space<vmem>>) target_semaphore(%run_scoped3A : memref<!tpu.dma_semaphore, #tpu.memory_space<semaphore_mem>>)
      tpu.wait_dma2 semaphore(%run_scoped3A : memref<!tpu.dma_semaphore, #tpu.memory_space<semaphore_mem>>) src(%arg3 : memref<128x16xf32, #tpu.memory_space<hbm>>) dst(%arg7 : memref<128x16xf32, #tpu.memory_space<vmem>>)
      tpu.yield
    }) : () -> ()
    "tpu.region"() ({
      %run_scoped3A = tpu.sem_alloc : memref<!tpu.dma_semaphore, #tpu.memory_space<semaphore_mem>>
      %dma_start3A = arith.constant 0 : i32
      %dma_start3A_18 = tpu.memref_slice %arg8[%mul3A_2, %dma_start3A] : memref<10112x16xf32, #tpu.memory_space<vmem_shared>> -> memref<632x16xf32, #tpu.memory_space<vmem_shared>>
      tpu.enqueue_dma source(%arg4 : memref<632x16xf32, #tpu.memory_space<hbm>>) target(%dma_start3A_18 : memref<632x16xf32, #tpu.memory_space<vmem_shared>>) target_semaphore(%run_scoped3A : memref<!tpu.dma_semaphore, #tpu.memory_space<semaphore_mem>>)
      %dma_wait3A = arith.constant 0 : i32
      %dma_wait3A_19 = tpu.memref_slice %arg8[%mul3A_2, %dma_wait3A] : memref<10112x16xf32, #tpu.memory_space<vmem_shared>> -> memref<632x16xf32, #tpu.memory_space<vmem_shared>>
      tpu.wait_dma2 semaphore(%run_scoped3A : memref<!tpu.dma_semaphore, #tpu.memory_space<semaphore_mem>>) src(%arg4 : memref<632x16xf32, #tpu.memory_space<hbm>>) dst(%dma_wait3A_19 : memref<632x16xf32, #tpu.memory_space<vmem_shared>>)
      tpu.yield
    }) : () -> ()
    %barrier3A = arith.constant 0 : index
    tpu.barrier barrier_id(%barrier3A)
    %scan3A = arith.constant 0 : i32
    %scan3A_3 = arith.constant 0 : i32
    %scan3A_4 = arith.constant 80 : i32
    %scan3A_5 = arith.addi %scan3A_3, %scan3A_4 : i32
    %scan3A_6 = arith.constant 1 : i32
    scf.for %scan3A_18 = %scan3A_3 to %scan3A_5 step %scan3A_6  : i32 {
      %dma_start3A = arith.constant 0 : i32
      %dma_start3A_19 = tpu.memref_slice %arg6[%scan3A_18, %dma_start3A] : memref<80x128xi32, #tpu.memory_space<vmem>> -> memref<1x128xi32, #tpu.memory_space<vmem>>
      %dma_start3A_20 = tpu.memref_squeeze %dma_start3A_19 : memref<1x128xi32, #tpu.memory_space<vmem>> -> memref<128xi32, #tpu.memory_space<vmem>>
      %dma_start3A_21 = arith.constant 0 : i32
      %dma_start3A_22 = arith.constant 0 : i32
      %dma_start3A_23 = tpu.memref_slice %arg8[%dma_start3A_21, %dma_start3A_22] : memref<10112x16xf32, #tpu.memory_space<vmem_shared>> -> memref<10112x16xf32, #tpu.memory_space<vmem_shared>>
      tpu.enqueue_indirect_dma source(%arg7 : memref<128x16xf32, #tpu.memory_space<vmem>>) target(%dma_start3A_23 : memref<10112x16xf32, #tpu.memory_space<vmem_shared>>) offsets(%dma_start3A_20 : memref<128xi32, #tpu.memory_space<vmem>>) semaphore(%arg9 : memref<!tpu.dma_semaphore, #tpu.memory_space<semaphore_mem>>) {add = true}
    }
    %scan3A_7 = arith.constant 80 : i32
    %scan3A_8 = arith.constant 0 : i32
    %scan3A_9 = arith.constant 0 : i32
    %scan3A_10 = arith.constant 80 : i32
    %scan3A_11 = arith.addi %scan3A_9, %scan3A_10 : i32
    %scan3A_12 = arith.constant 1 : i32
    scf.for %scan3A_18 = %scan3A_9 to %scan3A_11 step %scan3A_12  : i32 {
      %dma_wait3A = arith.constant 0 : i32
      %dma_wait3A_19 = tpu.memref_slice %arg6[%scan3A_18, %dma_wait3A] : memref<80x128xi32, #tpu.memory_space<vmem>> -> memref<1x128xi32, #tpu.memory_space<vmem>>
      %dma_wait3A_20 = tpu.memref_squeeze %dma_wait3A_19 : memref<1x128xi32, #tpu.memory_space<vmem>> -> memref<128xi32, #tpu.memory_space<vmem>>
      %dma_wait3A_21 = arith.constant 0 : i32
      %dma_wait3A_22 = arith.constant 0 : i32
      %dma_wait3A_23 = tpu.memref_slice %arg8[%dma_wait3A_21, %dma_wait3A_22] : memref<10112x16xf32, #tpu.memory_space<vmem_shared>> -> memref<10112x16xf32, #tpu.memory_space<vmem_shared>>
      tpu.wait_indirect_dma semaphore(%arg9 : memref<!tpu.dma_semaphore, #tpu.memory_space<semaphore_mem>>) src(%arg7 : memref<128x16xf32, #tpu.memory_space<vmem>>) dst(%dma_wait3A_23 : memref<10112x16xf32, #tpu.memory_space<vmem_shared>>)
    }
    %scan3A_13 = arith.constant 80 : i32
    %barrier3A_14 = arith.constant 0 : index
    tpu.barrier barrier_id(%barrier3A_14)
    %mul3A_15 = arith.constant 10112 : i32
    %mul3A_16 = arith.muli %arg0, %mul3A_15 : i32
    %add3A_17 = arith.addi %mul3A_16, %mul3A_2 : i32
    "tpu.region"() ({
      %run_scoped3A = tpu.sem_alloc : memref<!tpu.dma_semaphore, #tpu.memory_space<semaphore_mem>>
      %dma_start3A = arith.constant 0 : i32
      %dma_start3A_18 = tpu.memref_slice %arg5[%add3A_17, %dma_start3A] : memref<20224x16xf32, #tpu.memory_space<hbm>> -> memref<632x16xf32, #tpu.memory_space<hbm>>
      %dma_start3A_19 = arith.constant 0 : i32
      %dma_start3A_20 = tpu.memref_slice %arg8[%mul3A_2, %dma_start3A_19] : memref<10112x16xf32, #tpu.memory_space<vmem_shared>> -> memref<632x16xf32, #tpu.memory_space<vmem_shared>>
      tpu.enqueue_dma source(%dma_start3A_20 : memref<632x16xf32, #tpu.memory_space<vmem_shared>>) target(%dma_start3A_18 : memref<632x16xf32, #tpu.memory_space<hbm>>) target_semaphore(%run_scoped3A : memref<!tpu.dma_semaphore, #tpu.memory_space<semaphore_mem>>)
      %dma_wait3A = arith.constant 0 : i32
      %dma_wait3A_21 = tpu.memref_slice %arg5[%add3A_17, %dma_wait3A] : memref<20224x16xf32, #tpu.memory_space<hbm>> -> memref<632x16xf32, #tpu.memory_space<hbm>>
      %dma_wait3A_22 = arith.constant 0 : i32
      %dma_wait3A_23 = tpu.memref_slice %arg8[%mul3A_2, %dma_wait3A_22] : memref<10112x16xf32, #tpu.memory_space<vmem_shared>> -> memref<632x16xf32, #tpu.memory_space<vmem_shared>>
      tpu.wait_dma2 semaphore(%run_scoped3A : memref<!tpu.dma_semaphore, #tpu.memory_space<semaphore_mem>>) src(%dma_wait3A_23 : memref<632x16xf32, #tpu.memory_space<vmem_shared>>) dst(%dma_wait3A_21 : memref<632x16xf32, #tpu.memory_space<hbm>>)
      tpu.yield
    }) : () -> ()
    return
  }
}

#map = affine_map<(d0, d1) -> (0, 0, 0)>
#map1 = affine_map<(d0, d1) -> (0, 0)>
module attributes {stable_mosaic.version = 14 : i64} {
  func.func @sc_agg(%arg0: i32, %arg1: i32, %arg2: memref<32x80x128xi32, #tpu.memory_space<hbm>>, %arg3: memref<32x80x128xi32, #tpu.memory_space<hbm>>, %arg4: memref<10000x128xf32, #tpu.memory_space<hbm>>, %arg5: memref<632x128xf32, #tpu.memory_space<hbm>>, %arg6: memref<20224x128xf32, #tpu.memory_space<hbm>>, %arg7: memref<16x128xi32, #tpu.memory_space<vmem>>, %arg8: memref<16x128xi32, #tpu.memory_space<vmem>>, %arg9: memref<128x128xf32, #tpu.memory_space<vmem>>, %arg10: memref<128x128xf32, #tpu.memory_space<vmem>>, %arg11: memref<10112x128xf32, #tpu.memory_space<vmem_shared>>, %arg12: memref<!tpu.dma_semaphore, #tpu.memory_space<semaphore_mem>>) attributes {dimension_semantics = [#tpu.dimension_semantics<core_parallel>, #tpu.dimension_semantics<subcore_parallel>], iteration_bounds = array<i64: 2, 16>, scalar_prefetch = 0 : i64, scratch_operands = 6 : i64, tpu.core_type = #tpu.core_type<sc_vector_subcore>, window_params = [{transform_indices = #map}, {transform_indices = #map}, {transform_indices = #map1}, {transform_indices = #map1}, {transform_indices = #map1}]} {
    %mul3A = arith.constant 16 : i32
    %mul3A_0 = arith.muli %arg0, %mul3A : i32
    %add3A = arith.addi %mul3A_0, %arg1 : i32
    %mul3A_1 = arith.constant 632 : i32
    %mul3A_2 = arith.muli %arg1, %mul3A_1 : i32
    "tpu.region"() ({
      %run_scoped3A = tpu.sem_alloc : memref<!tpu.dma_semaphore, #tpu.memory_space<semaphore_mem>>
      %dma_start3A_70 = arith.constant 0 : i32
      %dma_start3A_71 = tpu.memref_slice %arg11[%mul3A_2, %dma_start3A_70] : memref<10112x128xf32, #tpu.memory_space<vmem_shared>> -> memref<632x128xf32, #tpu.memory_space<vmem_shared>>
      tpu.enqueue_dma source(%arg5 : memref<632x128xf32, #tpu.memory_space<hbm>>) target(%dma_start3A_71 : memref<632x128xf32, #tpu.memory_space<vmem_shared>>) target_semaphore(%run_scoped3A : memref<!tpu.dma_semaphore, #tpu.memory_space<semaphore_mem>>)
      %dma_wait3A = arith.constant 0 : i32
      %dma_wait3A_72 = tpu.memref_slice %arg11[%mul3A_2, %dma_wait3A] : memref<10112x128xf32, #tpu.memory_space<vmem_shared>> -> memref<632x128xf32, #tpu.memory_space<vmem_shared>>
      tpu.wait_dma2 semaphore(%run_scoped3A : memref<!tpu.dma_semaphore, #tpu.memory_space<semaphore_mem>>) src(%arg5 : memref<632x128xf32, #tpu.memory_space<hbm>>) dst(%dma_wait3A_72 : memref<632x128xf32, #tpu.memory_space<vmem_shared>>)
      tpu.yield
    }) : () -> ()
    %barrier3A = arith.constant 0 : index
    tpu.barrier barrier_id(%barrier3A)
    "tpu.region"() ({
      %run_scoped3A = tpu.sem_alloc : memref<!tpu.dma_semaphore, #tpu.memory_space<semaphore_mem>>
      %dma_start3A_70 = arith.constant 0 : i32
      %dma_start3A_71 = arith.constant 0 : i32
      %dma_start3A_72 = tpu.memref_slice %arg2[%add3A, %dma_start3A_70, %dma_start3A_71] : memref<32x80x128xi32, #tpu.memory_space<hbm>> -> memref<1x16x128xi32, #tpu.memory_space<hbm>>
      %dma_start3A_73 = tpu.memref_squeeze %dma_start3A_72 : memref<1x16x128xi32, #tpu.memory_space<hbm>> -> memref<16x128xi32, #tpu.memory_space<hbm>>
      %dma_start3A_74 = arith.constant 0 : i32
      %dma_start3A_75 = arith.constant 0 : i32
      %dma_start3A_76 = tpu.memref_slice %arg2[%add3A, %dma_start3A_74, %dma_start3A_75] : memref<32x80x128xi32, #tpu.memory_space<hbm>> -> memref<1x16x128xi32, #tpu.memory_space<hbm>>
      %dma_start3A_77 = tpu.memref_squeeze %dma_start3A_76 : memref<1x16x128xi32, #tpu.memory_space<hbm>> -> memref<16x128xi32, #tpu.memory_space<hbm>>
      tpu.enqueue_dma source(%dma_start3A_77 : memref<16x128xi32, #tpu.memory_space<hbm>>) target(%arg7 : memref<16x128xi32, #tpu.memory_space<vmem>>) target_semaphore(%run_scoped3A : memref<!tpu.dma_semaphore, #tpu.memory_space<semaphore_mem>>)
      %dma_wait3A = arith.constant 0 : i32
      %dma_wait3A_78 = arith.constant 0 : i32
      %dma_wait3A_79 = tpu.memref_slice %arg2[%add3A, %dma_wait3A, %dma_wait3A_78] : memref<32x80x128xi32, #tpu.memory_space<hbm>> -> memref<1x16x128xi32, #tpu.memory_space<hbm>>
      %dma_wait3A_80 = tpu.memref_squeeze %dma_wait3A_79 : memref<1x16x128xi32, #tpu.memory_space<hbm>> -> memref<16x128xi32, #tpu.memory_space<hbm>>
      %dma_wait3A_81 = arith.constant 0 : i32
      %dma_wait3A_82 = arith.constant 0 : i32
      %dma_wait3A_83 = tpu.memref_slice %arg2[%add3A, %dma_wait3A_81, %dma_wait3A_82] : memref<32x80x128xi32, #tpu.memory_space<hbm>> -> memref<1x16x128xi32, #tpu.memory_space<hbm>>
      %dma_wait3A_84 = tpu.memref_squeeze %dma_wait3A_83 : memref<1x16x128xi32, #tpu.memory_space<hbm>> -> memref<16x128xi32, #tpu.memory_space<hbm>>
      tpu.wait_dma2 semaphore(%run_scoped3A : memref<!tpu.dma_semaphore, #tpu.memory_space<semaphore_mem>>) src(%dma_wait3A_84 : memref<16x128xi32, #tpu.memory_space<hbm>>) dst(%arg7 : memref<16x128xi32, #tpu.memory_space<vmem>>)
      tpu.yield
    }) : () -> ()
    "tpu.region"() ({
      %run_scoped3A = tpu.sem_alloc : memref<!tpu.dma_semaphore, #tpu.memory_space<semaphore_mem>>
      %dma_start3A_70 = arith.constant 0 : i32
      %dma_start3A_71 = arith.constant 0 : i32
      %dma_start3A_72 = tpu.memref_slice %arg3[%add3A, %dma_start3A_70, %dma_start3A_71] : memref<32x80x128xi32, #tpu.memory_space<hbm>> -> memref<1x16x128xi32, #tpu.memory_space<hbm>>
      %dma_start3A_73 = tpu.memref_squeeze %dma_start3A_72 : memref<1x16x128xi32, #tpu.memory_space<hbm>> -> memref<16x128xi32, #tpu.memory_space<hbm>>
      %dma_start3A_74 = arith.constant 0 : i32
      %dma_start3A_75 = arith.constant 0 : i32
      %dma_start3A_76 = tpu.memref_slice %arg3[%add3A, %dma_start3A_74, %dma_start3A_75] : memref<32x80x128xi32, #tpu.memory_space<hbm>> -> memref<1x16x128xi32, #tpu.memory_space<hbm>>
      %dma_start3A_77 = tpu.memref_squeeze %dma_start3A_76 : memref<1x16x128xi32, #tpu.memory_space<hbm>> -> memref<16x128xi32, #tpu.memory_space<hbm>>
      tpu.enqueue_dma source(%dma_start3A_77 : memref<16x128xi32, #tpu.memory_space<hbm>>) target(%arg8 : memref<16x128xi32, #tpu.memory_space<vmem>>) target_semaphore(%run_scoped3A : memref<!tpu.dma_semaphore, #tpu.memory_space<semaphore_mem>>)
      %dma_wait3A = arith.constant 0 : i32
      %dma_wait3A_78 = arith.constant 0 : i32
      %dma_wait3A_79 = tpu.memref_slice %arg3[%add3A, %dma_wait3A, %dma_wait3A_78] : memref<32x80x128xi32, #tpu.memory_space<hbm>> -> memref<1x16x128xi32, #tpu.memory_space<hbm>>
      %dma_wait3A_80 = tpu.memref_squeeze %dma_wait3A_79 : memref<1x16x128xi32, #tpu.memory_space<hbm>> -> memref<16x128xi32, #tpu.memory_space<hbm>>
      %dma_wait3A_81 = arith.constant 0 : i32
      %dma_wait3A_82 = arith.constant 0 : i32
      %dma_wait3A_83 = tpu.memref_slice %arg3[%add3A, %dma_wait3A_81, %dma_wait3A_82] : memref<32x80x128xi32, #tpu.memory_space<hbm>> -> memref<1x16x128xi32, #tpu.memory_space<hbm>>
      %dma_wait3A_84 = tpu.memref_squeeze %dma_wait3A_83 : memref<1x16x128xi32, #tpu.memory_space<hbm>> -> memref<16x128xi32, #tpu.memory_space<hbm>>
      tpu.wait_dma2 semaphore(%run_scoped3A : memref<!tpu.dma_semaphore, #tpu.memory_space<semaphore_mem>>) src(%dma_wait3A_84 : memref<16x128xi32, #tpu.memory_space<hbm>>) dst(%arg8 : memref<16x128xi32, #tpu.memory_space<vmem>>)
      tpu.yield
    }) : () -> ()
    %dma_start3A = arith.constant 0 : i32
    %dma_start3A_3 = arith.constant 0 : i32
    %dma_start3A_4 = tpu.memref_slice %arg7[%dma_start3A, %dma_start3A_3] : memref<16x128xi32, #tpu.memory_space<vmem>> -> memref<1x128xi32, #tpu.memory_space<vmem>>
    %dma_start3A_5 = tpu.memref_squeeze %dma_start3A_4 : memref<1x128xi32, #tpu.memory_space<vmem>> -> memref<128xi32, #tpu.memory_space<vmem>>
    %dma_start3A_6 = arith.constant 0 : i32
    %dma_start3A_7 = arith.constant 0 : i32
    %dma_start3A_8 = tpu.memref_slice %arg4[%dma_start3A_6, %dma_start3A_7] : memref<10000x128xf32, #tpu.memory_space<hbm>> -> memref<10000x128xf32, #tpu.memory_space<hbm>>
    tpu.enqueue_indirect_dma source(%dma_start3A_8 : memref<10000x128xf32, #tpu.memory_space<hbm>>) target(%arg9 : memref<128x128xf32, #tpu.memory_space<vmem>>) offsets(%dma_start3A_5 : memref<128xi32, #tpu.memory_space<vmem>>) semaphore(%arg12 : memref<!tpu.dma_semaphore, #tpu.memory_space<semaphore_mem>>)
    %scan3A = arith.constant 0 : i32
    %scan3A_9 = arith.constant 0 : i32
    %scan3A_10 = arith.constant 16 : i32
    %scan3A_11 = arith.addi %scan3A_9, %scan3A_10 : i32
    %scan3A_12 = arith.constant 1 : i32
    scf.for %scan3A_70 = %scan3A_9 to %scan3A_11 step %scan3A_12  : i32 {
      %jit3A = arith.constant 2 : i32
      %eq3A = arith.constant 0 : i32
      %eq3A_71 = arith.cmpi eq, %jit3A, %eq3A : i32
      %jit3A_72 = arith.constant 1 : i32
      %select_n3A = arith.select %eq3A_71, %jit3A_72, %jit3A : i32
      %rem3A = arith.remsi %scan3A_70, %select_n3A : i32
      %ne3A = arith.constant 0 : i32
      %ne3A_73 = arith.cmpi ne, %rem3A, %ne3A : i32
      %lt3A = arith.constant 0 : i32
      %lt3A_74 = arith.cmpi slt, %rem3A, %lt3A : i32
      %lt3A_75 = arith.constant 0 : i32
      %lt3A_76 = arith.cmpi slt, %select_n3A, %lt3A_75 : i32
      %ne3A_77 = arith.xori %lt3A_74, %lt3A_76 : i1
      %and3A = arith.andi %ne3A_77, %ne3A_73 : i1
      %add3A_78 = arith.addi %rem3A, %select_n3A : i32
      %select_n3A_79 = arith.select %and3A, %add3A_78, %rem3A : i32
      %eq3A_80 = arith.constant 0 : i32
      %eq3A_81 = arith.cmpi eq, %select_n3A_79, %eq3A_80 : i32
      %convert_element_type3A = arith.extui %eq3A_81 : i1 to i32
      %cond3A = arith.constant 0 : i32
      %cond3A_82 = arith.cmpi ne, %convert_element_type3A, %cond3A : i32
      scf.if %cond3A_82 {
        %dma_wait3A = arith.constant 0 : i32
        %dma_wait3A_104 = tpu.memref_slice %arg7[%scan3A_70, %dma_wait3A] : memref<16x128xi32, #tpu.memory_space<vmem>> -> memref<1x128xi32, #tpu.memory_space<vmem>>
        %dma_wait3A_105 = tpu.memref_squeeze %dma_wait3A_104 : memref<1x128xi32, #tpu.memory_space<vmem>> -> memref<128xi32, #tpu.memory_space<vmem>>
        %dma_wait3A_106 = arith.constant 0 : i32
        %dma_wait3A_107 = arith.constant 0 : i32
        %dma_wait3A_108 = tpu.memref_slice %arg4[%dma_wait3A_106, %dma_wait3A_107] : memref<10000x128xf32, #tpu.memory_space<hbm>> -> memref<10000x128xf32, #tpu.memory_space<hbm>>
        tpu.wait_indirect_dma semaphore(%arg12 : memref<!tpu.dma_semaphore, #tpu.memory_space<semaphore_mem>>) src(%dma_wait3A_108 : memref<10000x128xf32, #tpu.memory_space<hbm>>) dst(%arg9 : memref<128x128xf32, #tpu.memory_space<vmem>>)
        %add3A_109 = arith.constant 1 : i32
        %add3A_110 = arith.addi %scan3A_70, %add3A_109 : i32
        %lt3A_111 = arith.constant 16 : i32
        %lt3A_112 = arith.cmpi slt, %add3A_110, %lt3A_111 : i32
        %convert_element_type3A_113 = arith.extui %lt3A_112 : i1 to i32
        %cond3A_114 = arith.constant 0 : i32
        %cond3A_115 = arith.cmpi ne, %convert_element_type3A_113, %cond3A_114 : i32
        scf.if %cond3A_115 {
          %add3A_116 = arith.constant 1 : i32
          %add3A_117 = arith.addi %scan3A_70, %add3A_116 : i32
          %dma_start3A_118 = arith.constant 0 : i32
          %dma_start3A_119 = tpu.memref_slice %arg7[%add3A_117, %dma_start3A_118] : memref<16x128xi32, #tpu.memory_space<vmem>> -> memref<1x128xi32, #tpu.memory_space<vmem>>
          %dma_start3A_120 = tpu.memref_squeeze %dma_start3A_119 : memref<1x128xi32, #tpu.memory_space<vmem>> -> memref<128xi32, #tpu.memory_space<vmem>>
          %dma_start3A_121 = arith.constant 0 : i32
          %dma_start3A_122 = arith.constant 0 : i32
          %dma_start3A_123 = tpu.memref_slice %arg4[%dma_start3A_121, %dma_start3A_122] : memref<10000x128xf32, #tpu.memory_space<hbm>> -> memref<10000x128xf32, #tpu.memory_space<hbm>>
          tpu.enqueue_indirect_dma source(%dma_start3A_123 : memref<10000x128xf32, #tpu.memory_space<hbm>>) target(%arg10 : memref<128x128xf32, #tpu.memory_space<vmem>>) offsets(%dma_start3A_120 : memref<128xi32, #tpu.memory_space<vmem>>) semaphore(%arg12 : memref<!tpu.dma_semaphore, #tpu.memory_space<semaphore_mem>>)
        } else {
        }
        "tpu.region"() ({
          %run_scoped3A = tpu.sem_alloc : memref<!tpu.dma_semaphore, #tpu.memory_space<semaphore_mem>>
          %dma_start3A_116 = arith.constant 0 : i32
          %dma_start3A_117 = tpu.memref_slice %arg8[%scan3A_70, %dma_start3A_116] : memref<16x128xi32, #tpu.memory_space<vmem>> -> memref<1x128xi32, #tpu.memory_space<vmem>>
          %dma_start3A_118 = tpu.memref_squeeze %dma_start3A_117 : memref<1x128xi32, #tpu.memory_space<vmem>> -> memref<128xi32, #tpu.memory_space<vmem>>
          %dma_start3A_119 = arith.constant 0 : i32
          %dma_start3A_120 = arith.constant 0 : i32
          %dma_start3A_121 = tpu.memref_slice %arg11[%dma_start3A_119, %dma_start3A_120] : memref<10112x128xf32, #tpu.memory_space<vmem_shared>> -> memref<10112x128xf32, #tpu.memory_space<vmem_shared>>
          tpu.enqueue_indirect_dma source(%arg9 : memref<128x128xf32, #tpu.memory_space<vmem>>) target(%dma_start3A_121 : memref<10112x128xf32, #tpu.memory_space<vmem_shared>>) offsets(%dma_start3A_118 : memref<128xi32, #tpu.memory_space<vmem>>) semaphore(%run_scoped3A : memref<!tpu.dma_semaphore, #tpu.memory_space<semaphore_mem>>) {add = true}
          %dma_wait3A_122 = arith.constant 0 : i32
          %dma_wait3A_123 = tpu.memref_slice %arg8[%scan3A_70, %dma_wait3A_122] : memref<16x128xi32, #tpu.memory_space<vmem>> -> memref<1x128xi32, #tpu.memory_space<vmem>>
          %dma_wait3A_124 = tpu.memref_squeeze %dma_wait3A_123 : memref<1x128xi32, #tpu.memory_space<vmem>> -> memref<128xi32, #tpu.memory_space<vmem>>
          %dma_wait3A_125 = arith.constant 0 : i32
          %dma_wait3A_126 = arith.constant 0 : i32
          %dma_wait3A_127 = tpu.memref_slice %arg11[%dma_wait3A_125, %dma_wait3A_126] : memref<10112x128xf32, #tpu.memory_space<vmem_shared>> -> memref<10112x128xf32, #tpu.memory_space<vmem_shared>>
          tpu.wait_indirect_dma semaphore(%run_scoped3A : memref<!tpu.dma_semaphore, #tpu.memory_space<semaphore_mem>>) src(%arg9 : memref<128x128xf32, #tpu.memory_space<vmem>>) dst(%dma_wait3A_127 : memref<10112x128xf32, #tpu.memory_space<vmem_shared>>)
          tpu.yield
        }) : () -> ()
      } else {
      }
      %jit3A_83 = arith.constant 2 : i32
      %eq3A_84 = arith.constant 0 : i32
      %eq3A_85 = arith.cmpi eq, %jit3A_83, %eq3A_84 : i32
      %jit3A_86 = arith.constant 1 : i32
      %select_n3A_87 = arith.select %eq3A_85, %jit3A_86, %jit3A_83 : i32
      %rem3A_88 = arith.remsi %scan3A_70, %select_n3A_87 : i32
      %ne3A_89 = arith.constant 0 : i32
      %ne3A_90 = arith.cmpi ne, %rem3A_88, %ne3A_89 : i32
      %lt3A_91 = arith.constant 0 : i32
      %lt3A_92 = arith.cmpi slt, %rem3A_88, %lt3A_91 : i32
      %lt3A_93 = arith.constant 0 : i32
      %lt3A_94 = arith.cmpi slt, %select_n3A_87, %lt3A_93 : i32
      %ne3A_95 = arith.xori %lt3A_92, %lt3A_94 : i1
      %and3A_96 = arith.andi %ne3A_95, %ne3A_90 : i1
      %add3A_97 = arith.addi %rem3A_88, %select_n3A_87 : i32
      %select_n3A_98 = arith.select %and3A_96, %add3A_97, %rem3A_88 : i32
      %eq3A_99 = arith.constant 1 : i32
      %eq3A_100 = arith.cmpi eq, %select_n3A_98, %eq3A_99 : i32
      %convert_element_type3A_101 = arith.extui %eq3A_100 : i1 to i32
      %cond3A_102 = arith.constant 0 : i32
      %cond3A_103 = arith.cmpi ne, %convert_element_type3A_101, %cond3A_102 : i32
      scf.if %cond3A_103 {
        %dma_wait3A = arith.constant 0 : i32
        %dma_wait3A_104 = tpu.memref_slice %arg7[%scan3A_70, %dma_wait3A] : memref<16x128xi32, #tpu.memory_space<vmem>> -> memref<1x128xi32, #tpu.memory_space<vmem>>
        %dma_wait3A_105 = tpu.memref_squeeze %dma_wait3A_104 : memref<1x128xi32, #tpu.memory_space<vmem>> -> memref<128xi32, #tpu.memory_space<vmem>>
        %dma_wait3A_106 = arith.constant 0 : i32
        %dma_wait3A_107 = arith.constant 0 : i32
        %dma_wait3A_108 = tpu.memref_slice %arg4[%dma_wait3A_106, %dma_wait3A_107] : memref<10000x128xf32, #tpu.memory_space<hbm>> -> memref<10000x128xf32, #tpu.memory_space<hbm>>
        tpu.wait_indirect_dma semaphore(%arg12 : memref<!tpu.dma_semaphore, #tpu.memory_space<semaphore_mem>>) src(%dma_wait3A_108 : memref<10000x128xf32, #tpu.memory_space<hbm>>) dst(%arg10 : memref<128x128xf32, #tpu.memory_space<vmem>>)
        %add3A_109 = arith.constant 1 : i32
        %add3A_110 = arith.addi %scan3A_70, %add3A_109 : i32
        %lt3A_111 = arith.constant 16 : i32
        %lt3A_112 = arith.cmpi slt, %add3A_110, %lt3A_111 : i32
        %convert_element_type3A_113 = arith.extui %lt3A_112 : i1 to i32
        %cond3A_114 = arith.constant 0 : i32
        %cond3A_115 = arith.cmpi ne, %convert_element_type3A_113, %cond3A_114 : i32
        scf.if %cond3A_115 {
          %add3A_116 = arith.constant 1 : i32
          %add3A_117 = arith.addi %scan3A_70, %add3A_116 : i32
          %dma_start3A_118 = arith.constant 0 : i32
          %dma_start3A_119 = tpu.memref_slice %arg7[%add3A_117, %dma_start3A_118] : memref<16x128xi32, #tpu.memory_space<vmem>> -> memref<1x128xi32, #tpu.memory_space<vmem>>
          %dma_start3A_120 = tpu.memref_squeeze %dma_start3A_119 : memref<1x128xi32, #tpu.memory_space<vmem>> -> memref<128xi32, #tpu.memory_space<vmem>>
          %dma_start3A_121 = arith.constant 0 : i32
          %dma_start3A_122 = arith.constant 0 : i32
          %dma_start3A_123 = tpu.memref_slice %arg4[%dma_start3A_121, %dma_start3A_122] : memref<10000x128xf32, #tpu.memory_space<hbm>> -> memref<10000x128xf32, #tpu.memory_space<hbm>>
          tpu.enqueue_indirect_dma source(%dma_start3A_123 : memref<10000x128xf32, #tpu.memory_space<hbm>>) target(%arg9 : memref<128x128xf32, #tpu.memory_space<vmem>>) offsets(%dma_start3A_120 : memref<128xi32, #tpu.memory_space<vmem>>) semaphore(%arg12 : memref<!tpu.dma_semaphore, #tpu.memory_space<semaphore_mem>>)
        } else {
        }
        "tpu.region"() ({
          %run_scoped3A = tpu.sem_alloc : memref<!tpu.dma_semaphore, #tpu.memory_space<semaphore_mem>>
          %dma_start3A_116 = arith.constant 0 : i32
          %dma_start3A_117 = tpu.memref_slice %arg8[%scan3A_70, %dma_start3A_116] : memref<16x128xi32, #tpu.memory_space<vmem>> -> memref<1x128xi32, #tpu.memory_space<vmem>>
          %dma_start3A_118 = tpu.memref_squeeze %dma_start3A_117 : memref<1x128xi32, #tpu.memory_space<vmem>> -> memref<128xi32, #tpu.memory_space<vmem>>
          %dma_start3A_119 = arith.constant 0 : i32
          %dma_start3A_120 = arith.constant 0 : i32
          %dma_start3A_121 = tpu.memref_slice %arg11[%dma_start3A_119, %dma_start3A_120] : memref<10112x128xf32, #tpu.memory_space<vmem_shared>> -> memref<10112x128xf32, #tpu.memory_space<vmem_shared>>
          tpu.enqueue_indirect_dma source(%arg10 : memref<128x128xf32, #tpu.memory_space<vmem>>) target(%dma_start3A_121 : memref<10112x128xf32, #tpu.memory_space<vmem_shared>>) offsets(%dma_start3A_118 : memref<128xi32, #tpu.memory_space<vmem>>) semaphore(%run_scoped3A : memref<!tpu.dma_semaphore, #tpu.memory_space<semaphore_mem>>) {add = true}
          %dma_wait3A_122 = arith.constant 0 : i32
          %dma_wait3A_123 = tpu.memref_slice %arg8[%scan3A_70, %dma_wait3A_122] : memref<16x128xi32, #tpu.memory_space<vmem>> -> memref<1x128xi32, #tpu.memory_space<vmem>>
          %dma_wait3A_124 = tpu.memref_squeeze %dma_wait3A_123 : memref<1x128xi32, #tpu.memory_space<vmem>> -> memref<128xi32, #tpu.memory_space<vmem>>
          %dma_wait3A_125 = arith.constant 0 : i32
          %dma_wait3A_126 = arith.constant 0 : i32
          %dma_wait3A_127 = tpu.memref_slice %arg11[%dma_wait3A_125, %dma_wait3A_126] : memref<10112x128xf32, #tpu.memory_space<vmem_shared>> -> memref<10112x128xf32, #tpu.memory_space<vmem_shared>>
          tpu.wait_indirect_dma semaphore(%run_scoped3A : memref<!tpu.dma_semaphore, #tpu.memory_space<semaphore_mem>>) src(%arg10 : memref<128x128xf32, #tpu.memory_space<vmem>>) dst(%dma_wait3A_127 : memref<10112x128xf32, #tpu.memory_space<vmem_shared>>)
          tpu.yield
        }) : () -> ()
      } else {
      }
    }
    %scan3A_13 = arith.constant 16 : i32
    "tpu.region"() ({
      %run_scoped3A = tpu.sem_alloc : memref<!tpu.dma_semaphore, #tpu.memory_space<semaphore_mem>>
      %dma_start3A_70 = arith.constant 16 : i32
      %dma_start3A_71 = arith.constant 0 : i32
      %dma_start3A_72 = tpu.memref_slice %arg2[%add3A, %dma_start3A_70, %dma_start3A_71] : memref<32x80x128xi32, #tpu.memory_space<hbm>> -> memref<1x16x128xi32, #tpu.memory_space<hbm>>
      %dma_start3A_73 = tpu.memref_squeeze %dma_start3A_72 : memref<1x16x128xi32, #tpu.memory_space<hbm>> -> memref<16x128xi32, #tpu.memory_space<hbm>>
      %dma_start3A_74 = arith.constant 16 : i32
      %dma_start3A_75 = arith.constant 0 : i32
      %dma_start3A_76 = tpu.memref_slice %arg2[%add3A, %dma_start3A_74, %dma_start3A_75] : memref<32x80x128xi32, #tpu.memory_space<hbm>> -> memref<1x16x128xi32, #tpu.memory_space<hbm>>
      %dma_start3A_77 = tpu.memref_squeeze %dma_start3A_76 : memref<1x16x128xi32, #tpu.memory_space<hbm>> -> memref<16x128xi32, #tpu.memory_space<hbm>>
      tpu.enqueue_dma source(%dma_start3A_77 : memref<16x128xi32, #tpu.memory_space<hbm>>) target(%arg7 : memref<16x128xi32, #tpu.memory_space<vmem>>) target_semaphore(%run_scoped3A : memref<!tpu.dma_semaphore, #tpu.memory_space<semaphore_mem>>)
      %dma_wait3A = arith.constant 16 : i32
      %dma_wait3A_78 = arith.constant 0 : i32
      %dma_wait3A_79 = tpu.memref_slice %arg2[%add3A, %dma_wait3A, %dma_wait3A_78] : memref<32x80x128xi32, #tpu.memory_space<hbm>> -> memref<1x16x128xi32, #tpu.memory_space<hbm>>
      %dma_wait3A_80 = tpu.memref_squeeze %dma_wait3A_79 : memref<1x16x128xi32, #tpu.memory_space<hbm>> -> memref<16x128xi32, #tpu.memory_space<hbm>>
      %dma_wait3A_81 = arith.constant 16 : i32
      %dma_wait3A_82 = arith.constant 0 : i32
      %dma_wait3A_83 = tpu.memref_slice %arg2[%add3A, %dma_wait3A_81, %dma_wait3A_82] : memref<32x80x128xi32, #tpu.memory_space<hbm>> -> memref<1x16x128xi32, #tpu.memory_space<hbm>>
      %dma_wait3A_84 = tpu.memref_squeeze %dma_wait3A_83 : memref<1x16x128xi32, #tpu.memory_space<hbm>> -> memref<16x128xi32, #tpu.memory_space<hbm>>
      tpu.wait_dma2 semaphore(%run_scoped3A : memref<!tpu.dma_semaphore, #tpu.memory_space<semaphore_mem>>) src(%dma_wait3A_84 : memref<16x128xi32, #tpu.memory_space<hbm>>) dst(%arg7 : memref<16x128xi32, #tpu.memory_space<vmem>>)
      tpu.yield
    }) : () -> ()
    "tpu.region"() ({
      %run_scoped3A = tpu.sem_alloc : memref<!tpu.dma_semaphore, #tpu.memory_space<semaphore_mem>>
      %dma_start3A_70 = arith.constant 16 : i32
      %dma_start3A_71 = arith.constant 0 : i32
      %dma_start3A_72 = tpu.memref_slice %arg3[%add3A, %dma_start3A_70, %dma_start3A_71] : memref<32x80x128xi32, #tpu.memory_space<hbm>> -> memref<1x16x128xi32, #tpu.memory_space<hbm>>
      %dma_start3A_73 = tpu.memref_squeeze %dma_start3A_72 : memref<1x16x128xi32, #tpu.memory_space<hbm>> -> memref<16x128xi32, #tpu.memory_space<hbm>>
      %dma_start3A_74 = arith.constant 16 : i32
      %dma_start3A_75 = arith.constant 0 : i32
      %dma_start3A_76 = tpu.memref_slice %arg3[%add3A, %dma_start3A_74, %dma_start3A_75] : memref<32x80x128xi32, #tpu.memory_space<hbm>> -> memref<1x16x128xi32, #tpu.memory_space<hbm>>
      %dma_start3A_77 = tpu.memref_squeeze %dma_start3A_76 : memref<1x16x128xi32, #tpu.memory_space<hbm>> -> memref<16x128xi32, #tpu.memory_space<hbm>>
      tpu.enqueue_dma source(%dma_start3A_77 : memref<16x128xi32, #tpu.memory_space<hbm>>) target(%arg8 : memref<16x128xi32, #tpu.memory_space<vmem>>) target_semaphore(%run_scoped3A : memref<!tpu.dma_semaphore, #tpu.memory_space<semaphore_mem>>)
      %dma_wait3A = arith.constant 16 : i32
      %dma_wait3A_78 = arith.constant 0 : i32
      %dma_wait3A_79 = tpu.memref_slice %arg3[%add3A, %dma_wait3A, %dma_wait3A_78] : memref<32x80x128xi32, #tpu.memory_space<hbm>> -> memref<1x16x128xi32, #tpu.memory_space<hbm>>
      %dma_wait3A_80 = tpu.memref_squeeze %dma_wait3A_79 : memref<1x16x128xi32, #tpu.memory_space<hbm>> -> memref<16x128xi32, #tpu.memory_space<hbm>>
      %dma_wait3A_81 = arith.constant 16 : i32
      %dma_wait3A_82 = arith.constant 0 : i32
      %dma_wait3A_83 = tpu.memref_slice %arg3[%add3A, %dma_wait3A_81, %dma_wait3A_82] : memref<32x80x128xi32, #tpu.memory_space<hbm>> -> memref<1x16x128xi32, #tpu.memory_space<hbm>>
      %dma_wait3A_84 = tpu.memref_squeeze %dma_wait3A_83 : memref<1x16x128xi32, #tpu.memory_space<hbm>> -> memref<16x128xi32, #tpu.memory_space<hbm>>
      tpu.wait_dma2 semaphore(%run_scoped3A : memref<!tpu.dma_semaphore, #tpu.memory_space<semaphore_mem>>) src(%dma_wait3A_84 : memref<16x128xi32, #tpu.memory_space<hbm>>) dst(%arg8 : memref<16x128xi32, #tpu.memory_space<vmem>>)
      tpu.yield
    }) : () -> ()
    %dma_start3A_14 = arith.constant 0 : i32
    %dma_start3A_15 = arith.constant 0 : i32
    %dma_start3A_16 = tpu.memref_slice %arg7[%dma_start3A_14, %dma_start3A_15] : memref<16x128xi32, #tpu.memory_space<vmem>> -> memref<1x128xi32, #tpu.memory_space<vmem>>
    %dma_start3A_17 = tpu.memref_squeeze %dma_start3A_16 : memref<1x128xi32, #tpu.memory_space<vmem>> -> memref<128xi32, #tpu.memory_space<vmem>>
    %dma_start3A_18 = arith.constant 0 : i32
    %dma_start3A_19 = arith.constant 0 : i32
    %dma_start3A_20 = tpu.memref_slice %arg4[%dma_start3A_18, %dma_start3A_19] : memref<10000x128xf32, #tpu.memory_space<hbm>> -> memref<10000x128xf32, #tpu.memory_space<hbm>>
    tpu.enqueue_indirect_dma source(%dma_start3A_20 : memref<10000x128xf32, #tpu.memory_space<hbm>>) target(%arg9 : memref<128x128xf32, #tpu.memory_space<vmem>>) offsets(%dma_start3A_17 : memref<128xi32, #tpu.memory_space<vmem>>) semaphore(%arg12 : memref<!tpu.dma_semaphore, #tpu.memory_space<semaphore_mem>>)
    %scan3A_21 = arith.constant 0 : i32
    %scan3A_22 = arith.constant 0 : i32
    %scan3A_23 = arith.constant 16 : i32
    %scan3A_24 = arith.addi %scan3A_22, %scan3A_23 : i32
    %scan3A_25 = arith.constant 1 : i32
    scf.for %scan3A_70 = %scan3A_22 to %scan3A_24 step %scan3A_25  : i32 {
      %jit3A = arith.constant 2 : i32
      %eq3A = arith.constant 0 : i32
      %eq3A_71 = arith.cmpi eq, %jit3A, %eq3A : i32
      %jit3A_72 = arith.constant 1 : i32
      %select_n3A = arith.select %eq3A_71, %jit3A_72, %jit3A : i32
      %rem3A = arith.remsi %scan3A_70, %select_n3A : i32
      %ne3A = arith.constant 0 : i32
      %ne3A_73 = arith.cmpi ne, %rem3A, %ne3A : i32
      %lt3A = arith.constant 0 : i32
      %lt3A_74 = arith.cmpi slt, %rem3A, %lt3A : i32
      %lt3A_75 = arith.constant 0 : i32
      %lt3A_76 = arith.cmpi slt, %select_n3A, %lt3A_75 : i32
      %ne3A_77 = arith.xori %lt3A_74, %lt3A_76 : i1
      %and3A = arith.andi %ne3A_77, %ne3A_73 : i1
      %add3A_78 = arith.addi %rem3A, %select_n3A : i32
      %select_n3A_79 = arith.select %and3A, %add3A_78, %rem3A : i32
      %eq3A_80 = arith.constant 0 : i32
      %eq3A_81 = arith.cmpi eq, %select_n3A_79, %eq3A_80 : i32
      %convert_element_type3A = arith.extui %eq3A_81 : i1 to i32
      %cond3A = arith.constant 0 : i32
      %cond3A_82 = arith.cmpi ne, %convert_element_type3A, %cond3A : i32
      scf.if %cond3A_82 {
        %dma_wait3A = arith.constant 0 : i32
        %dma_wait3A_104 = tpu.memref_slice %arg7[%scan3A_70, %dma_wait3A] : memref<16x128xi32, #tpu.memory_space<vmem>> -> memref<1x128xi32, #tpu.memory_space<vmem>>
        %dma_wait3A_105 = tpu.memref_squeeze %dma_wait3A_104 : memref<1x128xi32, #tpu.memory_space<vmem>> -> memref<128xi32, #tpu.memory_space<vmem>>
        %dma_wait3A_106 = arith.constant 0 : i32
        %dma_wait3A_107 = arith.constant 0 : i32
        %dma_wait3A_108 = tpu.memref_slice %arg4[%dma_wait3A_106, %dma_wait3A_107] : memref<10000x128xf32, #tpu.memory_space<hbm>> -> memref<10000x128xf32, #tpu.memory_space<hbm>>
        tpu.wait_indirect_dma semaphore(%arg12 : memref<!tpu.dma_semaphore, #tpu.memory_space<semaphore_mem>>) src(%dma_wait3A_108 : memref<10000x128xf32, #tpu.memory_space<hbm>>) dst(%arg9 : memref<128x128xf32, #tpu.memory_space<vmem>>)
        %add3A_109 = arith.constant 1 : i32
        %add3A_110 = arith.addi %scan3A_70, %add3A_109 : i32
        %lt3A_111 = arith.constant 16 : i32
        %lt3A_112 = arith.cmpi slt, %add3A_110, %lt3A_111 : i32
        %convert_element_type3A_113 = arith.extui %lt3A_112 : i1 to i32
        %cond3A_114 = arith.constant 0 : i32
        %cond3A_115 = arith.cmpi ne, %convert_element_type3A_113, %cond3A_114 : i32
        scf.if %cond3A_115 {
          %add3A_116 = arith.constant 1 : i32
          %add3A_117 = arith.addi %scan3A_70, %add3A_116 : i32
          %dma_start3A_118 = arith.constant 0 : i32
          %dma_start3A_119 = tpu.memref_slice %arg7[%add3A_117, %dma_start3A_118] : memref<16x128xi32, #tpu.memory_space<vmem>> -> memref<1x128xi32, #tpu.memory_space<vmem>>
          %dma_start3A_120 = tpu.memref_squeeze %dma_start3A_119 : memref<1x128xi32, #tpu.memory_space<vmem>> -> memref<128xi32, #tpu.memory_space<vmem>>
          %dma_start3A_121 = arith.constant 0 : i32
          %dma_start3A_122 = arith.constant 0 : i32
          %dma_start3A_123 = tpu.memref_slice %arg4[%dma_start3A_121, %dma_start3A_122] : memref<10000x128xf32, #tpu.memory_space<hbm>> -> memref<10000x128xf32, #tpu.memory_space<hbm>>
          tpu.enqueue_indirect_dma source(%dma_start3A_123 : memref<10000x128xf32, #tpu.memory_space<hbm>>) target(%arg10 : memref<128x128xf32, #tpu.memory_space<vmem>>) offsets(%dma_start3A_120 : memref<128xi32, #tpu.memory_space<vmem>>) semaphore(%arg12 : memref<!tpu.dma_semaphore, #tpu.memory_space<semaphore_mem>>)
        } else {
        }
        "tpu.region"() ({
          %run_scoped3A = tpu.sem_alloc : memref<!tpu.dma_semaphore, #tpu.memory_space<semaphore_mem>>
          %dma_start3A_116 = arith.constant 0 : i32
          %dma_start3A_117 = tpu.memref_slice %arg8[%scan3A_70, %dma_start3A_116] : memref<16x128xi32, #tpu.memory_space<vmem>> -> memref<1x128xi32, #tpu.memory_space<vmem>>
          %dma_start3A_118 = tpu.memref_squeeze %dma_start3A_117 : memref<1x128xi32, #tpu.memory_space<vmem>> -> memref<128xi32, #tpu.memory_space<vmem>>
          %dma_start3A_119 = arith.constant 0 : i32
          %dma_start3A_120 = arith.constant 0 : i32
          %dma_start3A_121 = tpu.memref_slice %arg11[%dma_start3A_119, %dma_start3A_120] : memref<10112x128xf32, #tpu.memory_space<vmem_shared>> -> memref<10112x128xf32, #tpu.memory_space<vmem_shared>>
          tpu.enqueue_indirect_dma source(%arg9 : memref<128x128xf32, #tpu.memory_space<vmem>>) target(%dma_start3A_121 : memref<10112x128xf32, #tpu.memory_space<vmem_shared>>) offsets(%dma_start3A_118 : memref<128xi32, #tpu.memory_space<vmem>>) semaphore(%run_scoped3A : memref<!tpu.dma_semaphore, #tpu.memory_space<semaphore_mem>>) {add = true}
          %dma_wait3A_122 = arith.constant 0 : i32
          %dma_wait3A_123 = tpu.memref_slice %arg8[%scan3A_70, %dma_wait3A_122] : memref<16x128xi32, #tpu.memory_space<vmem>> -> memref<1x128xi32, #tpu.memory_space<vmem>>
          %dma_wait3A_124 = tpu.memref_squeeze %dma_wait3A_123 : memref<1x128xi32, #tpu.memory_space<vmem>> -> memref<128xi32, #tpu.memory_space<vmem>>
          %dma_wait3A_125 = arith.constant 0 : i32
          %dma_wait3A_126 = arith.constant 0 : i32
          %dma_wait3A_127 = tpu.memref_slice %arg11[%dma_wait3A_125, %dma_wait3A_126] : memref<10112x128xf32, #tpu.memory_space<vmem_shared>> -> memref<10112x128xf32, #tpu.memory_space<vmem_shared>>
          tpu.wait_indirect_dma semaphore(%run_scoped3A : memref<!tpu.dma_semaphore, #tpu.memory_space<semaphore_mem>>) src(%arg9 : memref<128x128xf32, #tpu.memory_space<vmem>>) dst(%dma_wait3A_127 : memref<10112x128xf32, #tpu.memory_space<vmem_shared>>)
          tpu.yield
        }) : () -> ()
      } else {
      }
      %jit3A_83 = arith.constant 2 : i32
      %eq3A_84 = arith.constant 0 : i32
      %eq3A_85 = arith.cmpi eq, %jit3A_83, %eq3A_84 : i32
      %jit3A_86 = arith.constant 1 : i32
      %select_n3A_87 = arith.select %eq3A_85, %jit3A_86, %jit3A_83 : i32
      %rem3A_88 = arith.remsi %scan3A_70, %select_n3A_87 : i32
      %ne3A_89 = arith.constant 0 : i32
      %ne3A_90 = arith.cmpi ne, %rem3A_88, %ne3A_89 : i32
      %lt3A_91 = arith.constant 0 : i32
      %lt3A_92 = arith.cmpi slt, %rem3A_88, %lt3A_91 : i32
      %lt3A_93 = arith.constant 0 : i32
      %lt3A_94 = arith.cmpi slt, %select_n3A_87, %lt3A_93 : i32
      %ne3A_95 = arith.xori %lt3A_92, %lt3A_94 : i1
      %and3A_96 = arith.andi %ne3A_95, %ne3A_90 : i1
      %add3A_97 = arith.addi %rem3A_88, %select_n3A_87 : i32
      %select_n3A_98 = arith.select %and3A_96, %add3A_97, %rem3A_88 : i32
      %eq3A_99 = arith.constant 1 : i32
      %eq3A_100 = arith.cmpi eq, %select_n3A_98, %eq3A_99 : i32
      %convert_element_type3A_101 = arith.extui %eq3A_100 : i1 to i32
      %cond3A_102 = arith.constant 0 : i32
      %cond3A_103 = arith.cmpi ne, %convert_element_type3A_101, %cond3A_102 : i32
      scf.if %cond3A_103 {
        %dma_wait3A = arith.constant 0 : i32
        %dma_wait3A_104 = tpu.memref_slice %arg7[%scan3A_70, %dma_wait3A] : memref<16x128xi32, #tpu.memory_space<vmem>> -> memref<1x128xi32, #tpu.memory_space<vmem>>
        %dma_wait3A_105 = tpu.memref_squeeze %dma_wait3A_104 : memref<1x128xi32, #tpu.memory_space<vmem>> -> memref<128xi32, #tpu.memory_space<vmem>>
        %dma_wait3A_106 = arith.constant 0 : i32
        %dma_wait3A_107 = arith.constant 0 : i32
        %dma_wait3A_108 = tpu.memref_slice %arg4[%dma_wait3A_106, %dma_wait3A_107] : memref<10000x128xf32, #tpu.memory_space<hbm>> -> memref<10000x128xf32, #tpu.memory_space<hbm>>
        tpu.wait_indirect_dma semaphore(%arg12 : memref<!tpu.dma_semaphore, #tpu.memory_space<semaphore_mem>>) src(%dma_wait3A_108 : memref<10000x128xf32, #tpu.memory_space<hbm>>) dst(%arg10 : memref<128x128xf32, #tpu.memory_space<vmem>>)
        %add3A_109 = arith.constant 1 : i32
        %add3A_110 = arith.addi %scan3A_70, %add3A_109 : i32
        %lt3A_111 = arith.constant 16 : i32
        %lt3A_112 = arith.cmpi slt, %add3A_110, %lt3A_111 : i32
        %convert_element_type3A_113 = arith.extui %lt3A_112 : i1 to i32
        %cond3A_114 = arith.constant 0 : i32
        %cond3A_115 = arith.cmpi ne, %convert_element_type3A_113, %cond3A_114 : i32
        scf.if %cond3A_115 {
          %add3A_116 = arith.constant 1 : i32
          %add3A_117 = arith.addi %scan3A_70, %add3A_116 : i32
          %dma_start3A_118 = arith.constant 0 : i32
          %dma_start3A_119 = tpu.memref_slice %arg7[%add3A_117, %dma_start3A_118] : memref<16x128xi32, #tpu.memory_space<vmem>> -> memref<1x128xi32, #tpu.memory_space<vmem>>
          %dma_start3A_120 = tpu.memref_squeeze %dma_start3A_119 : memref<1x128xi32, #tpu.memory_space<vmem>> -> memref<128xi32, #tpu.memory_space<vmem>>
          %dma_start3A_121 = arith.constant 0 : i32
          %dma_start3A_122 = arith.constant 0 : i32
          %dma_start3A_123 = tpu.memref_slice %arg4[%dma_start3A_121, %dma_start3A_122] : memref<10000x128xf32, #tpu.memory_space<hbm>> -> memref<10000x128xf32, #tpu.memory_space<hbm>>
          tpu.enqueue_indirect_dma source(%dma_start3A_123 : memref<10000x128xf32, #tpu.memory_space<hbm>>) target(%arg9 : memref<128x128xf32, #tpu.memory_space<vmem>>) offsets(%dma_start3A_120 : memref<128xi32, #tpu.memory_space<vmem>>) semaphore(%arg12 : memref<!tpu.dma_semaphore, #tpu.memory_space<semaphore_mem>>)
        } else {
        }
        "tpu.region"() ({
          %run_scoped3A = tpu.sem_alloc : memref<!tpu.dma_semaphore, #tpu.memory_space<semaphore_mem>>
          %dma_start3A_116 = arith.constant 0 : i32
          %dma_start3A_117 = tpu.memref_slice %arg8[%scan3A_70, %dma_start3A_116] : memref<16x128xi32, #tpu.memory_space<vmem>> -> memref<1x128xi32, #tpu.memory_space<vmem>>
          %dma_start3A_118 = tpu.memref_squeeze %dma_start3A_117 : memref<1x128xi32, #tpu.memory_space<vmem>> -> memref<128xi32, #tpu.memory_space<vmem>>
          %dma_start3A_119 = arith.constant 0 : i32
          %dma_start3A_120 = arith.constant 0 : i32
          %dma_start3A_121 = tpu.memref_slice %arg11[%dma_start3A_119, %dma_start3A_120] : memref<10112x128xf32, #tpu.memory_space<vmem_shared>> -> memref<10112x128xf32, #tpu.memory_space<vmem_shared>>
          tpu.enqueue_indirect_dma source(%arg10 : memref<128x128xf32, #tpu.memory_space<vmem>>) target(%dma_start3A_121 : memref<10112x128xf32, #tpu.memory_space<vmem_shared>>) offsets(%dma_start3A_118 : memref<128xi32, #tpu.memory_space<vmem>>) semaphore(%run_scoped3A : memref<!tpu.dma_semaphore, #tpu.memory_space<semaphore_mem>>) {add = true}
          %dma_wait3A_122 = arith.constant 0 : i32
          %dma_wait3A_123 = tpu.memref_slice %arg8[%scan3A_70, %dma_wait3A_122] : memref<16x128xi32, #tpu.memory_space<vmem>> -> memref<1x128xi32, #tpu.memory_space<vmem>>
          %dma_wait3A_124 = tpu.memref_squeeze %dma_wait3A_123 : memref<1x128xi32, #tpu.memory_space<vmem>> -> memref<128xi32, #tpu.memory_space<vmem>>
          %dma_wait3A_125 = arith.constant 0 : i32
          %dma_wait3A_126 = arith.constant 0 : i32
          %dma_wait3A_127 = tpu.memref_slice %arg11[%dma_wait3A_125, %dma_wait3A_126] : memref<10112x128xf32, #tpu.memory_space<vmem_shared>> -> memref<10112x128xf32, #tpu.memory_space<vmem_shared>>
          tpu.wait_indirect_dma semaphore(%run_scoped3A : memref<!tpu.dma_semaphore, #tpu.memory_space<semaphore_mem>>) src(%arg10 : memref<128x128xf32, #tpu.memory_space<vmem>>) dst(%dma_wait3A_127 : memref<10112x128xf32, #tpu.memory_space<vmem_shared>>)
          tpu.yield
        }) : () -> ()
      } else {
      }
    }
    %scan3A_26 = arith.constant 16 : i32
    "tpu.region"() ({
      %run_scoped3A = tpu.sem_alloc : memref<!tpu.dma_semaphore, #tpu.memory_space<semaphore_mem>>
      %dma_start3A_70 = arith.constant 32 : i32
      %dma_start3A_71 = arith.constant 0 : i32
      %dma_start3A_72 = tpu.memref_slice %arg2[%add3A, %dma_start3A_70, %dma_start3A_71] : memref<32x80x128xi32, #tpu.memory_space<hbm>> -> memref<1x16x128xi32, #tpu.memory_space<hbm>>
      %dma_start3A_73 = tpu.memref_squeeze %dma_start3A_72 : memref<1x16x128xi32, #tpu.memory_space<hbm>> -> memref<16x128xi32, #tpu.memory_space<hbm>>
      %dma_start3A_74 = arith.constant 32 : i32
      %dma_start3A_75 = arith.constant 0 : i32
      %dma_start3A_76 = tpu.memref_slice %arg2[%add3A, %dma_start3A_74, %dma_start3A_75] : memref<32x80x128xi32, #tpu.memory_space<hbm>> -> memref<1x16x128xi32, #tpu.memory_space<hbm>>
      %dma_start3A_77 = tpu.memref_squeeze %dma_start3A_76 : memref<1x16x128xi32, #tpu.memory_space<hbm>> -> memref<16x128xi32, #tpu.memory_space<hbm>>
      tpu.enqueue_dma source(%dma_start3A_77 : memref<16x128xi32, #tpu.memory_space<hbm>>) target(%arg7 : memref<16x128xi32, #tpu.memory_space<vmem>>) target_semaphore(%run_scoped3A : memref<!tpu.dma_semaphore, #tpu.memory_space<semaphore_mem>>)
      %dma_wait3A = arith.constant 32 : i32
      %dma_wait3A_78 = arith.constant 0 : i32
      %dma_wait3A_79 = tpu.memref_slice %arg2[%add3A, %dma_wait3A, %dma_wait3A_78] : memref<32x80x128xi32, #tpu.memory_space<hbm>> -> memref<1x16x128xi32, #tpu.memory_space<hbm>>
      %dma_wait3A_80 = tpu.memref_squeeze %dma_wait3A_79 : memref<1x16x128xi32, #tpu.memory_space<hbm>> -> memref<16x128xi32, #tpu.memory_space<hbm>>
      %dma_wait3A_81 = arith.constant 32 : i32
      %dma_wait3A_82 = arith.constant 0 : i32
      %dma_wait3A_83 = tpu.memref_slice %arg2[%add3A, %dma_wait3A_81, %dma_wait3A_82] : memref<32x80x128xi32, #tpu.memory_space<hbm>> -> memref<1x16x128xi32, #tpu.memory_space<hbm>>
      %dma_wait3A_84 = tpu.memref_squeeze %dma_wait3A_83 : memref<1x16x128xi32, #tpu.memory_space<hbm>> -> memref<16x128xi32, #tpu.memory_space<hbm>>
      tpu.wait_dma2 semaphore(%run_scoped3A : memref<!tpu.dma_semaphore, #tpu.memory_space<semaphore_mem>>) src(%dma_wait3A_84 : memref<16x128xi32, #tpu.memory_space<hbm>>) dst(%arg7 : memref<16x128xi32, #tpu.memory_space<vmem>>)
      tpu.yield
    }) : () -> ()
    "tpu.region"() ({
      %run_scoped3A = tpu.sem_alloc : memref<!tpu.dma_semaphore, #tpu.memory_space<semaphore_mem>>
      %dma_start3A_70 = arith.constant 32 : i32
      %dma_start3A_71 = arith.constant 0 : i32
      %dma_start3A_72 = tpu.memref_slice %arg3[%add3A, %dma_start3A_70, %dma_start3A_71] : memref<32x80x128xi32, #tpu.memory_space<hbm>> -> memref<1x16x128xi32, #tpu.memory_space<hbm>>
      %dma_start3A_73 = tpu.memref_squeeze %dma_start3A_72 : memref<1x16x128xi32, #tpu.memory_space<hbm>> -> memref<16x128xi32, #tpu.memory_space<hbm>>
      %dma_start3A_74 = arith.constant 32 : i32
      %dma_start3A_75 = arith.constant 0 : i32
      %dma_start3A_76 = tpu.memref_slice %arg3[%add3A, %dma_start3A_74, %dma_start3A_75] : memref<32x80x128xi32, #tpu.memory_space<hbm>> -> memref<1x16x128xi32, #tpu.memory_space<hbm>>
      %dma_start3A_77 = tpu.memref_squeeze %dma_start3A_76 : memref<1x16x128xi32, #tpu.memory_space<hbm>> -> memref<16x128xi32, #tpu.memory_space<hbm>>
      tpu.enqueue_dma source(%dma_start3A_77 : memref<16x128xi32, #tpu.memory_space<hbm>>) target(%arg8 : memref<16x128xi32, #tpu.memory_space<vmem>>) target_semaphore(%run_scoped3A : memref<!tpu.dma_semaphore, #tpu.memory_space<semaphore_mem>>)
      %dma_wait3A = arith.constant 32 : i32
      %dma_wait3A_78 = arith.constant 0 : i32
      %dma_wait3A_79 = tpu.memref_slice %arg3[%add3A, %dma_wait3A, %dma_wait3A_78] : memref<32x80x128xi32, #tpu.memory_space<hbm>> -> memref<1x16x128xi32, #tpu.memory_space<hbm>>
      %dma_wait3A_80 = tpu.memref_squeeze %dma_wait3A_79 : memref<1x16x128xi32, #tpu.memory_space<hbm>> -> memref<16x128xi32, #tpu.memory_space<hbm>>
      %dma_wait3A_81 = arith.constant 32 : i32
      %dma_wait3A_82 = arith.constant 0 : i32
      %dma_wait3A_83 = tpu.memref_slice %arg3[%add3A, %dma_wait3A_81, %dma_wait3A_82] : memref<32x80x128xi32, #tpu.memory_space<hbm>> -> memref<1x16x128xi32, #tpu.memory_space<hbm>>
      %dma_wait3A_84 = tpu.memref_squeeze %dma_wait3A_83 : memref<1x16x128xi32, #tpu.memory_space<hbm>> -> memref<16x128xi32, #tpu.memory_space<hbm>>
      tpu.wait_dma2 semaphore(%run_scoped3A : memref<!tpu.dma_semaphore, #tpu.memory_space<semaphore_mem>>) src(%dma_wait3A_84 : memref<16x128xi32, #tpu.memory_space<hbm>>) dst(%arg8 : memref<16x128xi32, #tpu.memory_space<vmem>>)
      tpu.yield
    }) : () -> ()
    %dma_start3A_27 = arith.constant 0 : i32
    %dma_start3A_28 = arith.constant 0 : i32
    %dma_start3A_29 = tpu.memref_slice %arg7[%dma_start3A_27, %dma_start3A_28] : memref<16x128xi32, #tpu.memory_space<vmem>> -> memref<1x128xi32, #tpu.memory_space<vmem>>
    %dma_start3A_30 = tpu.memref_squeeze %dma_start3A_29 : memref<1x128xi32, #tpu.memory_space<vmem>> -> memref<128xi32, #tpu.memory_space<vmem>>
    %dma_start3A_31 = arith.constant 0 : i32
    %dma_start3A_32 = arith.constant 0 : i32
    %dma_start3A_33 = tpu.memref_slice %arg4[%dma_start3A_31, %dma_start3A_32] : memref<10000x128xf32, #tpu.memory_space<hbm>> -> memref<10000x128xf32, #tpu.memory_space<hbm>>
    tpu.enqueue_indirect_dma source(%dma_start3A_33 : memref<10000x128xf32, #tpu.memory_space<hbm>>) target(%arg9 : memref<128x128xf32, #tpu.memory_space<vmem>>) offsets(%dma_start3A_30 : memref<128xi32, #tpu.memory_space<vmem>>) semaphore(%arg12 : memref<!tpu.dma_semaphore, #tpu.memory_space<semaphore_mem>>)
    %scan3A_34 = arith.constant 0 : i32
    %scan3A_35 = arith.constant 0 : i32
    %scan3A_36 = arith.constant 16 : i32
    %scan3A_37 = arith.addi %scan3A_35, %scan3A_36 : i32
    %scan3A_38 = arith.constant 1 : i32
    scf.for %scan3A_70 = %scan3A_35 to %scan3A_37 step %scan3A_38  : i32 {
      %jit3A = arith.constant 2 : i32
      %eq3A = arith.constant 0 : i32
      %eq3A_71 = arith.cmpi eq, %jit3A, %eq3A : i32
      %jit3A_72 = arith.constant 1 : i32
      %select_n3A = arith.select %eq3A_71, %jit3A_72, %jit3A : i32
      %rem3A = arith.remsi %scan3A_70, %select_n3A : i32
      %ne3A = arith.constant 0 : i32
      %ne3A_73 = arith.cmpi ne, %rem3A, %ne3A : i32
      %lt3A = arith.constant 0 : i32
      %lt3A_74 = arith.cmpi slt, %rem3A, %lt3A : i32
      %lt3A_75 = arith.constant 0 : i32
      %lt3A_76 = arith.cmpi slt, %select_n3A, %lt3A_75 : i32
      %ne3A_77 = arith.xori %lt3A_74, %lt3A_76 : i1
      %and3A = arith.andi %ne3A_77, %ne3A_73 : i1
      %add3A_78 = arith.addi %rem3A, %select_n3A : i32
      %select_n3A_79 = arith.select %and3A, %add3A_78, %rem3A : i32
      %eq3A_80 = arith.constant 0 : i32
      %eq3A_81 = arith.cmpi eq, %select_n3A_79, %eq3A_80 : i32
      %convert_element_type3A = arith.extui %eq3A_81 : i1 to i32
      %cond3A = arith.constant 0 : i32
      %cond3A_82 = arith.cmpi ne, %convert_element_type3A, %cond3A : i32
      scf.if %cond3A_82 {
        %dma_wait3A = arith.constant 0 : i32
        %dma_wait3A_104 = tpu.memref_slice %arg7[%scan3A_70, %dma_wait3A] : memref<16x128xi32, #tpu.memory_space<vmem>> -> memref<1x128xi32, #tpu.memory_space<vmem>>
        %dma_wait3A_105 = tpu.memref_squeeze %dma_wait3A_104 : memref<1x128xi32, #tpu.memory_space<vmem>> -> memref<128xi32, #tpu.memory_space<vmem>>
        %dma_wait3A_106 = arith.constant 0 : i32
        %dma_wait3A_107 = arith.constant 0 : i32
        %dma_wait3A_108 = tpu.memref_slice %arg4[%dma_wait3A_106, %dma_wait3A_107] : memref<10000x128xf32, #tpu.memory_space<hbm>> -> memref<10000x128xf32, #tpu.memory_space<hbm>>
        tpu.wait_indirect_dma semaphore(%arg12 : memref<!tpu.dma_semaphore, #tpu.memory_space<semaphore_mem>>) src(%dma_wait3A_108 : memref<10000x128xf32, #tpu.memory_space<hbm>>) dst(%arg9 : memref<128x128xf32, #tpu.memory_space<vmem>>)
        %add3A_109 = arith.constant 1 : i32
        %add3A_110 = arith.addi %scan3A_70, %add3A_109 : i32
        %lt3A_111 = arith.constant 16 : i32
        %lt3A_112 = arith.cmpi slt, %add3A_110, %lt3A_111 : i32
        %convert_element_type3A_113 = arith.extui %lt3A_112 : i1 to i32
        %cond3A_114 = arith.constant 0 : i32
        %cond3A_115 = arith.cmpi ne, %convert_element_type3A_113, %cond3A_114 : i32
        scf.if %cond3A_115 {
          %add3A_116 = arith.constant 1 : i32
          %add3A_117 = arith.addi %scan3A_70, %add3A_116 : i32
          %dma_start3A_118 = arith.constant 0 : i32
          %dma_start3A_119 = tpu.memref_slice %arg7[%add3A_117, %dma_start3A_118] : memref<16x128xi32, #tpu.memory_space<vmem>> -> memref<1x128xi32, #tpu.memory_space<vmem>>
          %dma_start3A_120 = tpu.memref_squeeze %dma_start3A_119 : memref<1x128xi32, #tpu.memory_space<vmem>> -> memref<128xi32, #tpu.memory_space<vmem>>
          %dma_start3A_121 = arith.constant 0 : i32
          %dma_start3A_122 = arith.constant 0 : i32
          %dma_start3A_123 = tpu.memref_slice %arg4[%dma_start3A_121, %dma_start3A_122] : memref<10000x128xf32, #tpu.memory_space<hbm>> -> memref<10000x128xf32, #tpu.memory_space<hbm>>
          tpu.enqueue_indirect_dma source(%dma_start3A_123 : memref<10000x128xf32, #tpu.memory_space<hbm>>) target(%arg10 : memref<128x128xf32, #tpu.memory_space<vmem>>) offsets(%dma_start3A_120 : memref<128xi32, #tpu.memory_space<vmem>>) semaphore(%arg12 : memref<!tpu.dma_semaphore, #tpu.memory_space<semaphore_mem>>)
        } else {
        }
        "tpu.region"() ({
          %run_scoped3A = tpu.sem_alloc : memref<!tpu.dma_semaphore, #tpu.memory_space<semaphore_mem>>
          %dma_start3A_116 = arith.constant 0 : i32
          %dma_start3A_117 = tpu.memref_slice %arg8[%scan3A_70, %dma_start3A_116] : memref<16x128xi32, #tpu.memory_space<vmem>> -> memref<1x128xi32, #tpu.memory_space<vmem>>
          %dma_start3A_118 = tpu.memref_squeeze %dma_start3A_117 : memref<1x128xi32, #tpu.memory_space<vmem>> -> memref<128xi32, #tpu.memory_space<vmem>>
          %dma_start3A_119 = arith.constant 0 : i32
          %dma_start3A_120 = arith.constant 0 : i32
          %dma_start3A_121 = tpu.memref_slice %arg11[%dma_start3A_119, %dma_start3A_120] : memref<10112x128xf32, #tpu.memory_space<vmem_shared>> -> memref<10112x128xf32, #tpu.memory_space<vmem_shared>>
          tpu.enqueue_indirect_dma source(%arg9 : memref<128x128xf32, #tpu.memory_space<vmem>>) target(%dma_start3A_121 : memref<10112x128xf32, #tpu.memory_space<vmem_shared>>) offsets(%dma_start3A_118 : memref<128xi32, #tpu.memory_space<vmem>>) semaphore(%run_scoped3A : memref<!tpu.dma_semaphore, #tpu.memory_space<semaphore_mem>>) {add = true}
          %dma_wait3A_122 = arith.constant 0 : i32
          %dma_wait3A_123 = tpu.memref_slice %arg8[%scan3A_70, %dma_wait3A_122] : memref<16x128xi32, #tpu.memory_space<vmem>> -> memref<1x128xi32, #tpu.memory_space<vmem>>
          %dma_wait3A_124 = tpu.memref_squeeze %dma_wait3A_123 : memref<1x128xi32, #tpu.memory_space<vmem>> -> memref<128xi32, #tpu.memory_space<vmem>>
          %dma_wait3A_125 = arith.constant 0 : i32
          %dma_wait3A_126 = arith.constant 0 : i32
          %dma_wait3A_127 = tpu.memref_slice %arg11[%dma_wait3A_125, %dma_wait3A_126] : memref<10112x128xf32, #tpu.memory_space<vmem_shared>> -> memref<10112x128xf32, #tpu.memory_space<vmem_shared>>
          tpu.wait_indirect_dma semaphore(%run_scoped3A : memref<!tpu.dma_semaphore, #tpu.memory_space<semaphore_mem>>) src(%arg9 : memref<128x128xf32, #tpu.memory_space<vmem>>) dst(%dma_wait3A_127 : memref<10112x128xf32, #tpu.memory_space<vmem_shared>>)
          tpu.yield
        }) : () -> ()
      } else {
      }
      %jit3A_83 = arith.constant 2 : i32
      %eq3A_84 = arith.constant 0 : i32
      %eq3A_85 = arith.cmpi eq, %jit3A_83, %eq3A_84 : i32
      %jit3A_86 = arith.constant 1 : i32
      %select_n3A_87 = arith.select %eq3A_85, %jit3A_86, %jit3A_83 : i32
      %rem3A_88 = arith.remsi %scan3A_70, %select_n3A_87 : i32
      %ne3A_89 = arith.constant 0 : i32
      %ne3A_90 = arith.cmpi ne, %rem3A_88, %ne3A_89 : i32
      %lt3A_91 = arith.constant 0 : i32
      %lt3A_92 = arith.cmpi slt, %rem3A_88, %lt3A_91 : i32
      %lt3A_93 = arith.constant 0 : i32
      %lt3A_94 = arith.cmpi slt, %select_n3A_87, %lt3A_93 : i32
      %ne3A_95 = arith.xori %lt3A_92, %lt3A_94 : i1
      %and3A_96 = arith.andi %ne3A_95, %ne3A_90 : i1
      %add3A_97 = arith.addi %rem3A_88, %select_n3A_87 : i32
      %select_n3A_98 = arith.select %and3A_96, %add3A_97, %rem3A_88 : i32
      %eq3A_99 = arith.constant 1 : i32
      %eq3A_100 = arith.cmpi eq, %select_n3A_98, %eq3A_99 : i32
      %convert_element_type3A_101 = arith.extui %eq3A_100 : i1 to i32
      %cond3A_102 = arith.constant 0 : i32
      %cond3A_103 = arith.cmpi ne, %convert_element_type3A_101, %cond3A_102 : i32
      scf.if %cond3A_103 {
        %dma_wait3A = arith.constant 0 : i32
        %dma_wait3A_104 = tpu.memref_slice %arg7[%scan3A_70, %dma_wait3A] : memref<16x128xi32, #tpu.memory_space<vmem>> -> memref<1x128xi32, #tpu.memory_space<vmem>>
        %dma_wait3A_105 = tpu.memref_squeeze %dma_wait3A_104 : memref<1x128xi32, #tpu.memory_space<vmem>> -> memref<128xi32, #tpu.memory_space<vmem>>
        %dma_wait3A_106 = arith.constant 0 : i32
        %dma_wait3A_107 = arith.constant 0 : i32
        %dma_wait3A_108 = tpu.memref_slice %arg4[%dma_wait3A_106, %dma_wait3A_107] : memref<10000x128xf32, #tpu.memory_space<hbm>> -> memref<10000x128xf32, #tpu.memory_space<hbm>>
        tpu.wait_indirect_dma semaphore(%arg12 : memref<!tpu.dma_semaphore, #tpu.memory_space<semaphore_mem>>) src(%dma_wait3A_108 : memref<10000x128xf32, #tpu.memory_space<hbm>>) dst(%arg10 : memref<128x128xf32, #tpu.memory_space<vmem>>)
        %add3A_109 = arith.constant 1 : i32
        %add3A_110 = arith.addi %scan3A_70, %add3A_109 : i32
        %lt3A_111 = arith.constant 16 : i32
        %lt3A_112 = arith.cmpi slt, %add3A_110, %lt3A_111 : i32
        %convert_element_type3A_113 = arith.extui %lt3A_112 : i1 to i32
        %cond3A_114 = arith.constant 0 : i32
        %cond3A_115 = arith.cmpi ne, %convert_element_type3A_113, %cond3A_114 : i32
        scf.if %cond3A_115 {
          %add3A_116 = arith.constant 1 : i32
          %add3A_117 = arith.addi %scan3A_70, %add3A_116 : i32
          %dma_start3A_118 = arith.constant 0 : i32
          %dma_start3A_119 = tpu.memref_slice %arg7[%add3A_117, %dma_start3A_118] : memref<16x128xi32, #tpu.memory_space<vmem>> -> memref<1x128xi32, #tpu.memory_space<vmem>>
          %dma_start3A_120 = tpu.memref_squeeze %dma_start3A_119 : memref<1x128xi32, #tpu.memory_space<vmem>> -> memref<128xi32, #tpu.memory_space<vmem>>
          %dma_start3A_121 = arith.constant 0 : i32
          %dma_start3A_122 = arith.constant 0 : i32
          %dma_start3A_123 = tpu.memref_slice %arg4[%dma_start3A_121, %dma_start3A_122] : memref<10000x128xf32, #tpu.memory_space<hbm>> -> memref<10000x128xf32, #tpu.memory_space<hbm>>
          tpu.enqueue_indirect_dma source(%dma_start3A_123 : memref<10000x128xf32, #tpu.memory_space<hbm>>) target(%arg9 : memref<128x128xf32, #tpu.memory_space<vmem>>) offsets(%dma_start3A_120 : memref<128xi32, #tpu.memory_space<vmem>>) semaphore(%arg12 : memref<!tpu.dma_semaphore, #tpu.memory_space<semaphore_mem>>)
        } else {
        }
        "tpu.region"() ({
          %run_scoped3A = tpu.sem_alloc : memref<!tpu.dma_semaphore, #tpu.memory_space<semaphore_mem>>
          %dma_start3A_116 = arith.constant 0 : i32
          %dma_start3A_117 = tpu.memref_slice %arg8[%scan3A_70, %dma_start3A_116] : memref<16x128xi32, #tpu.memory_space<vmem>> -> memref<1x128xi32, #tpu.memory_space<vmem>>
          %dma_start3A_118 = tpu.memref_squeeze %dma_start3A_117 : memref<1x128xi32, #tpu.memory_space<vmem>> -> memref<128xi32, #tpu.memory_space<vmem>>
          %dma_start3A_119 = arith.constant 0 : i32
          %dma_start3A_120 = arith.constant 0 : i32
          %dma_start3A_121 = tpu.memref_slice %arg11[%dma_start3A_119, %dma_start3A_120] : memref<10112x128xf32, #tpu.memory_space<vmem_shared>> -> memref<10112x128xf32, #tpu.memory_space<vmem_shared>>
          tpu.enqueue_indirect_dma source(%arg10 : memref<128x128xf32, #tpu.memory_space<vmem>>) target(%dma_start3A_121 : memref<10112x128xf32, #tpu.memory_space<vmem_shared>>) offsets(%dma_start3A_118 : memref<128xi32, #tpu.memory_space<vmem>>) semaphore(%run_scoped3A : memref<!tpu.dma_semaphore, #tpu.memory_space<semaphore_mem>>) {add = true}
          %dma_wait3A_122 = arith.constant 0 : i32
          %dma_wait3A_123 = tpu.memref_slice %arg8[%scan3A_70, %dma_wait3A_122] : memref<16x128xi32, #tpu.memory_space<vmem>> -> memref<1x128xi32, #tpu.memory_space<vmem>>
          %dma_wait3A_124 = tpu.memref_squeeze %dma_wait3A_123 : memref<1x128xi32, #tpu.memory_space<vmem>> -> memref<128xi32, #tpu.memory_space<vmem>>
          %dma_wait3A_125 = arith.constant 0 : i32
          %dma_wait3A_126 = arith.constant 0 : i32
          %dma_wait3A_127 = tpu.memref_slice %arg11[%dma_wait3A_125, %dma_wait3A_126] : memref<10112x128xf32, #tpu.memory_space<vmem_shared>> -> memref<10112x128xf32, #tpu.memory_space<vmem_shared>>
          tpu.wait_indirect_dma semaphore(%run_scoped3A : memref<!tpu.dma_semaphore, #tpu.memory_space<semaphore_mem>>) src(%arg10 : memref<128x128xf32, #tpu.memory_space<vmem>>) dst(%dma_wait3A_127 : memref<10112x128xf32, #tpu.memory_space<vmem_shared>>)
          tpu.yield
        }) : () -> ()
      } else {
      }
    }
    %scan3A_39 = arith.constant 16 : i32
    "tpu.region"() ({
      %run_scoped3A = tpu.sem_alloc : memref<!tpu.dma_semaphore, #tpu.memory_space<semaphore_mem>>
      %dma_start3A_70 = arith.constant 48 : i32
      %dma_start3A_71 = arith.constant 0 : i32
      %dma_start3A_72 = tpu.memref_slice %arg2[%add3A, %dma_start3A_70, %dma_start3A_71] : memref<32x80x128xi32, #tpu.memory_space<hbm>> -> memref<1x16x128xi32, #tpu.memory_space<hbm>>
      %dma_start3A_73 = tpu.memref_squeeze %dma_start3A_72 : memref<1x16x128xi32, #tpu.memory_space<hbm>> -> memref<16x128xi32, #tpu.memory_space<hbm>>
      %dma_start3A_74 = arith.constant 48 : i32
      %dma_start3A_75 = arith.constant 0 : i32
      %dma_start3A_76 = tpu.memref_slice %arg2[%add3A, %dma_start3A_74, %dma_start3A_75] : memref<32x80x128xi32, #tpu.memory_space<hbm>> -> memref<1x16x128xi32, #tpu.memory_space<hbm>>
      %dma_start3A_77 = tpu.memref_squeeze %dma_start3A_76 : memref<1x16x128xi32, #tpu.memory_space<hbm>> -> memref<16x128xi32, #tpu.memory_space<hbm>>
      tpu.enqueue_dma source(%dma_start3A_77 : memref<16x128xi32, #tpu.memory_space<hbm>>) target(%arg7 : memref<16x128xi32, #tpu.memory_space<vmem>>) target_semaphore(%run_scoped3A : memref<!tpu.dma_semaphore, #tpu.memory_space<semaphore_mem>>)
      %dma_wait3A = arith.constant 48 : i32
      %dma_wait3A_78 = arith.constant 0 : i32
      %dma_wait3A_79 = tpu.memref_slice %arg2[%add3A, %dma_wait3A, %dma_wait3A_78] : memref<32x80x128xi32, #tpu.memory_space<hbm>> -> memref<1x16x128xi32, #tpu.memory_space<hbm>>
      %dma_wait3A_80 = tpu.memref_squeeze %dma_wait3A_79 : memref<1x16x128xi32, #tpu.memory_space<hbm>> -> memref<16x128xi32, #tpu.memory_space<hbm>>
      %dma_wait3A_81 = arith.constant 48 : i32
      %dma_wait3A_82 = arith.constant 0 : i32
      %dma_wait3A_83 = tpu.memref_slice %arg2[%add3A, %dma_wait3A_81, %dma_wait3A_82] : memref<32x80x128xi32, #tpu.memory_space<hbm>> -> memref<1x16x128xi32, #tpu.memory_space<hbm>>
      %dma_wait3A_84 = tpu.memref_squeeze %dma_wait3A_83 : memref<1x16x128xi32, #tpu.memory_space<hbm>> -> memref<16x128xi32, #tpu.memory_space<hbm>>
      tpu.wait_dma2 semaphore(%run_scoped3A : memref<!tpu.dma_semaphore, #tpu.memory_space<semaphore_mem>>) src(%dma_wait3A_84 : memref<16x128xi32, #tpu.memory_space<hbm>>) dst(%arg7 : memref<16x128xi32, #tpu.memory_space<vmem>>)
      tpu.yield
    }) : () -> ()
    "tpu.region"() ({
      %run_scoped3A = tpu.sem_alloc : memref<!tpu.dma_semaphore, #tpu.memory_space<semaphore_mem>>
      %dma_start3A_70 = arith.constant 48 : i32
      %dma_start3A_71 = arith.constant 0 : i32
      %dma_start3A_72 = tpu.memref_slice %arg3[%add3A, %dma_start3A_70, %dma_start3A_71] : memref<32x80x128xi32, #tpu.memory_space<hbm>> -> memref<1x16x128xi32, #tpu.memory_space<hbm>>
      %dma_start3A_73 = tpu.memref_squeeze %dma_start3A_72 : memref<1x16x128xi32, #tpu.memory_space<hbm>> -> memref<16x128xi32, #tpu.memory_space<hbm>>
      %dma_start3A_74 = arith.constant 48 : i32
      %dma_start3A_75 = arith.constant 0 : i32
      %dma_start3A_76 = tpu.memref_slice %arg3[%add3A, %dma_start3A_74, %dma_start3A_75] : memref<32x80x128xi32, #tpu.memory_space<hbm>> -> memref<1x16x128xi32, #tpu.memory_space<hbm>>
      %dma_start3A_77 = tpu.memref_squeeze %dma_start3A_76 : memref<1x16x128xi32, #tpu.memory_space<hbm>> -> memref<16x128xi32, #tpu.memory_space<hbm>>
      tpu.enqueue_dma source(%dma_start3A_77 : memref<16x128xi32, #tpu.memory_space<hbm>>) target(%arg8 : memref<16x128xi32, #tpu.memory_space<vmem>>) target_semaphore(%run_scoped3A : memref<!tpu.dma_semaphore, #tpu.memory_space<semaphore_mem>>)
      %dma_wait3A = arith.constant 48 : i32
      %dma_wait3A_78 = arith.constant 0 : i32
      %dma_wait3A_79 = tpu.memref_slice %arg3[%add3A, %dma_wait3A, %dma_wait3A_78] : memref<32x80x128xi32, #tpu.memory_space<hbm>> -> memref<1x16x128xi32, #tpu.memory_space<hbm>>
      %dma_wait3A_80 = tpu.memref_squeeze %dma_wait3A_79 : memref<1x16x128xi32, #tpu.memory_space<hbm>> -> memref<16x128xi32, #tpu.memory_space<hbm>>
      %dma_wait3A_81 = arith.constant 48 : i32
      %dma_wait3A_82 = arith.constant 0 : i32
      %dma_wait3A_83 = tpu.memref_slice %arg3[%add3A, %dma_wait3A_81, %dma_wait3A_82] : memref<32x80x128xi32, #tpu.memory_space<hbm>> -> memref<1x16x128xi32, #tpu.memory_space<hbm>>
      %dma_wait3A_84 = tpu.memref_squeeze %dma_wait3A_83 : memref<1x16x128xi32, #tpu.memory_space<hbm>> -> memref<16x128xi32, #tpu.memory_space<hbm>>
      tpu.wait_dma2 semaphore(%run_scoped3A : memref<!tpu.dma_semaphore, #tpu.memory_space<semaphore_mem>>) src(%dma_wait3A_84 : memref<16x128xi32, #tpu.memory_space<hbm>>) dst(%arg8 : memref<16x128xi32, #tpu.memory_space<vmem>>)
      tpu.yield
    }) : () -> ()
    %dma_start3A_40 = arith.constant 0 : i32
    %dma_start3A_41 = arith.constant 0 : i32
    %dma_start3A_42 = tpu.memref_slice %arg7[%dma_start3A_40, %dma_start3A_41] : memref<16x128xi32, #tpu.memory_space<vmem>> -> memref<1x128xi32, #tpu.memory_space<vmem>>
    %dma_start3A_43 = tpu.memref_squeeze %dma_start3A_42 : memref<1x128xi32, #tpu.memory_space<vmem>> -> memref<128xi32, #tpu.memory_space<vmem>>
    %dma_start3A_44 = arith.constant 0 : i32
    %dma_start3A_45 = arith.constant 0 : i32
    %dma_start3A_46 = tpu.memref_slice %arg4[%dma_start3A_44, %dma_start3A_45] : memref<10000x128xf32, #tpu.memory_space<hbm>> -> memref<10000x128xf32, #tpu.memory_space<hbm>>
    tpu.enqueue_indirect_dma source(%dma_start3A_46 : memref<10000x128xf32, #tpu.memory_space<hbm>>) target(%arg9 : memref<128x128xf32, #tpu.memory_space<vmem>>) offsets(%dma_start3A_43 : memref<128xi32, #tpu.memory_space<vmem>>) semaphore(%arg12 : memref<!tpu.dma_semaphore, #tpu.memory_space<semaphore_mem>>)
    %scan3A_47 = arith.constant 0 : i32
    %scan3A_48 = arith.constant 0 : i32
    %scan3A_49 = arith.constant 16 : i32
    %scan3A_50 = arith.addi %scan3A_48, %scan3A_49 : i32
    %scan3A_51 = arith.constant 1 : i32
    scf.for %scan3A_70 = %scan3A_48 to %scan3A_50 step %scan3A_51  : i32 {
      %jit3A = arith.constant 2 : i32
      %eq3A = arith.constant 0 : i32
      %eq3A_71 = arith.cmpi eq, %jit3A, %eq3A : i32
      %jit3A_72 = arith.constant 1 : i32
      %select_n3A = arith.select %eq3A_71, %jit3A_72, %jit3A : i32
      %rem3A = arith.remsi %scan3A_70, %select_n3A : i32
      %ne3A = arith.constant 0 : i32
      %ne3A_73 = arith.cmpi ne, %rem3A, %ne3A : i32
      %lt3A = arith.constant 0 : i32
      %lt3A_74 = arith.cmpi slt, %rem3A, %lt3A : i32
      %lt3A_75 = arith.constant 0 : i32
      %lt3A_76 = arith.cmpi slt, %select_n3A, %lt3A_75 : i32
      %ne3A_77 = arith.xori %lt3A_74, %lt3A_76 : i1
      %and3A = arith.andi %ne3A_77, %ne3A_73 : i1
      %add3A_78 = arith.addi %rem3A, %select_n3A : i32
      %select_n3A_79 = arith.select %and3A, %add3A_78, %rem3A : i32
      %eq3A_80 = arith.constant 0 : i32
      %eq3A_81 = arith.cmpi eq, %select_n3A_79, %eq3A_80 : i32
      %convert_element_type3A = arith.extui %eq3A_81 : i1 to i32
      %cond3A = arith.constant 0 : i32
      %cond3A_82 = arith.cmpi ne, %convert_element_type3A, %cond3A : i32
      scf.if %cond3A_82 {
        %dma_wait3A = arith.constant 0 : i32
        %dma_wait3A_104 = tpu.memref_slice %arg7[%scan3A_70, %dma_wait3A] : memref<16x128xi32, #tpu.memory_space<vmem>> -> memref<1x128xi32, #tpu.memory_space<vmem>>
        %dma_wait3A_105 = tpu.memref_squeeze %dma_wait3A_104 : memref<1x128xi32, #tpu.memory_space<vmem>> -> memref<128xi32, #tpu.memory_space<vmem>>
        %dma_wait3A_106 = arith.constant 0 : i32
        %dma_wait3A_107 = arith.constant 0 : i32
        %dma_wait3A_108 = tpu.memref_slice %arg4[%dma_wait3A_106, %dma_wait3A_107] : memref<10000x128xf32, #tpu.memory_space<hbm>> -> memref<10000x128xf32, #tpu.memory_space<hbm>>
        tpu.wait_indirect_dma semaphore(%arg12 : memref<!tpu.dma_semaphore, #tpu.memory_space<semaphore_mem>>) src(%dma_wait3A_108 : memref<10000x128xf32, #tpu.memory_space<hbm>>) dst(%arg9 : memref<128x128xf32, #tpu.memory_space<vmem>>)
        %add3A_109 = arith.constant 1 : i32
        %add3A_110 = arith.addi %scan3A_70, %add3A_109 : i32
        %lt3A_111 = arith.constant 16 : i32
        %lt3A_112 = arith.cmpi slt, %add3A_110, %lt3A_111 : i32
        %convert_element_type3A_113 = arith.extui %lt3A_112 : i1 to i32
        %cond3A_114 = arith.constant 0 : i32
        %cond3A_115 = arith.cmpi ne, %convert_element_type3A_113, %cond3A_114 : i32
        scf.if %cond3A_115 {
          %add3A_116 = arith.constant 1 : i32
          %add3A_117 = arith.addi %scan3A_70, %add3A_116 : i32
          %dma_start3A_118 = arith.constant 0 : i32
          %dma_start3A_119 = tpu.memref_slice %arg7[%add3A_117, %dma_start3A_118] : memref<16x128xi32, #tpu.memory_space<vmem>> -> memref<1x128xi32, #tpu.memory_space<vmem>>
          %dma_start3A_120 = tpu.memref_squeeze %dma_start3A_119 : memref<1x128xi32, #tpu.memory_space<vmem>> -> memref<128xi32, #tpu.memory_space<vmem>>
          %dma_start3A_121 = arith.constant 0 : i32
          %dma_start3A_122 = arith.constant 0 : i32
          %dma_start3A_123 = tpu.memref_slice %arg4[%dma_start3A_121, %dma_start3A_122] : memref<10000x128xf32, #tpu.memory_space<hbm>> -> memref<10000x128xf32, #tpu.memory_space<hbm>>
          tpu.enqueue_indirect_dma source(%dma_start3A_123 : memref<10000x128xf32, #tpu.memory_space<hbm>>) target(%arg10 : memref<128x128xf32, #tpu.memory_space<vmem>>) offsets(%dma_start3A_120 : memref<128xi32, #tpu.memory_space<vmem>>) semaphore(%arg12 : memref<!tpu.dma_semaphore, #tpu.memory_space<semaphore_mem>>)
        } else {
        }
        "tpu.region"() ({
          %run_scoped3A = tpu.sem_alloc : memref<!tpu.dma_semaphore, #tpu.memory_space<semaphore_mem>>
          %dma_start3A_116 = arith.constant 0 : i32
          %dma_start3A_117 = tpu.memref_slice %arg8[%scan3A_70, %dma_start3A_116] : memref<16x128xi32, #tpu.memory_space<vmem>> -> memref<1x128xi32, #tpu.memory_space<vmem>>
          %dma_start3A_118 = tpu.memref_squeeze %dma_start3A_117 : memref<1x128xi32, #tpu.memory_space<vmem>> -> memref<128xi32, #tpu.memory_space<vmem>>
          %dma_start3A_119 = arith.constant 0 : i32
          %dma_start3A_120 = arith.constant 0 : i32
          %dma_start3A_121 = tpu.memref_slice %arg11[%dma_start3A_119, %dma_start3A_120] : memref<10112x128xf32, #tpu.memory_space<vmem_shared>> -> memref<10112x128xf32, #tpu.memory_space<vmem_shared>>
          tpu.enqueue_indirect_dma source(%arg9 : memref<128x128xf32, #tpu.memory_space<vmem>>) target(%dma_start3A_121 : memref<10112x128xf32, #tpu.memory_space<vmem_shared>>) offsets(%dma_start3A_118 : memref<128xi32, #tpu.memory_space<vmem>>) semaphore(%run_scoped3A : memref<!tpu.dma_semaphore, #tpu.memory_space<semaphore_mem>>) {add = true}
          %dma_wait3A_122 = arith.constant 0 : i32
          %dma_wait3A_123 = tpu.memref_slice %arg8[%scan3A_70, %dma_wait3A_122] : memref<16x128xi32, #tpu.memory_space<vmem>> -> memref<1x128xi32, #tpu.memory_space<vmem>>
          %dma_wait3A_124 = tpu.memref_squeeze %dma_wait3A_123 : memref<1x128xi32, #tpu.memory_space<vmem>> -> memref<128xi32, #tpu.memory_space<vmem>>
          %dma_wait3A_125 = arith.constant 0 : i32
          %dma_wait3A_126 = arith.constant 0 : i32
          %dma_wait3A_127 = tpu.memref_slice %arg11[%dma_wait3A_125, %dma_wait3A_126] : memref<10112x128xf32, #tpu.memory_space<vmem_shared>> -> memref<10112x128xf32, #tpu.memory_space<vmem_shared>>
          tpu.wait_indirect_dma semaphore(%run_scoped3A : memref<!tpu.dma_semaphore, #tpu.memory_space<semaphore_mem>>) src(%arg9 : memref<128x128xf32, #tpu.memory_space<vmem>>) dst(%dma_wait3A_127 : memref<10112x128xf32, #tpu.memory_space<vmem_shared>>)
          tpu.yield
        }) : () -> ()
      } else {
      }
      %jit3A_83 = arith.constant 2 : i32
      %eq3A_84 = arith.constant 0 : i32
      %eq3A_85 = arith.cmpi eq, %jit3A_83, %eq3A_84 : i32
      %jit3A_86 = arith.constant 1 : i32
      %select_n3A_87 = arith.select %eq3A_85, %jit3A_86, %jit3A_83 : i32
      %rem3A_88 = arith.remsi %scan3A_70, %select_n3A_87 : i32
      %ne3A_89 = arith.constant 0 : i32
      %ne3A_90 = arith.cmpi ne, %rem3A_88, %ne3A_89 : i32
      %lt3A_91 = arith.constant 0 : i32
      %lt3A_92 = arith.cmpi slt, %rem3A_88, %lt3A_91 : i32
      %lt3A_93 = arith.constant 0 : i32
      %lt3A_94 = arith.cmpi slt, %select_n3A_87, %lt3A_93 : i32
      %ne3A_95 = arith.xori %lt3A_92, %lt3A_94 : i1
      %and3A_96 = arith.andi %ne3A_95, %ne3A_90 : i1
      %add3A_97 = arith.addi %rem3A_88, %select_n3A_87 : i32
      %select_n3A_98 = arith.select %and3A_96, %add3A_97, %rem3A_88 : i32
      %eq3A_99 = arith.constant 1 : i32
      %eq3A_100 = arith.cmpi eq, %select_n3A_98, %eq3A_99 : i32
      %convert_element_type3A_101 = arith.extui %eq3A_100 : i1 to i32
      %cond3A_102 = arith.constant 0 : i32
      %cond3A_103 = arith.cmpi ne, %convert_element_type3A_101, %cond3A_102 : i32
      scf.if %cond3A_103 {
        %dma_wait3A = arith.constant 0 : i32
        %dma_wait3A_104 = tpu.memref_slice %arg7[%scan3A_70, %dma_wait3A] : memref<16x128xi32, #tpu.memory_space<vmem>> -> memref<1x128xi32, #tpu.memory_space<vmem>>
        %dma_wait3A_105 = tpu.memref_squeeze %dma_wait3A_104 : memref<1x128xi32, #tpu.memory_space<vmem>> -> memref<128xi32, #tpu.memory_space<vmem>>
        %dma_wait3A_106 = arith.constant 0 : i32
        %dma_wait3A_107 = arith.constant 0 : i32
        %dma_wait3A_108 = tpu.memref_slice %arg4[%dma_wait3A_106, %dma_wait3A_107] : memref<10000x128xf32, #tpu.memory_space<hbm>> -> memref<10000x128xf32, #tpu.memory_space<hbm>>
        tpu.wait_indirect_dma semaphore(%arg12 : memref<!tpu.dma_semaphore, #tpu.memory_space<semaphore_mem>>) src(%dma_wait3A_108 : memref<10000x128xf32, #tpu.memory_space<hbm>>) dst(%arg10 : memref<128x128xf32, #tpu.memory_space<vmem>>)
        %add3A_109 = arith.constant 1 : i32
        %add3A_110 = arith.addi %scan3A_70, %add3A_109 : i32
        %lt3A_111 = arith.constant 16 : i32
        %lt3A_112 = arith.cmpi slt, %add3A_110, %lt3A_111 : i32
        %convert_element_type3A_113 = arith.extui %lt3A_112 : i1 to i32
        %cond3A_114 = arith.constant 0 : i32
        %cond3A_115 = arith.cmpi ne, %convert_element_type3A_113, %cond3A_114 : i32
        scf.if %cond3A_115 {
          %add3A_116 = arith.constant 1 : i32
          %add3A_117 = arith.addi %scan3A_70, %add3A_116 : i32
          %dma_start3A_118 = arith.constant 0 : i32
          %dma_start3A_119 = tpu.memref_slice %arg7[%add3A_117, %dma_start3A_118] : memref<16x128xi32, #tpu.memory_space<vmem>> -> memref<1x128xi32, #tpu.memory_space<vmem>>
          %dma_start3A_120 = tpu.memref_squeeze %dma_start3A_119 : memref<1x128xi32, #tpu.memory_space<vmem>> -> memref<128xi32, #tpu.memory_space<vmem>>
          %dma_start3A_121 = arith.constant 0 : i32
          %dma_start3A_122 = arith.constant 0 : i32
          %dma_start3A_123 = tpu.memref_slice %arg4[%dma_start3A_121, %dma_start3A_122] : memref<10000x128xf32, #tpu.memory_space<hbm>> -> memref<10000x128xf32, #tpu.memory_space<hbm>>
          tpu.enqueue_indirect_dma source(%dma_start3A_123 : memref<10000x128xf32, #tpu.memory_space<hbm>>) target(%arg9 : memref<128x128xf32, #tpu.memory_space<vmem>>) offsets(%dma_start3A_120 : memref<128xi32, #tpu.memory_space<vmem>>) semaphore(%arg12 : memref<!tpu.dma_semaphore, #tpu.memory_space<semaphore_mem>>)
        } else {
        }
        "tpu.region"() ({
          %run_scoped3A = tpu.sem_alloc : memref<!tpu.dma_semaphore, #tpu.memory_space<semaphore_mem>>
          %dma_start3A_116 = arith.constant 0 : i32
          %dma_start3A_117 = tpu.memref_slice %arg8[%scan3A_70, %dma_start3A_116] : memref<16x128xi32, #tpu.memory_space<vmem>> -> memref<1x128xi32, #tpu.memory_space<vmem>>
          %dma_start3A_118 = tpu.memref_squeeze %dma_start3A_117 : memref<1x128xi32, #tpu.memory_space<vmem>> -> memref<128xi32, #tpu.memory_space<vmem>>
          %dma_start3A_119 = arith.constant 0 : i32
          %dma_start3A_120 = arith.constant 0 : i32
          %dma_start3A_121 = tpu.memref_slice %arg11[%dma_start3A_119, %dma_start3A_120] : memref<10112x128xf32, #tpu.memory_space<vmem_shared>> -> memref<10112x128xf32, #tpu.memory_space<vmem_shared>>
          tpu.enqueue_indirect_dma source(%arg10 : memref<128x128xf32, #tpu.memory_space<vmem>>) target(%dma_start3A_121 : memref<10112x128xf32, #tpu.memory_space<vmem_shared>>) offsets(%dma_start3A_118 : memref<128xi32, #tpu.memory_space<vmem>>) semaphore(%run_scoped3A : memref<!tpu.dma_semaphore, #tpu.memory_space<semaphore_mem>>) {add = true}
          %dma_wait3A_122 = arith.constant 0 : i32
          %dma_wait3A_123 = tpu.memref_slice %arg8[%scan3A_70, %dma_wait3A_122] : memref<16x128xi32, #tpu.memory_space<vmem>> -> memref<1x128xi32, #tpu.memory_space<vmem>>
          %dma_wait3A_124 = tpu.memref_squeeze %dma_wait3A_123 : memref<1x128xi32, #tpu.memory_space<vmem>> -> memref<128xi32, #tpu.memory_space<vmem>>
          %dma_wait3A_125 = arith.constant 0 : i32
          %dma_wait3A_126 = arith.constant 0 : i32
          %dma_wait3A_127 = tpu.memref_slice %arg11[%dma_wait3A_125, %dma_wait3A_126] : memref<10112x128xf32, #tpu.memory_space<vmem_shared>> -> memref<10112x128xf32, #tpu.memory_space<vmem_shared>>
          tpu.wait_indirect_dma semaphore(%run_scoped3A : memref<!tpu.dma_semaphore, #tpu.memory_space<semaphore_mem>>) src(%arg10 : memref<128x128xf32, #tpu.memory_space<vmem>>) dst(%dma_wait3A_127 : memref<10112x128xf32, #tpu.memory_space<vmem_shared>>)
          tpu.yield
        }) : () -> ()
      } else {
      }
    }
    %scan3A_52 = arith.constant 16 : i32
    "tpu.region"() ({
      %run_scoped3A = tpu.sem_alloc : memref<!tpu.dma_semaphore, #tpu.memory_space<semaphore_mem>>
      %dma_start3A_70 = arith.constant 64 : i32
      %dma_start3A_71 = arith.constant 0 : i32
      %dma_start3A_72 = tpu.memref_slice %arg2[%add3A, %dma_start3A_70, %dma_start3A_71] : memref<32x80x128xi32, #tpu.memory_space<hbm>> -> memref<1x16x128xi32, #tpu.memory_space<hbm>>
      %dma_start3A_73 = tpu.memref_squeeze %dma_start3A_72 : memref<1x16x128xi32, #tpu.memory_space<hbm>> -> memref<16x128xi32, #tpu.memory_space<hbm>>
      %dma_start3A_74 = arith.constant 64 : i32
      %dma_start3A_75 = arith.constant 0 : i32
      %dma_start3A_76 = tpu.memref_slice %arg2[%add3A, %dma_start3A_74, %dma_start3A_75] : memref<32x80x128xi32, #tpu.memory_space<hbm>> -> memref<1x16x128xi32, #tpu.memory_space<hbm>>
      %dma_start3A_77 = tpu.memref_squeeze %dma_start3A_76 : memref<1x16x128xi32, #tpu.memory_space<hbm>> -> memref<16x128xi32, #tpu.memory_space<hbm>>
      tpu.enqueue_dma source(%dma_start3A_77 : memref<16x128xi32, #tpu.memory_space<hbm>>) target(%arg7 : memref<16x128xi32, #tpu.memory_space<vmem>>) target_semaphore(%run_scoped3A : memref<!tpu.dma_semaphore, #tpu.memory_space<semaphore_mem>>)
      %dma_wait3A = arith.constant 64 : i32
      %dma_wait3A_78 = arith.constant 0 : i32
      %dma_wait3A_79 = tpu.memref_slice %arg2[%add3A, %dma_wait3A, %dma_wait3A_78] : memref<32x80x128xi32, #tpu.memory_space<hbm>> -> memref<1x16x128xi32, #tpu.memory_space<hbm>>
      %dma_wait3A_80 = tpu.memref_squeeze %dma_wait3A_79 : memref<1x16x128xi32, #tpu.memory_space<hbm>> -> memref<16x128xi32, #tpu.memory_space<hbm>>
      %dma_wait3A_81 = arith.constant 64 : i32
      %dma_wait3A_82 = arith.constant 0 : i32
      %dma_wait3A_83 = tpu.memref_slice %arg2[%add3A, %dma_wait3A_81, %dma_wait3A_82] : memref<32x80x128xi32, #tpu.memory_space<hbm>> -> memref<1x16x128xi32, #tpu.memory_space<hbm>>
      %dma_wait3A_84 = tpu.memref_squeeze %dma_wait3A_83 : memref<1x16x128xi32, #tpu.memory_space<hbm>> -> memref<16x128xi32, #tpu.memory_space<hbm>>
      tpu.wait_dma2 semaphore(%run_scoped3A : memref<!tpu.dma_semaphore, #tpu.memory_space<semaphore_mem>>) src(%dma_wait3A_84 : memref<16x128xi32, #tpu.memory_space<hbm>>) dst(%arg7 : memref<16x128xi32, #tpu.memory_space<vmem>>)
      tpu.yield
    }) : () -> ()
    "tpu.region"() ({
      %run_scoped3A = tpu.sem_alloc : memref<!tpu.dma_semaphore, #tpu.memory_space<semaphore_mem>>
      %dma_start3A_70 = arith.constant 64 : i32
      %dma_start3A_71 = arith.constant 0 : i32
      %dma_start3A_72 = tpu.memref_slice %arg3[%add3A, %dma_start3A_70, %dma_start3A_71] : memref<32x80x128xi32, #tpu.memory_space<hbm>> -> memref<1x16x128xi32, #tpu.memory_space<hbm>>
      %dma_start3A_73 = tpu.memref_squeeze %dma_start3A_72 : memref<1x16x128xi32, #tpu.memory_space<hbm>> -> memref<16x128xi32, #tpu.memory_space<hbm>>
      %dma_start3A_74 = arith.constant 64 : i32
      %dma_start3A_75 = arith.constant 0 : i32
      %dma_start3A_76 = tpu.memref_slice %arg3[%add3A, %dma_start3A_74, %dma_start3A_75] : memref<32x80x128xi32, #tpu.memory_space<hbm>> -> memref<1x16x128xi32, #tpu.memory_space<hbm>>
      %dma_start3A_77 = tpu.memref_squeeze %dma_start3A_76 : memref<1x16x128xi32, #tpu.memory_space<hbm>> -> memref<16x128xi32, #tpu.memory_space<hbm>>
      tpu.enqueue_dma source(%dma_start3A_77 : memref<16x128xi32, #tpu.memory_space<hbm>>) target(%arg8 : memref<16x128xi32, #tpu.memory_space<vmem>>) target_semaphore(%run_scoped3A : memref<!tpu.dma_semaphore, #tpu.memory_space<semaphore_mem>>)
      %dma_wait3A = arith.constant 64 : i32
      %dma_wait3A_78 = arith.constant 0 : i32
      %dma_wait3A_79 = tpu.memref_slice %arg3[%add3A, %dma_wait3A, %dma_wait3A_78] : memref<32x80x128xi32, #tpu.memory_space<hbm>> -> memref<1x16x128xi32, #tpu.memory_space<hbm>>
      %dma_wait3A_80 = tpu.memref_squeeze %dma_wait3A_79 : memref<1x16x128xi32, #tpu.memory_space<hbm>> -> memref<16x128xi32, #tpu.memory_space<hbm>>
      %dma_wait3A_81 = arith.constant 64 : i32
      %dma_wait3A_82 = arith.constant 0 : i32
      %dma_wait3A_83 = tpu.memref_slice %arg3[%add3A, %dma_wait3A_81, %dma_wait3A_82] : memref<32x80x128xi32, #tpu.memory_space<hbm>> -> memref<1x16x128xi32, #tpu.memory_space<hbm>>
      %dma_wait3A_84 = tpu.memref_squeeze %dma_wait3A_83 : memref<1x16x128xi32, #tpu.memory_space<hbm>> -> memref<16x128xi32, #tpu.memory_space<hbm>>
      tpu.wait_dma2 semaphore(%run_scoped3A : memref<!tpu.dma_semaphore, #tpu.memory_space<semaphore_mem>>) src(%dma_wait3A_84 : memref<16x128xi32, #tpu.memory_space<hbm>>) dst(%arg8 : memref<16x128xi32, #tpu.memory_space<vmem>>)
      tpu.yield
    }) : () -> ()
    %dma_start3A_53 = arith.constant 0 : i32
    %dma_start3A_54 = arith.constant 0 : i32
    %dma_start3A_55 = tpu.memref_slice %arg7[%dma_start3A_53, %dma_start3A_54] : memref<16x128xi32, #tpu.memory_space<vmem>> -> memref<1x128xi32, #tpu.memory_space<vmem>>
    %dma_start3A_56 = tpu.memref_squeeze %dma_start3A_55 : memref<1x128xi32, #tpu.memory_space<vmem>> -> memref<128xi32, #tpu.memory_space<vmem>>
    %dma_start3A_57 = arith.constant 0 : i32
    %dma_start3A_58 = arith.constant 0 : i32
    %dma_start3A_59 = tpu.memref_slice %arg4[%dma_start3A_57, %dma_start3A_58] : memref<10000x128xf32, #tpu.memory_space<hbm>> -> memref<10000x128xf32, #tpu.memory_space<hbm>>
    tpu.enqueue_indirect_dma source(%dma_start3A_59 : memref<10000x128xf32, #tpu.memory_space<hbm>>) target(%arg9 : memref<128x128xf32, #tpu.memory_space<vmem>>) offsets(%dma_start3A_56 : memref<128xi32, #tpu.memory_space<vmem>>) semaphore(%arg12 : memref<!tpu.dma_semaphore, #tpu.memory_space<semaphore_mem>>)
    %scan3A_60 = arith.constant 0 : i32
    %scan3A_61 = arith.constant 0 : i32
    %scan3A_62 = arith.constant 16 : i32
    %scan3A_63 = arith.addi %scan3A_61, %scan3A_62 : i32
    %scan3A_64 = arith.constant 1 : i32
    scf.for %scan3A_70 = %scan3A_61 to %scan3A_63 step %scan3A_64  : i32 {
      %jit3A = arith.constant 2 : i32
      %eq3A = arith.constant 0 : i32
      %eq3A_71 = arith.cmpi eq, %jit3A, %eq3A : i32
      %jit3A_72 = arith.constant 1 : i32
      %select_n3A = arith.select %eq3A_71, %jit3A_72, %jit3A : i32
      %rem3A = arith.remsi %scan3A_70, %select_n3A : i32
      %ne3A = arith.constant 0 : i32
      %ne3A_73 = arith.cmpi ne, %rem3A, %ne3A : i32
      %lt3A = arith.constant 0 : i32
      %lt3A_74 = arith.cmpi slt, %rem3A, %lt3A : i32
      %lt3A_75 = arith.constant 0 : i32
      %lt3A_76 = arith.cmpi slt, %select_n3A, %lt3A_75 : i32
      %ne3A_77 = arith.xori %lt3A_74, %lt3A_76 : i1
      %and3A = arith.andi %ne3A_77, %ne3A_73 : i1
      %add3A_78 = arith.addi %rem3A, %select_n3A : i32
      %select_n3A_79 = arith.select %and3A, %add3A_78, %rem3A : i32
      %eq3A_80 = arith.constant 0 : i32
      %eq3A_81 = arith.cmpi eq, %select_n3A_79, %eq3A_80 : i32
      %convert_element_type3A = arith.extui %eq3A_81 : i1 to i32
      %cond3A = arith.constant 0 : i32
      %cond3A_82 = arith.cmpi ne, %convert_element_type3A, %cond3A : i32
      scf.if %cond3A_82 {
        %dma_wait3A = arith.constant 0 : i32
        %dma_wait3A_104 = tpu.memref_slice %arg7[%scan3A_70, %dma_wait3A] : memref<16x128xi32, #tpu.memory_space<vmem>> -> memref<1x128xi32, #tpu.memory_space<vmem>>
        %dma_wait3A_105 = tpu.memref_squeeze %dma_wait3A_104 : memref<1x128xi32, #tpu.memory_space<vmem>> -> memref<128xi32, #tpu.memory_space<vmem>>
        %dma_wait3A_106 = arith.constant 0 : i32
        %dma_wait3A_107 = arith.constant 0 : i32
        %dma_wait3A_108 = tpu.memref_slice %arg4[%dma_wait3A_106, %dma_wait3A_107] : memref<10000x128xf32, #tpu.memory_space<hbm>> -> memref<10000x128xf32, #tpu.memory_space<hbm>>
        tpu.wait_indirect_dma semaphore(%arg12 : memref<!tpu.dma_semaphore, #tpu.memory_space<semaphore_mem>>) src(%dma_wait3A_108 : memref<10000x128xf32, #tpu.memory_space<hbm>>) dst(%arg9 : memref<128x128xf32, #tpu.memory_space<vmem>>)
        %add3A_109 = arith.constant 1 : i32
        %add3A_110 = arith.addi %scan3A_70, %add3A_109 : i32
        %lt3A_111 = arith.constant 16 : i32
        %lt3A_112 = arith.cmpi slt, %add3A_110, %lt3A_111 : i32
        %convert_element_type3A_113 = arith.extui %lt3A_112 : i1 to i32
        %cond3A_114 = arith.constant 0 : i32
        %cond3A_115 = arith.cmpi ne, %convert_element_type3A_113, %cond3A_114 : i32
        scf.if %cond3A_115 {
          %add3A_116 = arith.constant 1 : i32
          %add3A_117 = arith.addi %scan3A_70, %add3A_116 : i32
          %dma_start3A_118 = arith.constant 0 : i32
          %dma_start3A_119 = tpu.memref_slice %arg7[%add3A_117, %dma_start3A_118] : memref<16x128xi32, #tpu.memory_space<vmem>> -> memref<1x128xi32, #tpu.memory_space<vmem>>
          %dma_start3A_120 = tpu.memref_squeeze %dma_start3A_119 : memref<1x128xi32, #tpu.memory_space<vmem>> -> memref<128xi32, #tpu.memory_space<vmem>>
          %dma_start3A_121 = arith.constant 0 : i32
          %dma_start3A_122 = arith.constant 0 : i32
          %dma_start3A_123 = tpu.memref_slice %arg4[%dma_start3A_121, %dma_start3A_122] : memref<10000x128xf32, #tpu.memory_space<hbm>> -> memref<10000x128xf32, #tpu.memory_space<hbm>>
          tpu.enqueue_indirect_dma source(%dma_start3A_123 : memref<10000x128xf32, #tpu.memory_space<hbm>>) target(%arg10 : memref<128x128xf32, #tpu.memory_space<vmem>>) offsets(%dma_start3A_120 : memref<128xi32, #tpu.memory_space<vmem>>) semaphore(%arg12 : memref<!tpu.dma_semaphore, #tpu.memory_space<semaphore_mem>>)
        } else {
        }
        "tpu.region"() ({
          %run_scoped3A = tpu.sem_alloc : memref<!tpu.dma_semaphore, #tpu.memory_space<semaphore_mem>>
          %dma_start3A_116 = arith.constant 0 : i32
          %dma_start3A_117 = tpu.memref_slice %arg8[%scan3A_70, %dma_start3A_116] : memref<16x128xi32, #tpu.memory_space<vmem>> -> memref<1x128xi32, #tpu.memory_space<vmem>>
          %dma_start3A_118 = tpu.memref_squeeze %dma_start3A_117 : memref<1x128xi32, #tpu.memory_space<vmem>> -> memref<128xi32, #tpu.memory_space<vmem>>
          %dma_start3A_119 = arith.constant 0 : i32
          %dma_start3A_120 = arith.constant 0 : i32
          %dma_start3A_121 = tpu.memref_slice %arg11[%dma_start3A_119, %dma_start3A_120] : memref<10112x128xf32, #tpu.memory_space<vmem_shared>> -> memref<10112x128xf32, #tpu.memory_space<vmem_shared>>
          tpu.enqueue_indirect_dma source(%arg9 : memref<128x128xf32, #tpu.memory_space<vmem>>) target(%dma_start3A_121 : memref<10112x128xf32, #tpu.memory_space<vmem_shared>>) offsets(%dma_start3A_118 : memref<128xi32, #tpu.memory_space<vmem>>) semaphore(%run_scoped3A : memref<!tpu.dma_semaphore, #tpu.memory_space<semaphore_mem>>) {add = true}
          %dma_wait3A_122 = arith.constant 0 : i32
          %dma_wait3A_123 = tpu.memref_slice %arg8[%scan3A_70, %dma_wait3A_122] : memref<16x128xi32, #tpu.memory_space<vmem>> -> memref<1x128xi32, #tpu.memory_space<vmem>>
          %dma_wait3A_124 = tpu.memref_squeeze %dma_wait3A_123 : memref<1x128xi32, #tpu.memory_space<vmem>> -> memref<128xi32, #tpu.memory_space<vmem>>
          %dma_wait3A_125 = arith.constant 0 : i32
          %dma_wait3A_126 = arith.constant 0 : i32
          %dma_wait3A_127 = tpu.memref_slice %arg11[%dma_wait3A_125, %dma_wait3A_126] : memref<10112x128xf32, #tpu.memory_space<vmem_shared>> -> memref<10112x128xf32, #tpu.memory_space<vmem_shared>>
          tpu.wait_indirect_dma semaphore(%run_scoped3A : memref<!tpu.dma_semaphore, #tpu.memory_space<semaphore_mem>>) src(%arg9 : memref<128x128xf32, #tpu.memory_space<vmem>>) dst(%dma_wait3A_127 : memref<10112x128xf32, #tpu.memory_space<vmem_shared>>)
          tpu.yield
        }) : () -> ()
      } else {
      }
      %jit3A_83 = arith.constant 2 : i32
      %eq3A_84 = arith.constant 0 : i32
      %eq3A_85 = arith.cmpi eq, %jit3A_83, %eq3A_84 : i32
      %jit3A_86 = arith.constant 1 : i32
      %select_n3A_87 = arith.select %eq3A_85, %jit3A_86, %jit3A_83 : i32
      %rem3A_88 = arith.remsi %scan3A_70, %select_n3A_87 : i32
      %ne3A_89 = arith.constant 0 : i32
      %ne3A_90 = arith.cmpi ne, %rem3A_88, %ne3A_89 : i32
      %lt3A_91 = arith.constant 0 : i32
      %lt3A_92 = arith.cmpi slt, %rem3A_88, %lt3A_91 : i32
      %lt3A_93 = arith.constant 0 : i32
      %lt3A_94 = arith.cmpi slt, %select_n3A_87, %lt3A_93 : i32
      %ne3A_95 = arith.xori %lt3A_92, %lt3A_94 : i1
      %and3A_96 = arith.andi %ne3A_95, %ne3A_90 : i1
      %add3A_97 = arith.addi %rem3A_88, %select_n3A_87 : i32
      %select_n3A_98 = arith.select %and3A_96, %add3A_97, %rem3A_88 : i32
      %eq3A_99 = arith.constant 1 : i32
      %eq3A_100 = arith.cmpi eq, %select_n3A_98, %eq3A_99 : i32
      %convert_element_type3A_101 = arith.extui %eq3A_100 : i1 to i32
      %cond3A_102 = arith.constant 0 : i32
      %cond3A_103 = arith.cmpi ne, %convert_element_type3A_101, %cond3A_102 : i32
      scf.if %cond3A_103 {
        %dma_wait3A = arith.constant 0 : i32
        %dma_wait3A_104 = tpu.memref_slice %arg7[%scan3A_70, %dma_wait3A] : memref<16x128xi32, #tpu.memory_space<vmem>> -> memref<1x128xi32, #tpu.memory_space<vmem>>
        %dma_wait3A_105 = tpu.memref_squeeze %dma_wait3A_104 : memref<1x128xi32, #tpu.memory_space<vmem>> -> memref<128xi32, #tpu.memory_space<vmem>>
        %dma_wait3A_106 = arith.constant 0 : i32
        %dma_wait3A_107 = arith.constant 0 : i32
        %dma_wait3A_108 = tpu.memref_slice %arg4[%dma_wait3A_106, %dma_wait3A_107] : memref<10000x128xf32, #tpu.memory_space<hbm>> -> memref<10000x128xf32, #tpu.memory_space<hbm>>
        tpu.wait_indirect_dma semaphore(%arg12 : memref<!tpu.dma_semaphore, #tpu.memory_space<semaphore_mem>>) src(%dma_wait3A_108 : memref<10000x128xf32, #tpu.memory_space<hbm>>) dst(%arg10 : memref<128x128xf32, #tpu.memory_space<vmem>>)
        %add3A_109 = arith.constant 1 : i32
        %add3A_110 = arith.addi %scan3A_70, %add3A_109 : i32
        %lt3A_111 = arith.constant 16 : i32
        %lt3A_112 = arith.cmpi slt, %add3A_110, %lt3A_111 : i32
        %convert_element_type3A_113 = arith.extui %lt3A_112 : i1 to i32
        %cond3A_114 = arith.constant 0 : i32
        %cond3A_115 = arith.cmpi ne, %convert_element_type3A_113, %cond3A_114 : i32
        scf.if %cond3A_115 {
          %add3A_116 = arith.constant 1 : i32
          %add3A_117 = arith.addi %scan3A_70, %add3A_116 : i32
          %dma_start3A_118 = arith.constant 0 : i32
          %dma_start3A_119 = tpu.memref_slice %arg7[%add3A_117, %dma_start3A_118] : memref<16x128xi32, #tpu.memory_space<vmem>> -> memref<1x128xi32, #tpu.memory_space<vmem>>
          %dma_start3A_120 = tpu.memref_squeeze %dma_start3A_119 : memref<1x128xi32, #tpu.memory_space<vmem>> -> memref<128xi32, #tpu.memory_space<vmem>>
          %dma_start3A_121 = arith.constant 0 : i32
          %dma_start3A_122 = arith.constant 0 : i32
          %dma_start3A_123 = tpu.memref_slice %arg4[%dma_start3A_121, %dma_start3A_122] : memref<10000x128xf32, #tpu.memory_space<hbm>> -> memref<10000x128xf32, #tpu.memory_space<hbm>>
          tpu.enqueue_indirect_dma source(%dma_start3A_123 : memref<10000x128xf32, #tpu.memory_space<hbm>>) target(%arg9 : memref<128x128xf32, #tpu.memory_space<vmem>>) offsets(%dma_start3A_120 : memref<128xi32, #tpu.memory_space<vmem>>) semaphore(%arg12 : memref<!tpu.dma_semaphore, #tpu.memory_space<semaphore_mem>>)
        } else {
        }
        "tpu.region"() ({
          %run_scoped3A = tpu.sem_alloc : memref<!tpu.dma_semaphore, #tpu.memory_space<semaphore_mem>>
          %dma_start3A_116 = arith.constant 0 : i32
          %dma_start3A_117 = tpu.memref_slice %arg8[%scan3A_70, %dma_start3A_116] : memref<16x128xi32, #tpu.memory_space<vmem>> -> memref<1x128xi32, #tpu.memory_space<vmem>>
          %dma_start3A_118 = tpu.memref_squeeze %dma_start3A_117 : memref<1x128xi32, #tpu.memory_space<vmem>> -> memref<128xi32, #tpu.memory_space<vmem>>
          %dma_start3A_119 = arith.constant 0 : i32
          %dma_start3A_120 = arith.constant 0 : i32
          %dma_start3A_121 = tpu.memref_slice %arg11[%dma_start3A_119, %dma_start3A_120] : memref<10112x128xf32, #tpu.memory_space<vmem_shared>> -> memref<10112x128xf32, #tpu.memory_space<vmem_shared>>
          tpu.enqueue_indirect_dma source(%arg10 : memref<128x128xf32, #tpu.memory_space<vmem>>) target(%dma_start3A_121 : memref<10112x128xf32, #tpu.memory_space<vmem_shared>>) offsets(%dma_start3A_118 : memref<128xi32, #tpu.memory_space<vmem>>) semaphore(%run_scoped3A : memref<!tpu.dma_semaphore, #tpu.memory_space<semaphore_mem>>) {add = true}
          %dma_wait3A_122 = arith.constant 0 : i32
          %dma_wait3A_123 = tpu.memref_slice %arg8[%scan3A_70, %dma_wait3A_122] : memref<16x128xi32, #tpu.memory_space<vmem>> -> memref<1x128xi32, #tpu.memory_space<vmem>>
          %dma_wait3A_124 = tpu.memref_squeeze %dma_wait3A_123 : memref<1x128xi32, #tpu.memory_space<vmem>> -> memref<128xi32, #tpu.memory_space<vmem>>
          %dma_wait3A_125 = arith.constant 0 : i32
          %dma_wait3A_126 = arith.constant 0 : i32
          %dma_wait3A_127 = tpu.memref_slice %arg11[%dma_wait3A_125, %dma_wait3A_126] : memref<10112x128xf32, #tpu.memory_space<vmem_shared>> -> memref<10112x128xf32, #tpu.memory_space<vmem_shared>>
          tpu.wait_indirect_dma semaphore(%run_scoped3A : memref<!tpu.dma_semaphore, #tpu.memory_space<semaphore_mem>>) src(%arg10 : memref<128x128xf32, #tpu.memory_space<vmem>>) dst(%dma_wait3A_127 : memref<10112x128xf32, #tpu.memory_space<vmem_shared>>)
          tpu.yield
        }) : () -> ()
      } else {
      }
    }
    %scan3A_65 = arith.constant 16 : i32
    %barrier3A_66 = arith.constant 0 : index
    tpu.barrier barrier_id(%barrier3A_66)
    %mul3A_67 = arith.constant 10112 : i32
    %mul3A_68 = arith.muli %arg0, %mul3A_67 : i32
    %add3A_69 = arith.addi %mul3A_68, %mul3A_2 : i32
    "tpu.region"() ({
      %run_scoped3A = tpu.sem_alloc : memref<!tpu.dma_semaphore, #tpu.memory_space<semaphore_mem>>
      %dma_start3A_70 = arith.constant 0 : i32
      %dma_start3A_71 = tpu.memref_slice %arg6[%add3A_69, %dma_start3A_70] : memref<20224x128xf32, #tpu.memory_space<hbm>> -> memref<632x128xf32, #tpu.memory_space<hbm>>
      %dma_start3A_72 = arith.constant 0 : i32
      %dma_start3A_73 = tpu.memref_slice %arg11[%mul3A_2, %dma_start3A_72] : memref<10112x128xf32, #tpu.memory_space<vmem_shared>> -> memref<632x128xf32, #tpu.memory_space<vmem_shared>>
      tpu.enqueue_dma source(%dma_start3A_73 : memref<632x128xf32, #tpu.memory_space<vmem_shared>>) target(%dma_start3A_71 : memref<632x128xf32, #tpu.memory_space<hbm>>) target_semaphore(%run_scoped3A : memref<!tpu.dma_semaphore, #tpu.memory_space<semaphore_mem>>)
      %dma_wait3A = arith.constant 0 : i32
      %dma_wait3A_74 = tpu.memref_slice %arg6[%add3A_69, %dma_wait3A] : memref<20224x128xf32, #tpu.memory_space<hbm>> -> memref<632x128xf32, #tpu.memory_space<hbm>>
      %dma_wait3A_75 = arith.constant 0 : i32
      %dma_wait3A_76 = tpu.memref_slice %arg11[%mul3A_2, %dma_wait3A_75] : memref<10112x128xf32, #tpu.memory_space<vmem_shared>> -> memref<632x128xf32, #tpu.memory_space<vmem_shared>>
      tpu.wait_dma2 semaphore(%run_scoped3A : memref<!tpu.dma_semaphore, #tpu.memory_space<semaphore_mem>>) src(%dma_wait3A_76 : memref<632x128xf32, #tpu.memory_space<vmem_shared>>) dst(%dma_wait3A_74 : memref<632x128xf32, #tpu.memory_space<hbm>>)
      tpu.yield
    }) : () -> ()
    return
  }
}

module attributes {stable_mosaic.version = 14 : i64} {
  func.func @_tc1_body(%arg0: memref<10000x128xf32, #tpu.memory_space<vmem>>, %arg1: memref<128x128xf32, #tpu.memory_space<vmem>>, %arg2: memref<2x10112x16xf32, #tpu.memory_space<vmem>>, %arg3: memref<10000x128xf32, #tpu.memory_space<vmem>>) attributes {dimension_semantics = [], scalar_prefetch = 0 : i64, scratch_operands = 0 : i64, tpu.core_type = #tpu.core_type<tc>} {
    %get3A = arith.constant 0 : index
    %get3A_0 = arith.constant 0 : index
    %get3A_1 = arith.constant 0 : index
    %get3A_2 = vector.load %arg2[%get3A, %get3A_0, %get3A_1] : memref<2x10112x16xf32, #tpu.memory_space<vmem>>, vector<1x10000x1xf32>
    %get3A_3 = vector.shape_cast %get3A_2 : vector<1x10000x1xf32> to vector<10000x1xf32>
    %get3A_4 = arith.constant 1 : index
    %get3A_5 = arith.constant 0 : index
    %get3A_6 = arith.constant 0 : index
    %get3A_7 = vector.load %arg2[%get3A_4, %get3A_5, %get3A_6] : memref<2x10112x16xf32, #tpu.memory_space<vmem>>, vector<1x10000x1xf32>
    %get3A_8 = vector.shape_cast %get3A_7 : vector<1x10000x1xf32> to vector<10000x1xf32>
    %add3A = arith.addf %get3A_3, %get3A_8 : vector<10000x1xf32>
    %add3A_9 = arith.constant 1.000000e+00 : f32
    %add3A_10 = vector.broadcast %add3A_9 : f32 to vector<10000x1xf32>
    %add3A_11 = arith.addf %add3A, %add3A_10 : vector<10000x1xf32>
    %rsqrt3A = math.rsqrt %add3A_11 : vector<10000x1xf32>
    %get3A_12 = arith.constant 0 : index
    %get3A_13 = arith.constant 0 : index
    %get3A_14 = vector.load %arg0[%get3A_12, %get3A_13] : memref<10000x128xf32, #tpu.memory_space<vmem>>, vector<10000x128xf32>
    %get3A_15 = arith.constant 0 : index
    %get3A_16 = arith.constant 0 : index
    %get3A_17 = vector.load %arg1[%get3A_15, %get3A_16] : memref<128x128xf32, #tpu.memory_space<vmem>>, vector<128x128xf32>
    %dot_general3A = arith.constant dense<0.000000e+00> : vector<10000x128xf32>
    %dot_general3A_18 = tpu.matmul %get3A_14, %get3A_17, %dot_general3A {dimension_numbers = #tpu.dot_dimension_numbers<[1], [0], [0], [1], [0, 0, 1, 1], [], []>, transpose_lhs_hint = false} : vector<10000x128xf32>, vector<128x128xf32>, vector<10000x128xf32> -> vector<10000x128xf32>
    %mul3A = vector.broadcast %rsqrt3A : vector<10000x1xf32> to vector<10000x128xf32>
    %mul3A_19 = arith.mulf %dot_general3A_18, %mul3A : vector<10000x128xf32>
    %swap3A = arith.constant 0 : index
    %swap3A_20 = arith.constant 0 : index
    %swap3A_21 = vector.load %arg3[%swap3A, %swap3A_20] : memref<10000x128xf32, #tpu.memory_space<vmem>>, vector<10000x128xf32>
    tpu.vector_store %arg3[%swap3A, %swap3A_20], %mul3A_19 {strides = array<i32>} : memref<10000x128xf32, #tpu.memory_space<vmem>>, vector<10000x128xf32>,
    return
  }
}

module attributes {stable_mosaic.version = 14 : i64} {
  func.func @_tc2_body(%arg0: memref<2x10112x16xf32, #tpu.memory_space<vmem>>, %arg1: memref<2x10112x128xf32, #tpu.memory_space<vmem>>, %arg2: memref<10000x128xf32, #tpu.memory_space<vmem>>, %arg3: memref<1x128xf32, #tpu.memory_space<vmem>>, %arg4: memref<128x128xf32, #tpu.memory_space<vmem>>, %arg5: memref<10000x128xf32, #tpu.memory_space<vmem>>) attributes {dimension_semantics = [], scalar_prefetch = 0 : i64, scratch_operands = 0 : i64, tpu.core_type = #tpu.core_type<tc>} {
    %get3A = arith.constant 0 : index
    %get3A_0 = arith.constant 0 : index
    %get3A_1 = arith.constant 0 : index
    %get3A_2 = vector.load %arg0[%get3A, %get3A_0, %get3A_1] : memref<2x10112x16xf32, #tpu.memory_space<vmem>>, vector<1x10000x1xf32>
    %get3A_3 = vector.shape_cast %get3A_2 : vector<1x10000x1xf32> to vector<10000x1xf32>
    %get3A_4 = arith.constant 1 : index
    %get3A_5 = arith.constant 0 : index
    %get3A_6 = arith.constant 0 : index
    %get3A_7 = vector.load %arg0[%get3A_4, %get3A_5, %get3A_6] : memref<2x10112x16xf32, #tpu.memory_space<vmem>>, vector<1x10000x1xf32>
    %get3A_8 = vector.shape_cast %get3A_7 : vector<1x10000x1xf32> to vector<10000x1xf32>
    %add3A = arith.addf %get3A_3, %get3A_8 : vector<10000x1xf32>
    %add3A_9 = arith.constant 1.000000e+00 : f32
    %add3A_10 = vector.broadcast %add3A_9 : f32 to vector<10000x1xf32>
    %add3A_11 = arith.addf %add3A, %add3A_10 : vector<10000x1xf32>
    %rsqrt3A = math.rsqrt %add3A_11 : vector<10000x1xf32>
    %get3A_12 = arith.constant 0 : index
    %get3A_13 = arith.constant 0 : index
    %get3A_14 = arith.constant 0 : index
    %get3A_15 = vector.load %arg1[%get3A_12, %get3A_13, %get3A_14] : memref<2x10112x128xf32, #tpu.memory_space<vmem>>, vector<1x10000x128xf32>
    %get3A_16 = vector.shape_cast %get3A_15 : vector<1x10000x128xf32> to vector<10000x128xf32>
    %get3A_17 = arith.constant 1 : index
    %get3A_18 = arith.constant 0 : index
    %get3A_19 = arith.constant 0 : index
    %get3A_20 = vector.load %arg1[%get3A_17, %get3A_18, %get3A_19] : memref<2x10112x128xf32, #tpu.memory_space<vmem>>, vector<1x10000x128xf32>
    %get3A_21 = vector.shape_cast %get3A_20 : vector<1x10000x128xf32> to vector<10000x128xf32>
    %add3A_22 = arith.addf %get3A_16, %get3A_21 : vector<10000x128xf32>
    %get3A_23 = arith.constant 0 : index
    %get3A_24 = arith.constant 0 : index
    %get3A_25 = vector.load %arg2[%get3A_23, %get3A_24] : memref<10000x128xf32, #tpu.memory_space<vmem>>, vector<10000x128xf32>
    %add3A_26 = arith.addf %add3A_22, %get3A_25 : vector<10000x128xf32>
    %mul3A = vector.broadcast %rsqrt3A : vector<10000x1xf32> to vector<10000x128xf32>
    %mul3A_27 = arith.mulf %mul3A, %add3A_26 : vector<10000x128xf32>
    %get3A_28 = arith.constant 0 : index
    %get3A_29 = arith.constant 0 : index
    %get3A_30 = vector.load %arg3[%get3A_28, %get3A_29] : memref<1x128xf32, #tpu.memory_space<vmem>>, vector<1x128xf32>
    %add3A_31 = vector.broadcast %get3A_30 : vector<1x128xf32> to vector<10000x128xf32>
    %add3A_32 = arith.addf %mul3A_27, %add3A_31 : vector<10000x128xf32>
    %max3A = arith.constant 0.000000e+00 : f32
    %max3A_33 = vector.broadcast %max3A : f32 to vector<10000x128xf32>
    %max3A_34 = arith.maximumf %add3A_32, %max3A_33 : vector<10000x128xf32>
    %get3A_35 = arith.constant 0 : index
    %get3A_36 = arith.constant 0 : index
    %get3A_37 = vector.load %arg4[%get3A_35, %get3A_36] : memref<128x128xf32, #tpu.memory_space<vmem>>, vector<128x128xf32>
    %dot_general3A = arith.constant dense<0.000000e+00> : vector<10000x128xf32>
    %dot_general3A_38 = tpu.matmul %max3A_34, %get3A_37, %dot_general3A {dimension_numbers = #tpu.dot_dimension_numbers<[1], [0], [0], [1], [0, 0, 1, 1], [], []>, transpose_lhs_hint = false} : vector<10000x128xf32>, vector<128x128xf32>, vector<10000x128xf32> -> vector<10000x128xf32>
    %mul3A_39 = vector.broadcast %rsqrt3A : vector<10000x1xf32> to vector<10000x128xf32>
    %mul3A_40 = arith.mulf %dot_general3A_38, %mul3A_39 : vector<10000x128xf32>
    %swap3A = arith.constant 0 : index
    %swap3A_41 = arith.constant 0 : index
    %swap3A_42 = vector.load %arg5[%swap3A, %swap3A_41] : memref<10000x128xf32, #tpu.memory_space<vmem>>, vector<10000x128xf32>
    tpu.vector_store %arg5[%swap3A, %swap3A_41], %mul3A_40 {strides = array<i32>} : memref<10000x128xf32, #tpu.memory_space<vmem>>, vector<10000x128xf32>,
    return
  }
}

module attributes {stable_mosaic.version = 14 : i64} {
  func.func @_tc3_body(%arg0: memref<2x10112x16xf32, #tpu.memory_space<vmem>>, %arg1: memref<2x10112x128xf32, #tpu.memory_space<vmem>>, %arg2: memref<10000x128xf32, #tpu.memory_space<vmem>>, %arg3: memref<1x128xf32, #tpu.memory_space<vmem>>, %arg4: memref<10000x1xf32, #tpu.memory_space<vmem>>, %arg5: memref<128x128xf32, #tpu.memory_space<vmem>>, %arg6: memref<1x128xf32, #tpu.memory_space<vmem>>, %arg7: memref<64x128xf32, #tpu.memory_space<vmem>>) attributes {dimension_semantics = [], scalar_prefetch = 0 : i64, scratch_operands = 0 : i64, tpu.core_type = #tpu.core_type<tc>} {
    %get3A = arith.constant 0 : index
    %get3A_0 = arith.constant 0 : index
    %get3A_1 = arith.constant 0 : index
    %get3A_2 = vector.load %arg0[%get3A, %get3A_0, %get3A_1] : memref<2x10112x16xf32, #tpu.memory_space<vmem>>, vector<1x10000x1xf32>
    %get3A_3 = vector.shape_cast %get3A_2 : vector<1x10000x1xf32> to vector<10000x1xf32>
    %get3A_4 = arith.constant 1 : index
    %get3A_5 = arith.constant 0 : index
    %get3A_6 = arith.constant 0 : index
    %get3A_7 = vector.load %arg0[%get3A_4, %get3A_5, %get3A_6] : memref<2x10112x16xf32, #tpu.memory_space<vmem>>, vector<1x10000x1xf32>
    %get3A_8 = vector.shape_cast %get3A_7 : vector<1x10000x1xf32> to vector<10000x1xf32>
    %add3A = arith.addf %get3A_3, %get3A_8 : vector<10000x1xf32>
    %add3A_9 = arith.constant 1.000000e+00 : f32
    %add3A_10 = vector.broadcast %add3A_9 : f32 to vector<10000x1xf32>
    %add3A_11 = arith.addf %add3A, %add3A_10 : vector<10000x1xf32>
    %rsqrt3A = math.rsqrt %add3A_11 : vector<10000x1xf32>
    %get3A_12 = arith.constant 0 : index
    %get3A_13 = arith.constant 0 : index
    %get3A_14 = arith.constant 0 : index
    %get3A_15 = vector.load %arg1[%get3A_12, %get3A_13, %get3A_14] : memref<2x10112x128xf32, #tpu.memory_space<vmem>>, vector<1x10000x128xf32>
    %get3A_16 = vector.shape_cast %get3A_15 : vector<1x10000x128xf32> to vector<10000x128xf32>
    %get3A_17 = arith.constant 1 : index
    %get3A_18 = arith.constant 0 : index
    %get3A_19 = arith.constant 0 : index
    %get3A_20 = vector.load %arg1[%get3A_17, %get3A_18, %get3A_19] : memref<2x10112x128xf32, #tpu.memory_space<vmem>>, vector<1x10000x128xf32>
    %get3A_21 = vector.shape_cast %get3A_20 : vector<1x10000x128xf32> to vector<10000x128xf32>
    %add3A_22 = arith.addf %get3A_16, %get3A_21 : vector<10000x128xf32>
    %get3A_23 = arith.constant 0 : index
    %get3A_24 = arith.constant 0 : index
    %get3A_25 = vector.load %arg2[%get3A_23, %get3A_24] : memref<10000x128xf32, #tpu.memory_space<vmem>>, vector<10000x128xf32>
    %add3A_26 = arith.addf %add3A_22, %get3A_25 : vector<10000x128xf32>
    %mul3A = vector.broadcast %rsqrt3A : vector<10000x1xf32> to vector<10000x128xf32>
    %mul3A_27 = arith.mulf %mul3A, %add3A_26 : vector<10000x128xf32>
    %get3A_28 = arith.constant 0 : index
    %get3A_29 = arith.constant 0 : index
    %get3A_30 = vector.load %arg3[%get3A_28, %get3A_29] : memref<1x128xf32, #tpu.memory_space<vmem>>, vector<1x128xf32>
    %add3A_31 = vector.broadcast %get3A_30 : vector<1x128xf32> to vector<10000x128xf32>
    %add3A_32 = arith.addf %mul3A_27, %add3A_31 : vector<10000x128xf32>
    %max3A = arith.constant 0.000000e+00 : f32
    %max3A_33 = vector.broadcast %max3A : f32 to vector<10000x128xf32>
    %max3A_34 = arith.maximumf %add3A_32, %max3A_33 : vector<10000x128xf32>
    %iota3A = tpu.iota {dimensions = array<i32: 1>} : vector<10000x64xi32>
    %convert_element_type3A = arith.sitofp %iota3A : vector<10000x64xi32> to vector<10000x64xf32>
    %get3A_35 = arith.constant 0 : index
    %get3A_36 = arith.constant 0 : index
    %get3A_37 = vector.load %arg4[%get3A_35, %get3A_36] : memref<10000x1xf32, #tpu.memory_space<vmem>>, vector<10000x1xf32>
    %eq3A = vector.broadcast %get3A_37 : vector<10000x1xf32> to vector<10000x64xf32>
    %eq3A_38 = arith.cmpf oeq, %eq3A, %convert_element_type3A : vector<10000x64xf32>
    %convert_element_type3A_39 = arith.extui %eq3A_38 : vector<10000x64xi1> to vector<10000x64xi32>
    %convert_element_type3A_40 = arith.sitofp %convert_element_type3A_39 : vector<10000x64xi32> to vector<10000x64xf32>
    %dot_general3A = arith.constant dense<0.000000e+00> : vector<64x128xf32>
    %dot_general3A_41 = tpu.matmul %convert_element_type3A_40, %max3A_34, %dot_general3A {dimension_numbers = #tpu.dot_dimension_numbers<[0], [0], [1], [1], [0, 1, 1, 1], [], []>, transpose_lhs_hint = false} : vector<10000x64xf32>, vector<10000x128xf32>, vector<64x128xf32> -> vector<64x128xf32>
    %reduce_sum3A = arith.constant dense<0.000000e+00> : vector<64xf32>
    %reduce_sum3A_42 = vector.multi_reduction <add>, %convert_element_type3A_40, %reduce_sum3A [0] : vector<10000x64xf32> to vector<64xf32>
    %broadcast_in_dim3A = vector.shape_cast %reduce_sum3A_42 : vector<64xf32> to vector<64x1xf32>
    %max3A_43 = arith.constant 1.000000e+00 : f32
    %max3A_44 = vector.broadcast %max3A_43 : f32 to vector<64x1xf32>
    %max3A_45 = arith.maximumf %broadcast_in_dim3A, %max3A_44 : vector<64x1xf32>
    %div3A = vector.broadcast %max3A_45 : vector<64x1xf32> to vector<64x128xf32>
    %div3A_46 = arith.divf %dot_general3A_41, %div3A : vector<64x128xf32>
    %get3A_47 = arith.constant 0 : index
    %get3A_48 = arith.constant 0 : index
    %get3A_49 = vector.load %arg5[%get3A_47, %get3A_48] : memref<128x128xf32, #tpu.memory_space<vmem>>, vector<128x128xf32>
    %dot_general3A_50 = arith.constant dense<0.000000e+00> : vector<64x128xf32>
    %dot_general3A_51 = tpu.matmul %div3A_46, %get3A_49, %dot_general3A_50 {dimension_numbers = #tpu.dot_dimension_numbers<[1], [0], [0], [1], [0, 0, 1, 1], [], []>, transpose_lhs_hint = false} : vector<64x128xf32>, vector<128x128xf32>, vector<64x128xf32> -> vector<64x128xf32>
    %get3A_52 = arith.constant 0 : index
    %get3A_53 = arith.constant 0 : index
    %get3A_54 = vector.load %arg6[%get3A_52, %get3A_53] : memref<1x128xf32, #tpu.memory_space<vmem>>, vector<1x128xf32>
    %add3A_55 = vector.broadcast %get3A_54 : vector<1x128xf32> to vector<64x128xf32>
    %add3A_56 = arith.addf %dot_general3A_51, %add3A_55 : vector<64x128xf32>
    %swap3A = arith.constant 0 : index
    %swap3A_57 = arith.constant 0 : index
    %swap3A_58 = vector.load %arg7[%swap3A, %swap3A_57] : memref<64x128xf32, #tpu.memory_space<vmem>>, vector<64x128xf32>
    tpu.vector_store %arg7[%swap3A, %swap3A_57], %add3A_56 {strides = array<i32>} : memref<64x128xf32, #tpu.memory_space<vmem>>, vector<64x128xf32>,
    return
  }
}

</mosaic_0001>

<sc_bundles>
// kernel: kernel.11.cloned.1.call-start
scs
__scs_entry_jumppad:
0x0: {  	(pc) =	sbr.rel $0x88, $3  }
0x1: {  	(tag) =	ssettag $0x0;
	lr =	simm.s32 $0x1  }
0x2: {  	[smem:$0x3F98] =	sst lr;
	_ =	strace $0xD0000000  }
0x3: {  	_ = 	snop  }
0x4: {  	_ = 	snop  }
0x5: {  	_ = 	snop  }
0x6: {  	_ = 	snop  }
0x7: {  	_ = 	snop  }
__scs_overlays_trampoline_lowered:
0x8: {  	[smem:$0x3FA7] =	sst s0  }
0x9: {  	[smem:$0x3FA8] =	sst s1  }
0xa: {  	[smem:$0x3FA9] =	sst s2  }
0xb: {  	[smem:$0x3FAA] =	sst s3  }
0xc: {  	[smem:$0x3FAB] =	sst s4  }
0xd: {  	[smem:$0x3FAC] =	sst s5  }
0xe: {  	[smem:$0x3FAD] =	sst s6  }
0xf: {  	[smem:$0x3FAE] =	sst s7  }
0x10: {  	[smem:$0x3FAF] =	sst s8  }
0x11: {  	[smem:$0x3FB0] =	sst s9;
	s0 =	simm.s32 @!p0 $0x0  }
0x12: {  	s1 =	sld [smem:$0x3F96];
	s0 =	simm.s32 @p0 $0x1  }
0x13: {  	[smem:$0x3FB1] =	sst s0;
	s0 =	simm.s32 @!p1 $0x0  }
0x14: {  	s2 =	sld [smem:$0x3F95];
	s0 =	simm.s32 @p1 $0x1  }
0x15: {  	[smem:$0x3FB2] =	sst s0;
	s0 =	simm.s32 @!p2 $0x0  }
0x16: {  	s3 =	sld [smem:$0x3FDB];
	s0 =	simm.s32 @p2 $0x1  }
0x17: {  	s4 =	simm.s32 $0x1BF5;
	[smem:$0x3FB4] =	sst s0  }
0x18: {  	s0 =	sld [smem:$0x3F97];
	_ =	swait.ge [sflag:s4], $0x0  }
0x19: {  	s7 =	sld [smem:$0x3F98]  }
0x1a: {  	s8 =	sadd.s32 $0xFFFFE003, lr  }
0x1b: {  	s9 =	sadd.s32 $0xFFFFFEF7, lr;
	s5 =	simm.s32 $0xFFFFFFFF;
	p2 =	slt.u32 s8, $0xFFFFF086  }
0x1c: {  	p1 =	slt.u32 s9, $0xF7A;
	s5 =	simm.s32 @!p2 $0x0  }
0x1d: {  	s5 =	simm.s32 @p1 $0x1;
	p0 =	seq.s32 s7, s2  }
0x1e: {  	s7 =	smul.u32 @!p0 $0xF7A, s2;
	p2 =	seq.s32 @!p0 s5, $0x0  }
0x1f: {  	s9 =	smul.u32 $0xF7A, s1;
	s8 =	simm.s32 @!p0 $0x1BF5;
	p2 =	por !p2, p0  }
0x20: {  	[sflag:s8] =	ssyncset.s32 @!p0 $0xFFFFF086;
	s6 =	sadd.s32 @!p0 s3, s7;
	s7 =	simm.s32 @!p0 $0x108  }
0x21: {  	s3 =	sadd.s32 s3, s9;
	s6 =	sadd.s32 @!p0 $0x88, s6;
	s7 =	simm.s32 @p2 $0x1082  }
0x22: {  	[simem:s7], [sflag:s8] =	dma.local @!p0 [hbm:s6], $0xF7A  }
0x23: {  	s9 =	sor.u32 $0xD0000000, s2;
	s6 =	simm.s32 $0x108;
	_ =	swait.ge @!p0 [sflag:s8], $0x0  }
0x24: {  	s3 =	sadd.s32 $0x88, s3;
	s6 =	simm.s32 @!p1 $0x1082;
	[sflag:s4] =	ssyncset.s32 $0xFFFFF086  }
0x25: {  	[simem:s6], [sflag:s4] =	dma.local [hbm:s3], $0xF7A  }
0x26: {  	[smem:$0x3F98] =	sst s1;
	(tag) =	ssettag s2;
	_ =	strace s9  }
0x27: {  	s1 =	sld [smem:$0x3FA8]  }
0x28: {  	s2 =	sld [smem:$0x3FA9]  }
0x29: {  	s4 =	sld [smem:$0x3FAB]  }
0x2a: {  	p0 =	seq.s32 s5, $0x0;
	s5 =	sld [smem:$0x3FAC]  }
0x2b: {  	s6 =	sld [smem:$0x3FAD]  }
0x2c: {  	s7 =	sld [smem:$0x3FAE]  }
0x2d: {  	s3 =	simm.s32 $0x108;
	s8 =	sld [smem:$0x3FAF]  }
0x2e: {  	s3 =	simm.s32 @!p0 $0x1082;
	s9 =	sld [smem:$0x3FB0]  }
0x2f: {  	lr =	sadd.s32 s0, s3;
	s0 =	sld [smem:$0x3FA7]  }
0x30: {  	s3 =	sld [smem:$0x3FAA]  }
0x31: {  	[smem:$0x3FB3] =	sst s10  }
0x32: {  	s10 =	sld [smem:$0x3FB1];
	_ =	sdelay $0x3  }
0x33: {  	p0 =	seq.s32 s10, $0x1;
	s10 =	sld [smem:$0x3FB3];
	_ =	sdelay $0x3  }
0x34: {  	[smem:$0x3FB3] =	sst s10  }
0x35: {  	s10 =	sld [smem:$0x3FB2];
	_ =	sdelay $0x3  }
0x36: {  	p1 =	seq.s32 s10, $0x1;
	s10 =	sld [smem:$0x3FB3];
	_ =	sdelay $0x3  }
0x37: {  	[smem:$0x3FB3] =	sst s10  }
0x38: {  	s10 =	sld [smem:$0x3FB4]  }
0x39: {  	_ = 	snop;
	(pc) =	sbr.ind lr, $3  }
0x3a: {  	_ = 	snop  }
0x3b: {  	_ = 	snop  }
0x3c: {  	p2 =	seq.s32 s10, $0x1;
	s10 =	sld [smem:$0x3FB3]  }
0x3d: {  	_ =	shalt  }
0x3e: {  	_ =	shalt  }
0x3f: {  	_ =	shalt  }
0x40: {  	_ =	shalt  }
0x41: {  	_ =	shalt  }
0x42: {  	_ =	shalt  }
0x43: {  	_ =	shalt  }
0x44: {  	_ =	shalt  }
0x45: {  	_ =	shalt  }
0x46: {  	_ =	shalt  }
0x47: {  	_ =	shalt  }
0x48: {  	_ =	shalt  }
0x49: {  	_ =	shalt  }
0x4a: {  	_ =	shalt  }
0x4b: {  	_ =	shalt  }
0x4c: {  	_ =	shalt  }
0x4d: {  	_ =	shalt  }
0x4e: {  	_ =	shalt  }
0x4f: {  	_ =	shalt  }
0x50: {  	_ =	shalt  }
0x51: {  	_ =	shalt  }
0x52: {  	_ =	shalt  }
0x53: {  	_ =	shalt  }
0x54: {  	_ =	shalt  }
0x55: {  	_ =	shalt  }
0x56: {  	_ =	shalt  }
0x57: {  	_ =	shalt  }
0x58: {  	_ =	shalt  }
0x59: {  	_ =	shalt  }
0x5a: {  	_ =	shalt  }
0x5b: {  	_ =	shalt  }
0x5c: {  	_ =	shalt  }
0x5d: {  	_ =	shalt  }
0x5e: {  	_ =	shalt  }
0x5f: {  	_ =	shalt  }
0x60: {  	_ =	shalt  }
0x61: {  	_ =	shalt  }
0x62: {  	_ =	shalt  }
0x63: {  	_ =	shalt  }
0x64: {  	_ =	shalt  }
0x65: {  	_ =	shalt  }
0x66: {  	_ =	shalt  }
0x67: {  	_ =	shalt  }
0x68: {  	_ =	shalt  }
0x69: {  	_ =	shalt  }
0x6a: {  	_ =	shalt  }
0x6b: {  	_ =	shalt  }
0x6c: {  	_ =	shalt  }
0x6d: {  	_ =	shalt  }
0x6e: {  	_ =	shalt  }
0x6f: {  	_ =	shalt  }
0x70: {  	_ =	shalt  }
0x71: {  	_ =	shalt  }
0x72: {  	_ =	shalt  }
0x73: {  	_ =	shalt  }
0x74: {  	_ =	shalt  }
0x75: {  	_ =	shalt  }
0x76: {  	_ =	shalt  }
0x77: {  	_ =	shalt  }
0x78: {  	_ =	shalt  }
0x79: {  	_ =	shalt  }
0x7a: {  	_ =	shalt  }
0x7b: {  	_ =	shalt  }
0x7c: {  	_ =	shalt  }
0x7d: {  	_ =	shalt  }
0x7e: {  	_ =	shalt  }
0x7f: {  	_ =	shalt  }
0x80: {  	_ =	shalt  }
0x81: {  	_ =	shalt  }
0x82: {  	_ =	shalt  }
0x83: {  	_ =	shalt  }
0x84: {  	_ =	shalt  }
0x85: {  	_ =	shalt  }
0x86: {  	_ =	shalt  }
0x87: {  	_ =	shalt  }
.Lfunc_end0:
.L_simem_size_0:
called_computation.1_lowered:
.L_overlay_start_0:
0x88: {  	s2 =	sld [smem:$0x3FD9]  }
0x89: {  	s3 =	sld [smem:$0x3FFE];
	_ =	sdelay $0x1  }
0x8a: {  	s1 =	srdreg.scid  }
0x8b: {  	s0 =	sand.u32 $0x1, s1  }
0x8c: {  	s16 =	sshll.u32 s0, $0xA;
	s2 =	sadd.s32 s3, s2  }
0x8d: {  	s2 =	sadd.s32 s2, s16  }
0x8e: {  	[smem:$0x3FBF] =	sst s2  }
0x8f: {  	_ = 	snop  }
0x90: {  	(tm) =	ssettm $0x1  }
0x91: {  	s17 =	sld [smem:$0x3FFB];
	_ =	sdelay $0x3  }
0x92: {  	_ =	strace s17  }
0x93: {  	s2 =	sld [smem:$0x3FFC];
	_ =	sdelay $0x3  }
0x94: {  	_ =	strace s2  }
0x95: {  	s2 =	sld [smem:$0x3FFD];
	_ =	sdelay $0x3  }
0x96: {  	_ =	strace s2  }
0x97: {  	_ =	strace $0x8FFFFFFF  }
0x98: {  	s18 =	sld [smem:$0x3FDB];
	_ =	sdelay $0x1  }
0x99: {  	s19 =	simm.s32 $_scs_section_size  }
0x9a: {  	s4 =	simm.s32 $_size__tile_overlayer_lowered;
	s5 =	simm.s32 $_tile_overlayer_lowered  }
0x9b: {  	s22 =	simm.s32 $0x1BFF;
	s21 =	sshll.u32 s5, $0x1;
	s2 =	sadd.s32 s19, s18  }
0x9c: {  	s6 =	simm.s32 $0x0;
	s20 =	sshll.u32 s4, $0x1;
	s4 =	sadd.s32 s21, s2  }
0x9d: {  	[timem:s6], [sflag:s22] =	dma.local [hbm:s4], s20  }
0x9e: {  	_ =	swait.ge [sflag:s22], s20  }
0x9f: {  	s3 =	ssub.s32 $0x0, s20;
	[sflag:s22] =	ssyncset.done $0x0  }
0xa0: {  	[sflag:s22] =	ssyncadd.s32 s3;
	_ =	sdelay $0x1  }
0xa1: {  	s23 =	simm.s32 $0x1B8B  }
0xa2: {  	_ =	swait.ge [sflag:s23], $0x1  }
0xa3: {  	[sflag:s23] =	ssyncset.done $0x0  }
0xa4: {  	s25 =	simm.s32 $0x1B8E;
	s24 =	sld [smem:$0x3FFE];
	[sflag:s23] =	ssyncadd.s32 $0xFFFFFFFF  }
0xa5: {  	s26 =	simm.s32 $execute0_lowered;
	[smem:$0x3FD2] =	sst s25  }
0xa6: {  	s4 =	sshll.u32 s26, $0x1;
	_ =	strace $0x80000049;
	[dreg:$0x1] =	wrdreg $0xFFFFFFFF  }
0xa7: {  	s28 =	simm.s32 $_size_execute0_lowered;
	s2 =	sadd.s32 s2, s4;
	[dreg:$0x0] =	wrdreg $0x0  }
0xa8: {  	s4 =	sshll.u32 s28, $0x1;
	[dreg:$0x2] =	wrdreg s2  }
0xa9: {  	[dreg:$0x3] =	wrdreg s4  }
0xaa: {  	[dreg:$0x4] =	wrdreg $0xC0  }
0xab: {  	_ =	task [dreg:s6], $0x5FFFF  }
0xac: {  	[dreg:$0x1] =	wrdreg $0xFFFFFFFF  }
0xad: {  	[dreg:$0x0] =	wrdreg $0x60  }
0xae: {  	[dreg:$0x2] =	wrdreg s24  }
0xaf: {  	[dreg:$0x3] =	wrdreg $0x90000  }
0xb0: {  	[dreg:$0x4] =	wrdreg $0x9  }
0xb1: {  	_ =	task.clear_ibuf [dreg:s6], $0x5FFFF;
	_ =	strace $0x90000049  }
0xb2: {  	s29 =	simm.s32 $0x9;
	_ =	strace $0x8000004B  }
0xb3: {  	_ =	swait.ge [sflag:s29], $0x1  }
0xb4: {  	[sflag:s29] =	ssyncadd.s32 $0xFFFFFFFF  }
0xb5: {  	_ =	strace $0x9000004B  }
0xb6: {  	_ =	sfence  }
0xb7: {  	s30 =	sld [smem:$0x0];
	_ =	sdelay $0x2  }
0xb8: {  	s31 =	sshll.u32 s1, $0xD;
	s1 =	sshrl.u32 s1, $0x2  }
0xb9: {  	s3 =	sand.u32 $0x4000, s31;
	s1 =	sadd.s32 s1, s30  }
0xba: {  	s0 =	sor.u32 s3, s0;
	s1 =	sshll.u32 s1, $0x11  }
0xbb: {  	s0 =	sor.u32 s1, s0  }
0xbc: {  	s0 =	sadd.s32 $0x8F2B, s0  }
0xbd: {  	[sflag:s0] =	ssyncadd.remote.s32 $0x1  }
0xbe: {  	_ =	sfence.sel $0xFFFF  }
0xbf: {  	[dreg:$0x0] =	wrdreg $0xFFFFFFFF;
	(pc) =	sbr.abs _section_cstart, $3  }
0xc0: {  	[dreg:$0x1] =	wrdreg $0xFFFFFFFF  }
0xc1: {  	_ =	task.clear_ibuf [dreg:s6], $0x2FFFF;
	_ =	strace $0x9FFFFFFF  }
0xc2: {  	(tm) =	ssettm $0x7FFFFFFF  }
0xc3: {  	_ =	shalt  }
tec
execute0_lowered:
.L_overlay_start_1:
0x0: {  	(tag) =	ssettag $0x1  }
0x1: {  	s6 =	rddreg [dreg:$0x0]  }
0x2: {  	s2 =	rddreg [dreg:$0x1];
	s3 =	simm.s32 $0x0;
	s4 =	srdreg.scid  }
0x3: {  	s0 =	stileid.u32;
	s21 =	simm.s32 $0x1000;
	s22 =	simm.s32 $0x1  }
0x4: {  	s23 =	simm.s32 $0xF80;
	s24 =	simm.s32 $0x5000;
	[smem:$0x7FF] =	sst s3  }
0x5: {  	s7 =	sand.u32 $0x1, s4;
	s8 =	smul.u32 $0x2780, s0;
	s15 =	sadd.s32 $0x5E400, s6  }
0x6: {  	s16 =	sadd.s32 $0x2400, s6;
	s4 =	sadd.s32 $0xC400, s6;
	s10 =	smul.u32 $0x4F000, s0  }
0x7: {  	s5 =	sadd.s32 $0x33600, s6;
	s30 =	sshll.u32 s0, $0x6;
	s9 =	smul.u32 $0x27800, s7  }
0x8: {  	_ =	strace $0x8000004A;
	s25 =	sshll.u32 s7, $0x4;
	s7 =	ssub.s32 $0x2, s7  }
0x9: {  	s26 =	sshrl.u32 s7, $0x1;
	s29 =	sshrl.u32 s10, $0x2;
	s8 =	sadd.s32 s8, s9  }
0xa: {  	s9 =	sor.u32 s0, s25;
	s18 =	ssub.s32 s7, s26;
	s19 =	sadd.s32 s29, s2  }
0xb: {  	s25 =	simm.s32 $0x80;
	s26 =	simm.s32 $0x0;
	s28 =	smul.u32 $0x2800, s9  }
0xc: {  	s17 =	sadd.s32 s8, s6;
	s6 =	sor.u32 $0x1C02, s30;
	s18 =	smax.u32 s18, $0x1  }
0xd: {  	s19 =	sshrl.u32 s19, $0x3;
	s17 =	sadd.s32 $0x68400, s17;
	s20 =	sshrl.u32 s28, $0x3  }
0xe: {  	s7 =	sadd.s32 s15, s20;
	s8 =	sadd.s32 s16, s20;
	s31 =	sadd.s32 $0x100, s20  }
0xf: {  	s12 =	sadd.s32 $0x200, s20;
	s14 =	sadd.s32 $0x300, s20;
	s20 =	sadd.s32 $0x400, s20  }
0x10: {  	s9 =	sadd.s32 s15, s31;
	s10 =	sadd.s32 s16, s31;
	s11 =	sadd.s32 s15, s12  }
0x11: {  	s12 =	sadd.s32 s16, s12;
	s13 =	sadd.s32 s15, s14;
	s14 =	sadd.s32 s16, s14  }
0x12: {  	s15 =	sadd.s32 s15, s20;
	s16 =	sadd.s32 s16, s20;
	s20 =	simm.s32 $0x2  }
.LBB2_1:
0x13: {  	[spmem:s19], [sflag:s6] =	dma.local [hbm:s5], $0x2780  }
0x14: {  	_ =	swait.ge [sflag:s20], $0x2780  }
0x15: {  	[sflag:s20] =	ssyncset.done $0x0  }
0x16: {  	[sflag:s20] =	ssyncadd.s32 $0xFFFFD880  }
0x17: {  	[bflag:$0x0] =	sbarrier.arrive $0xFFFF  }
0x18: {  	[tilespmem:s3], [sflag:$0x2] =	stream.linear.gather [hbm4b:s7+s3], $0x800, $0x38;
	[tilespmem:$0x1CC00] =	vst v63  }
0x19: {  	_ =	swait.ge [sflag:s20], $0x800  }
0x1a: {  	[sflag:s20] =	ssyncset.done $0x0  }
0x1b: {  	s28 =	simm.s32 $0x800;
	[sflag:s20] =	ssyncadd.s32 $0xFFFFF800  }
0x1c: {  	[tilespmem:s28], [sflag:$0x2] =	stream.linear.gather [hbm4b:s8+s3], $0x800, $0x38;
	[tilespmem:$0x1CC00] =	vst v63  }
0x1d: {  	_ =	swait.ge [sflag:s20], $0x800  }
0x1e: {  	[sflag:s20] =	ssyncset.done $0x0  }
0x1f: {  	[sflag:s20] =	ssyncadd.s32 $0xFFFFF800  }
0x20: {  	[tilespmem:s21], [sflag:$0x1] =	stream.indirect.gather [hbm4b:s4+s25], $0x80, s3, s25, $0xb8;
	[tilespmem:$0x1CC00] =	vst v63  }
0x21: {  	s29 =	sand.u32 $0x1, s3;
	_ =	swait.ge [sflag:s22], $0x4000  }
0x22: {  	p0 =	seq.s32 s29, $0x1;
	[sflag:s22] =	ssyncset.done $0x0  }
0x23: {  	s29 =	simm.s32 @p0 $0x80;
	s30 =	simm.s32 @p0 $0x1000;
	[sflag:s22] =	ssyncadd.s32 $0xFFFFC000  }
0x24: {  	[tilespmem:s30], [sflag:$0x1] =	stream.indirect.gather @p0 [hbm4b:s4+s29], $0x80, s25, s29, $0xb8;
	[tilespmem:$0x1CC00] =	vst v63  }
0x25: {  	s30 =	simm.s32 @p0 $0x5000  }
0x26: {  	[spmem:s2] =	stream.indirect.scatter.add.f32 @p0 [tilespmem:s30], [sflag:$0x2], $0x80, s28, s29, $0xb8;
	[tilespmem:$0x1CC00] =	vst v63  }
0x27: {  	s31 =	simm.s32 @!p0 $0x3;
	s29 =	simm.s32 @!p0 $0x80;
	s30 =	simm.s32 @!p0 $0x5000  }
0x28: {  	[tilespmem:s30], [sflag:$0x1] =	stream.indirect.gather @!p0 [hbm4b:s4+s29], $0x80, s25, s29, $0xb8;
	[tilespmem:$0x1CC00] =	vst v63  }
0x29: {  	s31 =	simm.s32 @p0 $0x2;
	s30 =	simm.s32 @!p0 $0x1000  }
0x2a: {  	[spmem:s2] =	stream.indirect.scatter.add.f32 @!p0 [tilespmem:s30], [sflag:$0x3], $0x80, s28, s29, $0xb8;
	[tilespmem:$0x1CC00] =	vst v63  }
0x2b: {  	_ =	swait.ge [sflag:s31], $0x4000  }
0x2c: {  	s29 =	simm.s32 $0x1;
	s30 =	simm.s32 $0x100;
	[sflag:s31] =	ssyncset.done $0x0  }
.LBB2_2:
0x2d: {  	[sflag:s31] =	ssyncadd.s32 $0xFFFFC000  }
0x2e: {  	s28 =	sadd.s32 $0x80, s28;
	s31 =	smov.u32 s29;
	s29 =	sadd.s32 $0x1, s29  }
0x2f: {  	p0 =	sne.s32 s29, $0xF  }
0x30: {  	s31 =	sand.u32 $0x1, s31;
	_ =	swait.ge [sflag:s22], $0x4000  }
0x31: {  	p1 =	seq.s32 s31, $0x1;
	[sflag:s22] =	ssyncset.done $0x0  }
0x32: {  	s0 =	simm.s32 @p1 $0x80;
	s31 =	simm.s32 @p1 $0x1000;
	[sflag:s22] =	ssyncadd.s32 $0xFFFFC000  }
0x33: {  	[tilespmem:s31], [sflag:$0x1] =	stream.indirect.gather @p1 [hbm4b:s4+s0], $0x80, s30, s0, $0xb8;
	[tilespmem:$0x1CC00] =	vst v63  }
0x34: {  	s1 =	simm.s32 @p1 $0x5000;
	s31 =	simm.s32 @!p1 $0x3  }
0x35: {  	[spmem:s2] =	stream.indirect.scatter.add.f32 @p1 [tilespmem:s1], [sflag:$0x2], $0x80, s28, s0, $0xb8;
	[tilespmem:$0x1CC00] =	vst v63  }
0x36: {  	s0 =	simm.s32 @!p1 $0x80;
	s1 =	simm.s32 @!p1 $0x5000  }
0x37: {  	[tilespmem:s1], [sflag:$0x1] =	stream.indirect.gather @!p1 [hbm4b:s4+s0], $0x80, s30, s0, $0xb8;
	[tilespmem:$0x1CC00] =	vst v63  }
.Ltmp0:
0x38: {  	_ = 	snop;
	(pc) =	sbr.rel @p0 .LBB2_2-.Ltmp0, $4  }
0x39: {  	s31 =	simm.s32 @p1 $0x2;
	s1 =	simm.s32 @!p1 $0x1000  }
0x3a: {  	[spmem:s2] =	stream.indirect.scatter.add.f32 @!p1 [tilespmem:s1], [sflag:$0x3], $0x80, s28, s0, $0xb8;
	[tilespmem:$0x1CC00] =	vst v63  }
0x3b: {  	_ =	swait.ge [sflag:s31], $0x4000  }
0x3c: {  	s30 =	sadd.s32 $0x80, s30;
	[sflag:s31] =	ssyncset.done $0x0  }
0x3d: {  	[sflag:s31] =	ssyncadd.s32 $0xFFFFC000  }
0x3e: {  	_ =	swait.ge [sflag:s22], $0x4000  }
0x3f: {  	[sflag:s22] =	ssyncset.done $0x0  }
0x40: {  	s0 =	simm.s32 $0x80;
	[sflag:s22] =	ssyncadd.s32 $0xFFFFC000  }
0x41: {  	[spmem:s2] =	stream.indirect.scatter.add.f32 [tilespmem:s24], [sflag:$0x2], $0x80, s23, s0, $0xb8;
	[tilespmem:$0x1CC00] =	vst v63  }
0x42: {  	_ =	swait.ge [sflag:s20], $0x4000  }
0x43: {  	[sflag:s20] =	ssyncset.done $0x0  }
0x44: {  	s1 =	simm.s32 $0x0;
	[sflag:s20] =	ssyncadd.s32 $0xFFFFC000  }
0x45: {  	[tilespmem:s1], [sflag:$0x2] =	stream.linear.gather [hbm4b:s9+s1], $0x800, $0x38;
	[tilespmem:$0x1CC00] =	vst v63  }
0x46: {  	_ =	swait.ge [sflag:s20], $0x800  }
0x47: {  	[sflag:s20] =	ssyncset.done $0x0  }
0x48: {  	s28 =	simm.s32 $0x800;
	[sflag:s20] =	ssyncadd.s32 $0xFFFFF800  }
0x49: {  	[tilespmem:s28], [sflag:$0x2] =	stream.linear.gather [hbm4b:s10+s1], $0x800, $0x38;
	[tilespmem:$0x1CC00] =	vst v63  }
0x4a: {  	_ =	swait.ge [sflag:s20], $0x800  }
0x4b: {  	[sflag:s20] =	ssyncset.done $0x0  }
0x4c: {  	[sflag:s20] =	ssyncadd.s32 $0xFFFFF800  }
0x4d: {  	[tilespmem:s21], [sflag:$0x1] =	stream.indirect.gather [hbm4b:s4+s0], $0x80, s1, s0, $0xb8;
	[tilespmem:$0x1CC00] =	vst v63  }
0x4e: {  	s1 =	sand.u32 $0x1, s1;
	_ =	swait.ge [sflag:s22], $0x4000  }
0x4f: {  	p0 =	seq.s32 s1, $0x1;
	[sflag:s22] =	ssyncset.done $0x0  }
0x50: {  	s1 =	simm.s32 @p0 $0x80;
	s29 =	simm.s32 @p0 $0x1000;
	[sflag:s22] =	ssyncadd.s32 $0xFFFFC000  }
0x51: {  	[tilespmem:s29], [sflag:$0x1] =	stream.indirect.gather @p0 [hbm4b:s4+s1], $0x80, s0, s1, $0xb8;
	[tilespmem:$0x1CC00] =	vst v63  }
0x52: {  	s29 =	simm.s32 @p0 $0x5000  }
0x53: {  	[spmem:s2] =	stream.indirect.scatter.add.f32 @p0 [tilespmem:s29], [sflag:$0x2], $0x80, s28, s1, $0xb8;
	[tilespmem:$0x1CC00] =	vst v63  }
0x54: {  	s31 =	simm.s32 @!p0 $0x3;
	s1 =	simm.s32 @!p0 $0x80;
	s29 =	simm.s32 @!p0 $0x5000  }
0x55: {  	[tilespmem:s29], [sflag:$0x1] =	stream.indirect.gather @!p0 [hbm4b:s4+s1], $0x80, s0, s1, $0xb8;
	[tilespmem:$0x1CC00] =	vst v63  }
0x56: {  	s31 =	simm.s32 @p0 $0x2;
	s0 =	simm.s32 @!p0 $0x1000  }
0x57: {  	[spmem:s2] =	stream.indirect.scatter.add.f32 @!p0 [tilespmem:s0], [sflag:$0x3], $0x80, s28, s1, $0xb8;
	[tilespmem:$0x1CC00] =	vst v63  }
0x58: {  	_ =	swait.ge [sflag:s31], $0x4000  }
0x59: {  	s30 =	simm.s32 $0x100;
	s29 =	simm.s32 $0x1;
	[sflag:s31] =	ssyncset.done $0x0  }
.LBB2_4:
0x5a: {  	[sflag:s31] =	ssyncadd.s32 $0xFFFFC000  }
0x5b: {  	s28 =	sadd.s32 $0x80, s28;
	s0 =	smov.u32 s29;
	s29 =	sadd.s32 $0x1, s29  }
0x5c: {  	p0 =	sne.s32 s29, $0xF  }
0x5d: {  	s0 =	sand.u32 $0x1, s0;
	_ =	swait.ge [sflag:s22], $0x4000  }
0x5e: {  	p1 =	seq.s32 s0, $0x1;
	[sflag:s22] =	ssyncset.done $0x0  }
0x5f: {  	s0 =	simm.s32 @p1 $0x80;
	s1 =	simm.s32 @p1 $0x1000;
	[sflag:s22] =	ssyncadd.s32 $0xFFFFC000  }
0x60: {  	[tilespmem:s1], [sflag:$0x1] =	stream.indirect.gather @p1 [hbm4b:s4+s0], $0x80, s30, s0, $0xb8;
	[tilespmem:$0x1CC00] =	vst v63  }
0x61: {  	s31 =	simm.s32 @!p1 $0x3;
	s1 =	simm.s32 @p1 $0x5000  }
0x62: {  	[spmem:s2] =	stream.indirect.scatter.add.f32 @p1 [tilespmem:s1], [sflag:$0x2], $0x80, s28, s0, $0xb8;
	[tilespmem:$0x1CC00] =	vst v63  }
0x63: {  	s0 =	simm.s32 @!p1 $0x80;
	s1 =	simm.s32 @!p1 $0x5000  }
0x64: {  	[tilespmem:s1], [sflag:$0x1] =	stream.indirect.gather @!p1 [hbm4b:s4+s0], $0x80, s30, s0, $0xb8;
	[tilespmem:$0x1CC00] =	vst v63  }
.Ltmp1:
0x65: {  	_ = 	snop;
	(pc) =	sbr.rel @p0 .LBB2_4-.Ltmp1, $4  }
0x66: {  	s31 =	simm.s32 @p1 $0x2;
	s1 =	simm.s32 @!p1 $0x1000  }
0x67: {  	[spmem:s2] =	stream.indirect.scatter.add.f32 @!p1 [tilespmem:s1], [sflag:$0x3], $0x80, s28, s0, $0xb8;
	[tilespmem:$0x1CC00] =	vst v63  }
0x68: {  	_ =	swait.ge [sflag:s31], $0x4000  }
0x69: {  	s30 =	sadd.s32 $0x80, s30;
	[sflag:s31] =	ssyncset.done $0x0  }
0x6a: {  	[sflag:s31] =	ssyncadd.s32 $0xFFFFC000  }
0x6b: {  	_ =	swait.ge [sflag:s22], $0x4000  }
0x6c: {  	[sflag:s22] =	ssyncset.done $0x0  }
0x6d: {  	s0 =	simm.s32 $0x80;
	[sflag:s22] =	ssyncadd.s32 $0xFFFFC000  }
0x6e: {  	[spmem:s2] =	stream.indirect.scatter.add.f32 [tilespmem:s24], [sflag:$0x2], $0x80, s23, s0, $0xb8;
	[tilespmem:$0x1CC00] =	vst v63  }
0x6f: {  	_ =	swait.ge [sflag:s20], $0x4000  }
0x70: {  	[sflag:s20] =	ssyncset.done $0x0  }
0x71: {  	s1 =	simm.s32 $0x0;
	[sflag:s20] =	ssyncadd.s32 $0xFFFFC000  }
0x72: {  	[tilespmem:s1], [sflag:$0x2] =	stream.linear.gather [hbm4b:s11+s1], $0x800, $0x38;
	[tilespmem:$0x1CC00] =	vst v63  }
0x73: {  	_ =	swait.ge [sflag:s20], $0x800  }
0x74: {  	[sflag:s20] =	ssyncset.done $0x0  }
0x75: {  	s28 =	simm.s32 $0x800;
	[sflag:s20] =	ssyncadd.s32 $0xFFFFF800  }
0x76: {  	[tilespmem:s28], [sflag:$0x2] =	stream.linear.gather [hbm4b:s12+s1], $0x800, $0x38;
	[tilespmem:$0x1CC00] =	vst v63  }
0x77: {  	_ =	swait.ge [sflag:s20], $0x800  }
0x78: {  	[sflag:s20] =	ssyncset.done $0x0  }
0x79: {  	[sflag:s20] =	ssyncadd.s32 $0xFFFFF800  }
0x7a: {  	[tilespmem:s21], [sflag:$0x1] =	stream.indirect.gather [hbm4b:s4+s0], $0x80, s1, s0, $0xb8;
	[tilespmem:$0x1CC00] =	vst v63  }
0x7b: {  	s1 =	sand.u32 $0x1, s1;
	_ =	swait.ge [sflag:s22], $0x4000  }
0x7c: {  	p0 =	seq.s32 s1, $0x1;
	[sflag:s22] =	ssyncset.done $0x0  }
0x7d: {  	s1 =	simm.s32 @p0 $0x80;
	s29 =	simm.s32 @p0 $0x1000;
	[sflag:s22] =	ssyncadd.s32 $0xFFFFC000  }
0x7e: {  	[tilespmem:s29], [sflag:$0x1] =	stream.indirect.gather @p0 [hbm4b:s4+s1], $0x80, s0, s1, $0xb8;
	[tilespmem:$0x1CC00] =	vst v63  }
0x7f: {  	s29 =	simm.s32 @p0 $0x5000  }
0x80: {  	[spmem:s2] =	stream.indirect.scatter.add.f32 @p0 [tilespmem:s29], [sflag:$0x2], $0x80, s28, s1, $0xb8;
	[tilespmem:$0x1CC00] =	vst v63  }
0x81: {  	s31 =	simm.s32 @!p0 $0x3;
	s1 =	simm.s32 @!p0 $0x80;
	s29 =	simm.s32 @!p0 $0x5000  }
0x82: {  	[tilespmem:s29], [sflag:$0x1] =	stream.indirect.gather @!p0 [hbm4b:s4+s1], $0x80, s0, s1, $0xb8;
	[tilespmem:$0x1CC00] =	vst v63  }
0x83: {  	s31 =	simm.s32 @p0 $0x2;
	s0 =	simm.s32 @!p0 $0x1000  }
0x84: {  	[spmem:s2] =	stream.indirect.scatter.add.f32 @!p0 [tilespmem:s0], [sflag:$0x3], $0x80, s28, s1, $0xb8;
	[tilespmem:$0x1CC00] =	vst v63  }
0x85: {  	_ =	swait.ge [sflag:s31], $0x4000  }
0x86: {  	s30 =	simm.s32 $0x100;
	s29 =	simm.s32 $0x1;
	[sflag:s31] =	ssyncset.done $0x0  }
.LBB2_6:
0x87: {  	[sflag:s31] =	ssyncadd.s32 $0xFFFFC000  }
0x88: {  	s28 =	sadd.s32 $0x80, s28;
	s0 =	smov.u32 s29;
	s29 =	sadd.s32 $0x1, s29  }
0x89: {  	p0 =	sne.s32 s29, $0xF  }
0x8a: {  	s0 =	sand.u32 $0x1, s0;
	_ =	swait.ge [sflag:s22], $0x4000  }
0x8b: {  	p1 =	seq.s32 s0, $0x1;
	[sflag:s22] =	ssyncset.done $0x0  }
0x8c: {  	s0 =	simm.s32 @p1 $0x80;
	s1 =	simm.s32 @p1 $0x1000;
	[sflag:s22] =	ssyncadd.s32 $0xFFFFC000  }
0x8d: {  	[tilespmem:s1], [sflag:$0x1] =	stream.indirect.gather @p1 [hbm4b:s4+s0], $0x80, s30, s0, $0xb8;
	[tilespmem:$0x1CC00] =	vst v63  }
0x8e: {  	s31 =	simm.s32 @!p1 $0x3;
	s1 =	simm.s32 @p1 $0x5000  }
0x8f: {  	[spmem:s2] =	stream.indirect.scatter.add.f32 @p1 [tilespmem:s1], [sflag:$0x2], $0x80, s28, s0, $0xb8;
	[tilespmem:$0x1CC00] =	vst v63  }
0x90: {  	s0 =	simm.s32 @!p1 $0x80;
	s1 =	simm.s32 @!p1 $0x5000  }
0x91: {  	[tilespmem:s1], [sflag:$0x1] =	stream.indirect.gather @!p1 [hbm4b:s4+s0], $0x80, s30, s0, $0xb8;
	[tilespmem:$0x1CC00] =	vst v63  }
.Ltmp2:
0x92: {  	_ = 	snop;
	(pc) =	sbr.rel @p0 .LBB2_6-.Ltmp2, $4  }
0x93: {  	s31 =	simm.s32 @p1 $0x2;
	s1 =	simm.s32 @!p1 $0x1000  }
0x94: {  	[spmem:s2] =	stream.indirect.scatter.add.f32 @!p1 [tilespmem:s1], [sflag:$0x3], $0x80, s28, s0, $0xb8;
	[tilespmem:$0x1CC00] =	vst v63  }
0x95: {  	_ =	swait.ge [sflag:s31], $0x4000  }
0x96: {  	s30 =	sadd.s32 $0x80, s30;
	[sflag:s31] =	ssyncset.done $0x0  }
0x97: {  	[sflag:s31] =	ssyncadd.s32 $0xFFFFC000  }
0x98: {  	_ =	swait.ge [sflag:s22], $0x4000  }
0x99: {  	[sflag:s22] =	ssyncset.done $0x0  }
0x9a: {  	s0 =	simm.s32 $0x80;
	[sflag:s22] =	ssyncadd.s32 $0xFFFFC000  }
0x9b: {  	[spmem:s2] =	stream.indirect.scatter.add.f32 [tilespmem:s24], [sflag:$0x2], $0x80, s23, s0, $0xb8;
	[tilespmem:$0x1CC00] =	vst v63  }
0x9c: {  	_ =	swait.ge [sflag:s20], $0x4000  }
0x9d: {  	[sflag:s20] =	ssyncset.done $0x0  }
0x9e: {  	s1 =	simm.s32 $0x0;
	[sflag:s20] =	ssyncadd.s32 $0xFFFFC000  }
0x9f: {  	[tilespmem:s1], [sflag:$0x2] =	stream.linear.gather [hbm4b:s13+s1], $0x800, $0x38;
	[tilespmem:$0x1CC00] =	vst v63  }
0xa0: {  	_ =	swait.ge [sflag:s20], $0x800  }
0xa1: {  	[sflag:s20] =	ssyncset.done $0x0  }
0xa2: {  	s28 =	simm.s32 $0x800;
	[sflag:s20] =	ssyncadd.s32 $0xFFFFF800  }
0xa3: {  	[tilespmem:s28], [sflag:$0x2] =	stream.linear.gather [hbm4b:s14+s1], $0x800, $0x38;
	[tilespmem:$0x1CC00] =	vst v63  }
0xa4: {  	_ =	swait.ge [sflag:s20], $0x800  }
0xa5: {  	[sflag:s20] =	ssyncset.done $0x0  }
0xa6: {  	[sflag:s20] =	ssyncadd.s32 $0xFFFFF800  }
0xa7: {  	[tilespmem:s21], [sflag:$0x1] =	stream.indirect.gather [hbm4b:s4+s0], $0x80, s1, s0, $0xb8;
	[tilespmem:$0x1CC00] =	vst v63  }
0xa8: {  	s1 =	sand.u32 $0x1, s1;
	_ =	swait.ge [sflag:s22], $0x4000  }
0xa9: {  	p0 =	seq.s32 s1, $0x1;
	[sflag:s22] =	ssyncset.done $0x0  }
0xaa: {  	s1 =	simm.s32 @p0 $0x80;
	s29 =	simm.s32 @p0 $0x1000;
	[sflag:s22] =	ssyncadd.s32 $0xFFFFC000  }
0xab: {  	[tilespmem:s29], [sflag:$0x1] =	stream.indirect.gather @p0 [hbm4b:s4+s1], $0x80, s0, s1, $0xb8;
	[tilespmem:$0x1CC00] =	vst v63  }
0xac: {  	s29 =	simm.s32 @p0 $0x5000  }
0xad: {  	[spmem:s2] =	stream.indirect.scatter.add.f32 @p0 [tilespmem:s29], [sflag:$0x2], $0x80, s28, s1, $0xb8;
	[tilespmem:$0x1CC00] =	vst v63  }
0xae: {  	s31 =	simm.s32 @!p0 $0x3;
	s1 =	simm.s32 @!p0 $0x80;
	s29 =	simm.s32 @!p0 $0x5000  }
0xaf: {  	[tilespmem:s29], [sflag:$0x1] =	stream.indirect.gather @!p0 [hbm4b:s4+s1], $0x80, s0, s1, $0xb8;
	[tilespmem:$0x1CC00] =	vst v63  }
0xb0: {  	s31 =	simm.s32 @p0 $0x2;
	s0 =	simm.s32 @!p0 $0x1000  }
0xb1: {  	[spmem:s2] =	stream.indirect.scatter.add.f32 @!p0 [tilespmem:s0], [sflag:$0x3], $0x80, s28, s1, $0xb8;
	[tilespmem:$0x1CC00] =	vst v63  }
0xb2: {  	_ =	swait.ge [sflag:s31], $0x4000  }
0xb3: {  	s30 =	simm.s32 $0x100;
	s29 =	simm.s32 $0x1;
	[sflag:s31] =	ssyncset.done $0x0  }
.LBB2_8:
0xb4: {  	[sflag:s31] =	ssyncadd.s32 $0xFFFFC000  }
0xb5: {  	s28 =	sadd.s32 $0x80, s28;
	s0 =	smov.u32 s29;
	s29 =	sadd.s32 $0x1, s29  }
0xb6: {  	p0 =	sne.s32 s29, $0xF  }
0xb7: {  	s0 =	sand.u32 $0x1, s0;
	_ =	swait.ge [sflag:s22], $0x4000  }
0xb8: {  	p1 =	seq.s32 s0, $0x1;
	[sflag:s22] =	ssyncset.done $0x0  }
0xb9: {  	s0 =	simm.s32 @p1 $0x80;
	s1 =	simm.s32 @p1 $0x1000;
	[sflag:s22] =	ssyncadd.s32 $0xFFFFC000  }
0xba: {  	[tilespmem:s1], [sflag:$0x1] =	stream.indirect.gather @p1 [hbm4b:s4+s0], $0x80, s30, s0, $0xb8;
	[tilespmem:$0x1CC00] =	vst v63  }
0xbb: {  	s31 =	simm.s32 @!p1 $0x3;
	s1 =	simm.s32 @p1 $0x5000  }
0xbc: {  	[spmem:s2] =	stream.indirect.scatter.add.f32 @p1 [tilespmem:s1], [sflag:$0x2], $0x80, s28, s0, $0xb8;
	[tilespmem:$0x1CC00] =	vst v63  }
0xbd: {  	s0 =	simm.s32 @!p1 $0x80;
	s1 =	simm.s32 @!p1 $0x5000  }
0xbe: {  	[tilespmem:s1], [sflag:$0x1] =	stream.indirect.gather @!p1 [hbm4b:s4+s0], $0x80, s30, s0, $0xb8;
	[tilespmem:$0x1CC00] =	vst v63  }
.Ltmp3:
0xbf: {  	_ = 	snop;
	(pc) =	sbr.rel @p0 .LBB2_8-.Ltmp3, $4  }
0xc0: {  	s31 =	simm.s32 @p1 $0x2;
	s1 =	simm.s32 @!p1 $0x1000  }
0xc1: {  	[spmem:s2] =	stream.indirect.scatter.add.f32 @!p1 [tilespmem:s1], [sflag:$0x3], $0x80, s28, s0, $0xb8;
	[tilespmem:$0x1CC00] =	vst v63  }
0xc2: {  	_ =	swait.ge [sflag:s31], $0x4000  }
0xc3: {  	s30 =	sadd.s32 $0x80, s30;
	[sflag:s31] =	ssyncset.done $0x0  }
0xc4: {  	[sflag:s31] =	ssyncadd.s32 $0xFFFFC000  }
0xc5: {  	_ =	swait.ge [sflag:s22], $0x4000  }
0xc6: {  	[sflag:s22] =	ssyncset.done $0x0  }
0xc7: {  	s0 =	simm.s32 $0x80;
	[sflag:s22] =	ssyncadd.s32 $0xFFFFC000  }
0xc8: {  	[spmem:s2] =	stream.indirect.scatter.add.f32 [tilespmem:s24], [sflag:$0x2], $0x80, s23, s0, $0xb8;
	[tilespmem:$0x1CC00] =	vst v63  }
0xc9: {  	_ =	swait.ge [sflag:s20], $0x4000  }
0xca: {  	[sflag:s20] =	ssyncset.done $0x0  }
0xcb: {  	s1 =	simm.s32 $0x0;
	[sflag:s20] =	ssyncadd.s32 $0xFFFFC000  }
0xcc: {  	[tilespmem:s1], [sflag:$0x2] =	stream.linear.gather [hbm4b:s15+s1], $0x800, $0x38;
	[tilespmem:$0x1CC00] =	vst v63  }
0xcd: {  	_ =	swait.ge [sflag:s20], $0x800  }
0xce: {  	[sflag:s20] =	ssyncset.done $0x0  }
0xcf: {  	s28 =	simm.s32 $0x800;
	[sflag:s20] =	ssyncadd.s32 $0xFFFFF800  }
0xd0: {  	[tilespmem:s28], [sflag:$0x2] =	stream.linear.gather [hbm4b:s16+s1], $0x800, $0x38;
	[tilespmem:$0x1CC00] =	vst v63  }
0xd1: {  	_ =	swait.ge [sflag:s20], $0x800  }
0xd2: {  	[sflag:s20] =	ssyncset.done $0x0  }
0xd3: {  	[sflag:s20] =	ssyncadd.s32 $0xFFFFF800  }
0xd4: {  	[tilespmem:s21], [sflag:$0x1] =	stream.indirect.gather [hbm4b:s4+s0], $0x80, s1, s0, $0xb8;
	[tilespmem:$0x1CC00] =	vst v63  }
0xd5: {  	s1 =	sand.u32 $0x1, s1;
	_ =	swait.ge [sflag:s22], $0x4000  }
0xd6: {  	p0 =	seq.s32 s1, $0x1;
	[sflag:s22] =	ssyncset.done $0x0  }
0xd7: {  	s1 =	simm.s32 @p0 $0x80;
	s29 =	simm.s32 @p0 $0x1000;
	[sflag:s22] =	ssyncadd.s32 $0xFFFFC000  }
0xd8: {  	[tilespmem:s29], [sflag:$0x1] =	stream.indirect.gather @p0 [hbm4b:s4+s1], $0x80, s0, s1, $0xb8;
	[tilespmem:$0x1CC00] =	vst v63  }
0xd9: {  	s29 =	simm.s32 @p0 $0x5000  }
0xda: {  	[spmem:s2] =	stream.indirect.scatter.add.f32 @p0 [tilespmem:s29], [sflag:$0x2], $0x80, s28, s1, $0xb8;
	[tilespmem:$0x1CC00] =	vst v63  }
0xdb: {  	s31 =	simm.s32 @!p0 $0x3;
	s1 =	simm.s32 @!p0 $0x80;
	s29 =	simm.s32 @!p0 $0x5000  }
0xdc: {  	[tilespmem:s29], [sflag:$0x1] =	stream.indirect.gather @!p0 [hbm4b:s4+s1], $0x80, s0, s1, $0xb8;
	[tilespmem:$0x1CC00] =	vst v63  }
0xdd: {  	s31 =	simm.s32 @p0 $0x2;
	s0 =	simm.s32 @!p0 $0x1000  }
0xde: {  	[spmem:s2] =	stream.indirect.scatter.add.f32 @!p0 [tilespmem:s0], [sflag:$0x3], $0x80, s28, s1, $0xb8;
	[tilespmem:$0x1CC00] =	vst v63  }
0xdf: {  	_ =	swait.ge [sflag:s31], $0x4000  }
0xe0: {  	s30 =	simm.s32 $0x100;
	s29 =	simm.s32 $0x1;
	[sflag:s31] =	ssyncset.done $0x0  }
.LBB2_10:
0xe1: {  	[sflag:s31] =	ssyncadd.s32 $0xFFFFC000  }
0xe2: {  	s28 =	sadd.s32 $0x80, s28;
	s0 =	smov.u32 s29;
	s29 =	sadd.s32 $0x1, s29  }
0xe3: {  	p0 =	sne.s32 s29, $0xF  }
0xe4: {  	s0 =	sand.u32 $0x1, s0;
	_ =	swait.ge [sflag:s22], $0x4000  }
0xe5: {  	p1 =	seq.s32 s0, $0x1;
	[sflag:s22] =	ssyncset.done $0x0  }
0xe6: {  	s0 =	simm.s32 @p1 $0x80;
	s1 =	simm.s32 @p1 $0x1000;
	[sflag:s22] =	ssyncadd.s32 $0xFFFFC000  }
0xe7: {  	[tilespmem:s1], [sflag:$0x1] =	stream.indirect.gather @p1 [hbm4b:s4+s0], $0x80, s30, s0, $0xb8;
	[tilespmem:$0x1CC00] =	vst v63  }
0xe8: {  	s31 =	simm.s32 @!p1 $0x3;
	s1 =	simm.s32 @p1 $0x5000  }
0xe9: {  	[spmem:s2] =	stream.indirect.scatter.add.f32 @p1 [tilespmem:s1], [sflag:$0x2], $0x80, s28, s0, $0xb8;
	[tilespmem:$0x1CC00] =	vst v63  }
0xea: {  	s0 =	simm.s32 @!p1 $0x80;
	s1 =	simm.s32 @!p1 $0x5000  }
0xeb: {  	[tilespmem:s1], [sflag:$0x1] =	stream.indirect.gather @!p1 [hbm4b:s4+s0], $0x80, s30, s0, $0xb8;
	[tilespmem:$0x1CC00] =	vst v63  }
.Ltmp4:
0xec: {  	_ = 	snop;
	(pc) =	sbr.rel @p0 .LBB2_10-.Ltmp4, $4  }
0xed: {  	s31 =	simm.s32 @p1 $0x2;
	s1 =	simm.s32 @!p1 $0x1000  }
0xee: {  	[spmem:s2] =	stream.indirect.scatter.add.f32 @!p1 [tilespmem:s1], [sflag:$0x3], $0x80, s28, s0, $0xb8;
	[tilespmem:$0x1CC00] =	vst v63  }
0xef: {  	_ =	swait.ge [sflag:s31], $0x4000  }
0xf0: {  	s30 =	sadd.s32 $0x80, s30;
	[sflag:s31] =	ssyncset.done $0x0  }
0xf1: {  	[sflag:s31] =	ssyncadd.s32 $0xFFFFC000  }
0xf2: {  	_ =	swait.ge [sflag:s22], $0x4000  }
0xf3: {  	[sflag:s22] =	ssyncset.done $0x0  }
0xf4: {  	[sflag:s22] =	ssyncadd.s32 $0xFFFFC000  }
0xf5: {  	[spmem:s2] =	stream.indirect.scatter.add.f32 [tilespmem:s24], [sflag:$0x2], $0x80, s23, s25, $0xb8;
	[tilespmem:$0x1CC00] =	vst v63  }
0xf6: {  	_ =	swait.ge [sflag:s20], $0x4000  }
0xf7: {  	s26 =	sadd.s32 $0x1, s26;
	[sflag:s20] =	ssyncset.done $0x0  }
0xf8: {  	p0 =	sne.s32 s26, s18;
	[sflag:s20] =	ssyncadd.s32 $0xFFFFC000  }
.Ltmp5:
0xf9: {  	[bflag:$0x0] =	sbarrier.arrive $0xFFFF;
	(pc) =	sbr.rel @p0 .LBB2_1-.Ltmp5, $4  }
0xfa: {  	[hbm:s17], [sflag:s6] =	dma.local [spmem:s19], $0x2780  }
0xfb: {  	_ =	swait.ge [sflag:s20], $0x2780  }
0xfc: {  	[sflag:s20] =	ssyncset.done $0x0  }
0xfd: {  	[sflag:s20] =	ssyncadd.s32 $0xFFFFD880  }
0xfe: {  	_ =	sfence.sel $0x180000  }
0xff: {  	[bflag:$0x0] =	sbarrier.arrive $0xFFFF  }
0x100: {  	_ =	strace $0x9000004A  }
0x101: {  	s0 =	stileid.u32;
	[bflag:$0x2] =	sbarrier.arrive $0xFFFF  }
0x102: {  	p0 =	sne.s32 s0, $0x0;
	s0 =	rddreg [dreg:$0x2]  }
0x103: {  	s0 =	sadd.s32 @!p0 $0x100000, s0  }
0x104: {  	[sflag:s0] =	ssyncadd.tile.s32 @!p0 $0x1;
	_ =	shalt  }
.Lfunc_end2:
_tile_overlayer_lowered:
.L_overlay_start_2:
0x105: {  	(tag) =	ssettag $0x2  }
0x106: {  	s0 =	rddreg [dreg:$0x0];
	s2 =	stileid.u32  }
0x107: {  	s1 =	rddreg [dreg:$0x1];
	p0 =	sne.s32 s2, $0x0  }
0x108: {  	s3 =	rddreg [dreg:$0x2];
	[bflag:$0x3] =	sbarrier.arrive $0xFFFF;
	s2 =	simm.s32 @!p0 $0x1C02  }
0x109: {  	[timem:s3], [sflag:s2] =	dma.local @!p0 [hbm:s0], s1  }
0x10a: {  	s0 =	simm.s32 @!p0 $0x2  }
0x10b: {  	_ =	swait.ge @!p0 [sflag:s0], s1  }
0x10c: {  	s1 =	ssub.s32 @!p0 $0x0, s1;
	[sflag:s0] =	ssyncset.done @!p0 $0x0  }
0x10d: {  	[sflag:s0] =	ssyncadd.s32 @!p0 s1  }
0x10e: {  	[bflag:$0x3] =	sbarrier.arrive $0xFFFF  }
0x10f: {  	_ =	shalt  }

// kernel: kernel.14.cloned.1.call-start
scs
__scs_entry_jumppad:
0x0: {  	(pc) =	sbr.rel $0x88, $3  }
0x1: {  	(tag) =	ssettag $0x0;
	lr =	simm.s32 $0x1  }
0x2: {  	[smem:$0x3F98] =	sst lr;
	_ =	strace $0xD0000000  }
0x3: {  	_ = 	snop  }
0x4: {  	_ = 	snop  }
0x5: {  	_ = 	snop  }
0x6: {  	_ = 	snop  }
0x7: {  	_ = 	snop  }
__scs_overlays_trampoline_lowered:
0x8: {  	[smem:$0x3FA7] =	sst s0  }
0x9: {  	[smem:$0x3FA8] =	sst s1  }
0xa: {  	[smem:$0x3FA9] =	sst s2  }
0xb: {  	[smem:$0x3FAA] =	sst s3  }
0xc: {  	[smem:$0x3FAB] =	sst s4  }
0xd: {  	[smem:$0x3FAC] =	sst s5  }
0xe: {  	[smem:$0x3FAD] =	sst s6  }
0xf: {  	[smem:$0x3FAE] =	sst s7  }
0x10: {  	[smem:$0x3FAF] =	sst s8  }
0x11: {  	[smem:$0x3FB0] =	sst s9;
	s0 =	simm.s32 @!p0 $0x0  }
0x12: {  	s1 =	sld [smem:$0x3F96];
	s0 =	simm.s32 @p0 $0x1  }
0x13: {  	[smem:$0x3FB1] =	sst s0;
	s0 =	simm.s32 @!p1 $0x0  }
0x14: {  	s2 =	sld [smem:$0x3F95];
	s0 =	simm.s32 @p1 $0x1  }
0x15: {  	[smem:$0x3FB2] =	sst s0;
	s0 =	simm.s32 @!p2 $0x0  }
0x16: {  	s3 =	sld [smem:$0x3FDB];
	s0 =	simm.s32 @p2 $0x1  }
0x17: {  	s4 =	simm.s32 $0x1BF5;
	[smem:$0x3FB4] =	sst s0  }
0x18: {  	s0 =	sld [smem:$0x3F97];
	_ =	swait.ge [sflag:s4], $0x0  }
0x19: {  	s7 =	sld [smem:$0x3F98]  }
0x1a: {  	s8 =	sadd.s32 $0xFFFFE003, lr  }
0x1b: {  	s9 =	sadd.s32 $0xFFFFFEF7, lr;
	s5 =	simm.s32 $0xFFFFFFFF;
	p2 =	slt.u32 s8, $0xFFFFF086  }
0x1c: {  	p1 =	slt.u32 s9, $0xF7A;
	s5 =	simm.s32 @!p2 $0x0  }
0x1d: {  	s5 =	simm.s32 @p1 $0x1;
	p0 =	seq.s32 s7, s2  }
0x1e: {  	s7 =	smul.u32 @!p0 $0xF7A, s2;
	p2 =	seq.s32 @!p0 s5, $0x0  }
0x1f: {  	s9 =	smul.u32 $0xF7A, s1;
	s8 =	simm.s32 @!p0 $0x1BF5;
	p2 =	por !p2, p0  }
0x20: {  	[sflag:s8] =	ssyncset.s32 @!p0 $0xFFFFF086;
	s6 =	sadd.s32 @!p0 s3, s7;
	s7 =	simm.s32 @!p0 $0x108  }
0x21: {  	s3 =	sadd.s32 s3, s9;
	s6 =	sadd.s32 @!p0 $0x88, s6;
	s7 =	simm.s32 @p2 $0x1082  }
0x22: {  	[simem:s7], [sflag:s8] =	dma.local @!p0 [hbm:s6], $0xF7A  }
0x23: {  	s9 =	sor.u32 $0xD0000000, s2;
	s6 =	simm.s32 $0x108;
	_ =	swait.ge @!p0 [sflag:s8], $0x0  }
0x24: {  	s3 =	sadd.s32 $0x88, s3;
	s6 =	simm.s32 @!p1 $0x1082;
	[sflag:s4] =	ssyncset.s32 $0xFFFFF086  }
0x25: {  	[simem:s6], [sflag:s4] =	dma.local [hbm:s3], $0xF7A  }
0x26: {  	[smem:$0x3F98] =	sst s1;
	(tag) =	ssettag s2;
	_ =	strace s9  }
0x27: {  	s1 =	sld [smem:$0x3FA8]  }
0x28: {  	s2 =	sld [smem:$0x3FA9]  }
0x29: {  	s4 =	sld [smem:$0x3FAB]  }
0x2a: {  	p0 =	seq.s32 s5, $0x0;
	s5 =	sld [smem:$0x3FAC]  }
0x2b: {  	s6 =	sld [smem:$0x3FAD]  }
0x2c: {  	s7 =	sld [smem:$0x3FAE]  }
0x2d: {  	s3 =	simm.s32 $0x108;
	s8 =	sld [smem:$0x3FAF]  }
0x2e: {  	s3 =	simm.s32 @!p0 $0x1082;
	s9 =	sld [smem:$0x3FB0]  }
0x2f: {  	lr =	sadd.s32 s0, s3;
	s0 =	sld [smem:$0x3FA7]  }
0x30: {  	s3 =	sld [smem:$0x3FAA]  }
0x31: {  	[smem:$0x3FB3] =	sst s10  }
0x32: {  	s10 =	sld [smem:$0x3FB1];
	_ =	sdelay $0x3  }
0x33: {  	p0 =	seq.s32 s10, $0x1;
	s10 =	sld [smem:$0x3FB3];
	_ =	sdelay $0x3  }
0x34: {  	[smem:$0x3FB3] =	sst s10  }
0x35: {  	s10 =	sld [smem:$0x3FB2];
	_ =	sdelay $0x3  }
0x36: {  	p1 =	seq.s32 s10, $0x1;
	s10 =	sld [smem:$0x3FB3];
	_ =	sdelay $0x3  }
0x37: {  	[smem:$0x3FB3] =	sst s10  }
0x38: {  	s10 =	sld [smem:$0x3FB4]  }
0x39: {  	_ = 	snop;
	(pc) =	sbr.ind lr, $3  }
0x3a: {  	_ = 	snop  }
0x3b: {  	_ = 	snop  }
0x3c: {  	p2 =	seq.s32 s10, $0x1;
	s10 =	sld [smem:$0x3FB3]  }
0x3d: {  	_ =	shalt  }
0x3e: {  	_ =	shalt  }
0x3f: {  	_ =	shalt  }
0x40: {  	_ =	shalt  }
0x41: {  	_ =	shalt  }
0x42: {  	_ =	shalt  }
0x43: {  	_ =	shalt  }
0x44: {  	_ =	shalt  }
0x45: {  	_ =	shalt  }
0x46: {  	_ =	shalt  }
0x47: {  	_ =	shalt  }
0x48: {  	_ =	shalt  }
0x49: {  	_ =	shalt  }
0x4a: {  	_ =	shalt  }
0x4b: {  	_ =	shalt  }
0x4c: {  	_ =	shalt  }
0x4d: {  	_ =	shalt  }
0x4e: {  	_ =	shalt  }
0x4f: {  	_ =	shalt  }
0x50: {  	_ =	shalt  }
0x51: {  	_ =	shalt  }
0x52: {  	_ =	shalt  }
0x53: {  	_ =	shalt  }
0x54: {  	_ =	shalt  }
0x55: {  	_ =	shalt  }
0x56: {  	_ =	shalt  }
0x57: {  	_ =	shalt  }
0x58: {  	_ =	shalt  }
0x59: {  	_ =	shalt  }
0x5a: {  	_ =	shalt  }
0x5b: {  	_ =	shalt  }
0x5c: {  	_ =	shalt  }
0x5d: {  	_ =	shalt  }
0x5e: {  	_ =	shalt  }
0x5f: {  	_ =	shalt  }
0x60: {  	_ =	shalt  }
0x61: {  	_ =	shalt  }
0x62: {  	_ =	shalt  }
0x63: {  	_ =	shalt  }
0x64: {  	_ =	shalt  }
0x65: {  	_ =	shalt  }
0x66: {  	_ =	shalt  }
0x67: {  	_ =	shalt  }
0x68: {  	_ =	shalt  }
0x69: {  	_ =	shalt  }
0x6a: {  	_ =	shalt  }
0x6b: {  	_ =	shalt  }
0x6c: {  	_ =	shalt  }
0x6d: {  	_ =	shalt  }
0x6e: {  	_ =	shalt  }
0x6f: {  	_ =	shalt  }
0x70: {  	_ =	shalt  }
0x71: {  	_ =	shalt  }
0x72: {  	_ =	shalt  }
0x73: {  	_ =	shalt  }
0x74: {  	_ =	shalt  }
0x75: {  	_ =	shalt  }
0x76: {  	_ =	shalt  }
0x77: {  	_ =	shalt  }
0x78: {  	_ =	shalt  }
0x79: {  	_ =	shalt  }
0x7a: {  	_ =	shalt  }
0x7b: {  	_ =	shalt  }
0x7c: {  	_ =	shalt  }
0x7d: {  	_ =	shalt  }
0x7e: {  	_ =	shalt  }
0x7f: {  	_ =	shalt  }
0x80: {  	_ =	shalt  }
0x81: {  	_ =	shalt  }
0x82: {  	_ =	shalt  }
0x83: {  	_ =	shalt  }
0x84: {  	_ =	shalt  }
0x85: {  	_ =	shalt  }
0x86: {  	_ =	shalt  }
0x87: {  	_ =	shalt  }
.Lfunc_end0:
.L_simem_size_0:
called_computation.2_lowered:
.L_overlay_start_0:
0x88: {  	s2 =	sld [smem:$0x3FD9]  }
0x89: {  	s3 =	sld [smem:$0x3FFE];
	_ =	sdelay $0x1  }
0x8a: {  	s1 =	srdreg.scid  }
0x8b: {  	s0 =	sand.u32 $0x1, s1  }
0x8c: {  	s16 =	sshll.u32 s0, $0xA;
	s2 =	sadd.s32 s3, s2  }
0x8d: {  	s2 =	sadd.s32 s2, s16  }
0x8e: {  	[smem:$0x3FBF] =	sst s2  }
0x8f: {  	_ = 	snop  }
0x90: {  	(tm) =	ssettm $0x1  }
0x91: {  	s17 =	sld [smem:$0x3FFB];
	_ =	sdelay $0x3  }
0x92: {  	_ =	strace s17  }
0x93: {  	s2 =	sld [smem:$0x3FFC];
	_ =	sdelay $0x3  }
0x94: {  	_ =	strace s2  }
0x95: {  	s2 =	sld [smem:$0x3FFD];
	_ =	sdelay $0x3  }
0x96: {  	_ =	strace s2  }
0x97: {  	_ =	strace $0x8FFFFFFF  }
0x98: {  	s18 =	sld [smem:$0x3FDB];
	_ =	sdelay $0x1  }
0x99: {  	s19 =	simm.s32 $_scs_section_size  }
0x9a: {  	s4 =	simm.s32 $_size__tile_overlayer_lowered;
	s5 =	simm.s32 $_tile_overlayer_lowered  }
0x9b: {  	s22 =	simm.s32 $0x1BFF;
	s21 =	sshll.u32 s5, $0x1;
	s2 =	sadd.s32 s19, s18  }
0x9c: {  	s6 =	simm.s32 $0x0;
	s20 =	sshll.u32 s4, $0x1;
	s4 =	sadd.s32 s21, s2  }
0x9d: {  	[timem:s6], [sflag:s22] =	dma.local [hbm:s4], s20  }
0x9e: {  	_ =	swait.ge [sflag:s22], s20  }
0x9f: {  	s3 =	ssub.s32 $0x0, s20;
	[sflag:s22] =	ssyncset.done $0x0  }
0xa0: {  	[sflag:s22] =	ssyncadd.s32 s3;
	_ =	sdelay $0x1  }
0xa1: {  	s23 =	simm.s32 $0x1B8B  }
0xa2: {  	_ =	swait.ge [sflag:s23], $0x1  }
0xa3: {  	[sflag:s23] =	ssyncset.done $0x0  }
0xa4: {  	s25 =	simm.s32 $0x1B8E;
	s24 =	sld [smem:$0x3FFE];
	[sflag:s23] =	ssyncadd.s32 $0xFFFFFFFF  }
0xa5: {  	s26 =	simm.s32 $execute0_lowered;
	[smem:$0x3FD2] =	sst s25  }
0xa6: {  	s4 =	sshll.u32 s26, $0x1;
	_ =	strace $0x8000004C;
	[dreg:$0x1] =	wrdreg $0xFFFFFFFF  }
0xa7: {  	s28 =	simm.s32 $_size_execute0_lowered;
	s2 =	sadd.s32 s2, s4;
	[dreg:$0x0] =	wrdreg $0x0  }
0xa8: {  	s4 =	sshll.u32 s28, $0x1;
	[dreg:$0x2] =	wrdreg s2  }
0xa9: {  	[dreg:$0x3] =	wrdreg s4  }
0xaa: {  	[dreg:$0x4] =	wrdreg $0xC0  }
0xab: {  	_ =	task [dreg:s6], $0x5FFFF  }
0xac: {  	[dreg:$0x1] =	wrdreg $0xFFFFFFFF  }
0xad: {  	[dreg:$0x0] =	wrdreg $0x60  }
0xae: {  	[dreg:$0x2] =	wrdreg s24  }
0xaf: {  	[dreg:$0x3] =	wrdreg $0x90000  }
0xb0: {  	[dreg:$0x4] =	wrdreg $0x9  }
0xb1: {  	_ =	task.clear_ibuf [dreg:s6], $0x5FFFF;
	_ =	strace $0x9000004C  }
0xb2: {  	s29 =	simm.s32 $0x9;
	_ =	strace $0x8000004E  }
0xb3: {  	_ =	swait.ge [sflag:s29], $0x1  }
0xb4: {  	[sflag:s29] =	ssyncadd.s32 $0xFFFFFFFF  }
0xb5: {  	_ =	strace $0x9000004E  }
0xb6: {  	_ =	sfence  }
0xb7: {  	s30 =	sld [smem:$0x0];
	_ =	sdelay $0x2  }
0xb8: {  	s31 =	sshll.u32 s1, $0xD;
	s1 =	sshrl.u32 s1, $0x2  }
0xb9: {  	s3 =	sand.u32 $0x4000, s31;
	s1 =	sadd.s32 s1, s30  }
0xba: {  	s0 =	sor.u32 s3, s0;
	s1 =	sshll.u32 s1, $0x11  }
0xbb: {  	s0 =	sor.u32 s1, s0  }
0xbc: {  	s0 =	sadd.s32 $0x8F2B, s0  }
0xbd: {  	[sflag:s0] =	ssyncadd.remote.s32 $0x1  }
0xbe: {  	_ =	sfence.sel $0xFFFF  }
0xbf: {  	[dreg:$0x0] =	wrdreg $0xFFFFFFFF;
	(pc) =	sbr.abs _section_cstart, $3  }
0xc0: {  	[dreg:$0x1] =	wrdreg $0xFFFFFFFF  }
0xc1: {  	_ =	task.clear_ibuf [dreg:s6], $0x2FFFF;
	_ =	strace $0x9FFFFFFF  }
0xc2: {  	(tm) =	ssettm $0x7FFFFFFF  }
0xc3: {  	_ =	shalt  }
tec
execute0_lowered:
.L_overlay_start_1:
0x0: {  	(tag) =	ssettag $0x1  }
0x1: {  	s6 =	rddreg [dreg:$0x0]  }
0x2: {  	s2 =	rddreg [dreg:$0x1];
	s3 =	simm.s32 $0x0;
	s4 =	srdreg.scid  }
0x3: {  	s0 =	stileid.u32;
	s21 =	simm.s32 $0x1000;
	s22 =	simm.s32 $0x1  }
0x4: {  	s23 =	simm.s32 $0xF80;
	s24 =	simm.s32 $0x5000;
	[smem:$0x7FF] =	sst s3  }
0x5: {  	s7 =	sand.u32 $0x1, s4;
	s8 =	smul.u32 $0x2780, s0;
	s15 =	sadd.s32 $0x5E400, s6  }
0x6: {  	s16 =	sadd.s32 $0x2400, s6;
	s4 =	sadd.s32 $0xC400, s6;
	s10 =	smul.u32 $0x4F000, s0  }
0x7: {  	s5 =	sadd.s32 $0x33600, s6;
	s30 =	sshll.u32 s0, $0x6;
	s9 =	smul.u32 $0x27800, s7  }
0x8: {  	_ =	strace $0x8000004D;
	s25 =	sshll.u32 s7, $0x4;
	s7 =	ssub.s32 $0x2, s7  }
0x9: {  	s26 =	sshrl.u32 s7, $0x1;
	s29 =	sshrl.u32 s10, $0x2;
	s8 =	sadd.s32 s8, s9  }
0xa: {  	s9 =	sor.u32 s0, s25;
	s18 =	ssub.s32 s7, s26;
	s19 =	sadd.s32 s29, s2  }
0xb: {  	s25 =	simm.s32 $0x80;
	s26 =	simm.s32 $0x0;
	s28 =	smul.u32 $0x2800, s9  }
0xc: {  	s17 =	sadd.s32 s8, s6;
	s6 =	sor.u32 $0x1C02, s30;
	s18 =	smax.u32 s18, $0x1  }
0xd: {  	s19 =	sshrl.u32 s19, $0x3;
	s17 =	sadd.s32 $0x68400, s17;
	s20 =	sshrl.u32 s28, $0x3  }
0xe: {  	s7 =	sadd.s32 s15, s20;
	s8 =	sadd.s32 s16, s20;
	s31 =	sadd.s32 $0x100, s20  }
0xf: {  	s12 =	sadd.s32 $0x200, s20;
	s14 =	sadd.s32 $0x300, s20;
	s20 =	sadd.s32 $0x400, s20  }
0x10: {  	s9 =	sadd.s32 s15, s31;
	s10 =	sadd.s32 s16, s31;
	s11 =	sadd.s32 s15, s12  }
0x11: {  	s12 =	sadd.s32 s16, s12;
	s13 =	sadd.s32 s15, s14;
	s14 =	sadd.s32 s16, s14  }
0x12: {  	s15 =	sadd.s32 s15, s20;
	s16 =	sadd.s32 s16, s20;
	s20 =	simm.s32 $0x2  }
.LBB2_1:
0x13: {  	[spmem:s19], [sflag:s6] =	dma.local [hbm:s5], $0x2780  }
0x14: {  	_ =	swait.ge [sflag:s20], $0x2780  }
0x15: {  	[sflag:s20] =	ssyncset.done $0x0  }
0x16: {  	[sflag:s20] =	ssyncadd.s32 $0xFFFFD880  }
0x17: {  	[bflag:$0x0] =	sbarrier.arrive $0xFFFF  }
0x18: {  	[tilespmem:s3], [sflag:$0x2] =	stream.linear.gather [hbm4b:s7+s3], $0x800, $0x38;
	[tilespmem:$0x1CC00] =	vst v63  }
0x19: {  	_ =	swait.ge [sflag:s20], $0x800  }
0x1a: {  	[sflag:s20] =	ssyncset.done $0x0  }
0x1b: {  	s28 =	simm.s32 $0x800;
	[sflag:s20] =	ssyncadd.s32 $0xFFFFF800  }
0x1c: {  	[tilespmem:s28], [sflag:$0x2] =	stream.linear.gather [hbm4b:s8+s3], $0x800, $0x38;
	[tilespmem:$0x1CC00] =	vst v63  }
0x1d: {  	_ =	swait.ge [sflag:s20], $0x800  }
0x1e: {  	[sflag:s20] =	ssyncset.done $0x0  }
0x1f: {  	[sflag:s20] =	ssyncadd.s32 $0xFFFFF800  }
0x20: {  	[tilespmem:s21], [sflag:$0x1] =	stream.indirect.gather [hbm4b:s4+s25], $0x80, s3, s25, $0xb8;
	[tilespmem:$0x1CC00] =	vst v63  }
0x21: {  	s29 =	sand.u32 $0x1, s3;
	_ =	swait.ge [sflag:s22], $0x4000  }
0x22: {  	p0 =	seq.s32 s29, $0x1;
	[sflag:s22] =	ssyncset.done $0x0  }
0x23: {  	s29 =	simm.s32 @p0 $0x80;
	s30 =	simm.s32 @p0 $0x1000;
	[sflag:s22] =	ssyncadd.s32 $0xFFFFC000  }
0x24: {  	[tilespmem:s30], [sflag:$0x1] =	stream.indirect.gather @p0 [hbm4b:s4+s29], $0x80, s25, s29, $0xb8;
	[tilespmem:$0x1CC00] =	vst v63  }
0x25: {  	s30 =	simm.s32 @p0 $0x5000  }
0x26: {  	[spmem:s2] =	stream.indirect.scatter.add.f32 @p0 [tilespmem:s30], [sflag:$0x2], $0x80, s28, s29, $0xb8;
	[tilespmem:$0x1CC00] =	vst v63  }
0x27: {  	s31 =	simm.s32 @!p0 $0x3;
	s29 =	simm.s32 @!p0 $0x80;
	s30 =	simm.s32 @!p0 $0x5000  }
0x28: {  	[tilespmem:s30], [sflag:$0x1] =	stream.indirect.gather @!p0 [hbm4b:s4+s29], $0x80, s25, s29, $0xb8;
	[tilespmem:$0x1CC00] =	vst v63  }
0x29: {  	s31 =	simm.s32 @p0 $0x2;
	s30 =	simm.s32 @!p0 $0x1000  }
0x2a: {  	[spmem:s2] =	stream.indirect.scatter.add.f32 @!p0 [tilespmem:s30], [sflag:$0x3], $0x80, s28, s29, $0xb8;
	[tilespmem:$0x1CC00] =	vst v63  }
0x2b: {  	_ =	swait.ge [sflag:s31], $0x4000  }
0x2c: {  	s29 =	simm.s32 $0x1;
	s30 =	simm.s32 $0x100;
	[sflag:s31] =	ssyncset.done $0x0  }
.LBB2_2:
0x2d: {  	[sflag:s31] =	ssyncadd.s32 $0xFFFFC000  }
0x2e: {  	s28 =	sadd.s32 $0x80, s28;
	s31 =	smov.u32 s29;
	s29 =	sadd.s32 $0x1, s29  }
0x2f: {  	p0 =	sne.s32 s29, $0xF  }
0x30: {  	s31 =	sand.u32 $0x1, s31;
	_ =	swait.ge [sflag:s22], $0x4000  }
0x31: {  	p1 =	seq.s32 s31, $0x1;
	[sflag:s22] =	ssyncset.done $0x0  }
0x32: {  	s0 =	simm.s32 @p1 $0x80;
	s31 =	simm.s32 @p1 $0x1000;
	[sflag:s22] =	ssyncadd.s32 $0xFFFFC000  }
0x33: {  	[tilespmem:s31], [sflag:$0x1] =	stream.indirect.gather @p1 [hbm4b:s4+s0], $0x80, s30, s0, $0xb8;
	[tilespmem:$0x1CC00] =	vst v63  }
0x34: {  	s1 =	simm.s32 @p1 $0x5000;
	s31 =	simm.s32 @!p1 $0x3  }
0x35: {  	[spmem:s2] =	stream.indirect.scatter.add.f32 @p1 [tilespmem:s1], [sflag:$0x2], $0x80, s28, s0, $0xb8;
	[tilespmem:$0x1CC00] =	vst v63  }
0x36: {  	s0 =	simm.s32 @!p1 $0x80;
	s1 =	simm.s32 @!p1 $0x5000  }
0x37: {  	[tilespmem:s1], [sflag:$0x1] =	stream.indirect.gather @!p1 [hbm4b:s4+s0], $0x80, s30, s0, $0xb8;
	[tilespmem:$0x1CC00] =	vst v63  }
.Ltmp0:
0x38: {  	_ = 	snop;
	(pc) =	sbr.rel @p0 .LBB2_2-.Ltmp0, $4  }
0x39: {  	s31 =	simm.s32 @p1 $0x2;
	s1 =	simm.s32 @!p1 $0x1000  }
0x3a: {  	[spmem:s2] =	stream.indirect.scatter.add.f32 @!p1 [tilespmem:s1], [sflag:$0x3], $0x80, s28, s0, $0xb8;
	[tilespmem:$0x1CC00] =	vst v63  }
0x3b: {  	_ =	swait.ge [sflag:s31], $0x4000  }
0x3c: {  	s30 =	sadd.s32 $0x80, s30;
	[sflag:s31] =	ssyncset.done $0x0  }
0x3d: {  	[sflag:s31] =	ssyncadd.s32 $0xFFFFC000  }
0x3e: {  	_ =	swait.ge [sflag:s22], $0x4000  }
0x3f: {  	[sflag:s22] =	ssyncset.done $0x0  }
0x40: {  	s0 =	simm.s32 $0x80;
	[sflag:s22] =	ssyncadd.s32 $0xFFFFC000  }
0x41: {  	[spmem:s2] =	stream.indirect.scatter.add.f32 [tilespmem:s24], [sflag:$0x2], $0x80, s23, s0, $0xb8;
	[tilespmem:$0x1CC00] =	vst v63  }
0x42: {  	_ =	swait.ge [sflag:s20], $0x4000  }
0x43: {  	[sflag:s20] =	ssyncset.done $0x0  }
0x44: {  	s1 =	simm.s32 $0x0;
	[sflag:s20] =	ssyncadd.s32 $0xFFFFC000  }
0x45: {  	[tilespmem:s1], [sflag:$0x2] =	stream.linear.gather [hbm4b:s9+s1], $0x800, $0x38;
	[tilespmem:$0x1CC00] =	vst v63  }
0x46: {  	_ =	swait.ge [sflag:s20], $0x800  }
0x47: {  	[sflag:s20] =	ssyncset.done $0x0  }
0x48: {  	s28 =	simm.s32 $0x800;
	[sflag:s20] =	ssyncadd.s32 $0xFFFFF800  }
0x49: {  	[tilespmem:s28], [sflag:$0x2] =	stream.linear.gather [hbm4b:s10+s1], $0x800, $0x38;
	[tilespmem:$0x1CC00] =	vst v63  }
0x4a: {  	_ =	swait.ge [sflag:s20], $0x800  }
0x4b: {  	[sflag:s20] =	ssyncset.done $0x0  }
0x4c: {  	[sflag:s20] =	ssyncadd.s32 $0xFFFFF800  }
0x4d: {  	[tilespmem:s21], [sflag:$0x1] =	stream.indirect.gather [hbm4b:s4+s0], $0x80, s1, s0, $0xb8;
	[tilespmem:$0x1CC00] =	vst v63  }
0x4e: {  	s1 =	sand.u32 $0x1, s1;
	_ =	swait.ge [sflag:s22], $0x4000  }
0x4f: {  	p0 =	seq.s32 s1, $0x1;
	[sflag:s22] =	ssyncset.done $0x0  }
0x50: {  	s1 =	simm.s32 @p0 $0x80;
	s29 =	simm.s32 @p0 $0x1000;
	[sflag:s22] =	ssyncadd.s32 $0xFFFFC000  }
0x51: {  	[tilespmem:s29], [sflag:$0x1] =	stream.indirect.gather @p0 [hbm4b:s4+s1], $0x80, s0, s1, $0xb8;
	[tilespmem:$0x1CC00] =	vst v63  }
0x52: {  	s29 =	simm.s32 @p0 $0x5000  }
0x53: {  	[spmem:s2] =	stream.indirect.scatter.add.f32 @p0 [tilespmem:s29], [sflag:$0x2], $0x80, s28, s1, $0xb8;
	[tilespmem:$0x1CC00] =	vst v63  }
0x54: {  	s31 =	simm.s32 @!p0 $0x3;
	s1 =	simm.s32 @!p0 $0x80;
	s29 =	simm.s32 @!p0 $0x5000  }
0x55: {  	[tilespmem:s29], [sflag:$0x1] =	stream.indirect.gather @!p0 [hbm4b:s4+s1], $0x80, s0, s1, $0xb8;
	[tilespmem:$0x1CC00] =	vst v63  }
0x56: {  	s31 =	simm.s32 @p0 $0x2;
	s0 =	simm.s32 @!p0 $0x1000  }
0x57: {  	[spmem:s2] =	stream.indirect.scatter.add.f32 @!p0 [tilespmem:s0], [sflag:$0x3], $0x80, s28, s1, $0xb8;
	[tilespmem:$0x1CC00] =	vst v63  }
0x58: {  	_ =	swait.ge [sflag:s31], $0x4000  }
0x59: {  	s30 =	simm.s32 $0x100;
	s29 =	simm.s32 $0x1;
	[sflag:s31] =	ssyncset.done $0x0  }
.LBB2_4:
0x5a: {  	[sflag:s31] =	ssyncadd.s32 $0xFFFFC000  }
0x5b: {  	s28 =	sadd.s32 $0x80, s28;
	s0 =	smov.u32 s29;
	s29 =	sadd.s32 $0x1, s29  }
0x5c: {  	p0 =	sne.s32 s29, $0xF  }
0x5d: {  	s0 =	sand.u32 $0x1, s0;
	_ =	swait.ge [sflag:s22], $0x4000  }
0x5e: {  	p1 =	seq.s32 s0, $0x1;
	[sflag:s22] =	ssyncset.done $0x0  }
0x5f: {  	s0 =	simm.s32 @p1 $0x80;
	s1 =	simm.s32 @p1 $0x1000;
	[sflag:s22] =	ssyncadd.s32 $0xFFFFC000  }
0x60: {  	[tilespmem:s1], [sflag:$0x1] =	stream.indirect.gather @p1 [hbm4b:s4+s0], $0x80, s30, s0, $0xb8;
	[tilespmem:$0x1CC00] =	vst v63  }
0x61: {  	s31 =	simm.s32 @!p1 $0x3;
	s1 =	simm.s32 @p1 $0x5000  }
0x62: {  	[spmem:s2] =	stream.indirect.scatter.add.f32 @p1 [tilespmem:s1], [sflag:$0x2], $0x80, s28, s0, $0xb8;
	[tilespmem:$0x1CC00] =	vst v63  }
0x63: {  	s0 =	simm.s32 @!p1 $0x80;
	s1 =	simm.s32 @!p1 $0x5000  }
0x64: {  	[tilespmem:s1], [sflag:$0x1] =	stream.indirect.gather @!p1 [hbm4b:s4+s0], $0x80, s30, s0, $0xb8;
	[tilespmem:$0x1CC00] =	vst v63  }
.Ltmp1:
0x65: {  	_ = 	snop;
	(pc) =	sbr.rel @p0 .LBB2_4-.Ltmp1, $4  }
0x66: {  	s31 =	simm.s32 @p1 $0x2;
	s1 =	simm.s32 @!p1 $0x1000  }
0x67: {  	[spmem:s2] =	stream.indirect.scatter.add.f32 @!p1 [tilespmem:s1], [sflag:$0x3], $0x80, s28, s0, $0xb8;
	[tilespmem:$0x1CC00] =	vst v63  }
0x68: {  	_ =	swait.ge [sflag:s31], $0x4000  }
0x69: {  	s30 =	sadd.s32 $0x80, s30;
	[sflag:s31] =	ssyncset.done $0x0  }
0x6a: {  	[sflag:s31] =	ssyncadd.s32 $0xFFFFC000  }
0x6b: {  	_ =	swait.ge [sflag:s22], $0x4000  }
0x6c: {  	[sflag:s22] =	ssyncset.done $0x0  }
0x6d: {  	s0 =	simm.s32 $0x80;
	[sflag:s22] =	ssyncadd.s32 $0xFFFFC000  }
0x6e: {  	[spmem:s2] =	stream.indirect.scatter.add.f32 [tilespmem:s24], [sflag:$0x2], $0x80, s23, s0, $0xb8;
	[tilespmem:$0x1CC00] =	vst v63  }
0x6f: {  	_ =	swait.ge [sflag:s20], $0x4000  }
0x70: {  	[sflag:s20] =	ssyncset.done $0x0  }
0x71: {  	s1 =	simm.s32 $0x0;
	[sflag:s20] =	ssyncadd.s32 $0xFFFFC000  }
0x72: {  	[tilespmem:s1], [sflag:$0x2] =	stream.linear.gather [hbm4b:s11+s1], $0x800, $0x38;
	[tilespmem:$0x1CC00] =	vst v63  }
0x73: {  	_ =	swait.ge [sflag:s20], $0x800  }
0x74: {  	[sflag:s20] =	ssyncset.done $0x0  }
0x75: {  	s28 =	simm.s32 $0x800;
	[sflag:s20] =	ssyncadd.s32 $0xFFFFF800  }
0x76: {  	[tilespmem:s28], [sflag:$0x2] =	stream.linear.gather [hbm4b:s12+s1], $0x800, $0x38;
	[tilespmem:$0x1CC00] =	vst v63  }
0x77: {  	_ =	swait.ge [sflag:s20], $0x800  }
0x78: {  	[sflag:s20] =	ssyncset.done $0x0  }
0x79: {  	[sflag:s20] =	ssyncadd.s32 $0xFFFFF800  }
0x7a: {  	[tilespmem:s21], [sflag:$0x1] =	stream.indirect.gather [hbm4b:s4+s0], $0x80, s1, s0, $0xb8;
	[tilespmem:$0x1CC00] =	vst v63  }
0x7b: {  	s1 =	sand.u32 $0x1, s1;
	_ =	swait.ge [sflag:s22], $0x4000  }
0x7c: {  	p0 =	seq.s32 s1, $0x1;
	[sflag:s22] =	ssyncset.done $0x0  }
0x7d: {  	s1 =	simm.s32 @p0 $0x80;
	s29 =	simm.s32 @p0 $0x1000;
	[sflag:s22] =	ssyncadd.s32 $0xFFFFC000  }
0x7e: {  	[tilespmem:s29], [sflag:$0x1] =	stream.indirect.gather @p0 [hbm4b:s4+s1], $0x80, s0, s1, $0xb8;
	[tilespmem:$0x1CC00] =	vst v63  }
0x7f: {  	s29 =	simm.s32 @p0 $0x5000  }
0x80: {  	[spmem:s2] =	stream.indirect.scatter.add.f32 @p0 [tilespmem:s29], [sflag:$0x2], $0x80, s28, s1, $0xb8;
	[tilespmem:$0x1CC00] =	vst v63  }
0x81: {  	s31 =	simm.s32 @!p0 $0x3;
	s1 =	simm.s32 @!p0 $0x80;
	s29 =	simm.s32 @!p0 $0x5000  }
0x82: {  	[tilespmem:s29], [sflag:$0x1] =	stream.indirect.gather @!p0 [hbm4b:s4+s1], $0x80, s0, s1, $0xb8;
	[tilespmem:$0x1CC00] =	vst v63  }
0x83: {  	s31 =	simm.s32 @p0 $0x2;
	s0 =	simm.s32 @!p0 $0x1000  }
0x84: {  	[spmem:s2] =	stream.indirect.scatter.add.f32 @!p0 [tilespmem:s0], [sflag:$0x3], $0x80, s28, s1, $0xb8;
	[tilespmem:$0x1CC00] =	vst v63  }
0x85: {  	_ =	swait.ge [sflag:s31], $0x4000  }
0x86: {  	s30 =	simm.s32 $0x100;
	s29 =	simm.s32 $0x1;
	[sflag:s31] =	ssyncset.done $0x0  }
.LBB2_6:
0x87: {  	[sflag:s31] =	ssyncadd.s32 $0xFFFFC000  }
0x88: {  	s28 =	sadd.s32 $0x80, s28;
	s0 =	smov.u32 s29;
	s29 =	sadd.s32 $0x1, s29  }
0x89: {  	p0 =	sne.s32 s29, $0xF  }
0x8a: {  	s0 =	sand.u32 $0x1, s0;
	_ =	swait.ge [sflag:s22], $0x4000  }
0x8b: {  	p1 =	seq.s32 s0, $0x1;
	[sflag:s22] =	ssyncset.done $0x0  }
0x8c: {  	s0 =	simm.s32 @p1 $0x80;
	s1 =	simm.s32 @p1 $0x1000;
	[sflag:s22] =	ssyncadd.s32 $0xFFFFC000  }
0x8d: {  	[tilespmem:s1], [sflag:$0x1] =	stream.indirect.gather @p1 [hbm4b:s4+s0], $0x80, s30, s0, $0xb8;
	[tilespmem:$0x1CC00] =	vst v63  }
0x8e: {  	s31 =	simm.s32 @!p1 $0x3;
	s1 =	simm.s32 @p1 $0x5000  }
0x8f: {  	[spmem:s2] =	stream.indirect.scatter.add.f32 @p1 [tilespmem:s1], [sflag:$0x2], $0x80, s28, s0, $0xb8;
	[tilespmem:$0x1CC00] =	vst v63  }
0x90: {  	s0 =	simm.s32 @!p1 $0x80;
	s1 =	simm.s32 @!p1 $0x5000  }
0x91: {  	[tilespmem:s1], [sflag:$0x1] =	stream.indirect.gather @!p1 [hbm4b:s4+s0], $0x80, s30, s0, $0xb8;
	[tilespmem:$0x1CC00] =	vst v63  }
.Ltmp2:
0x92: {  	_ = 	snop;
	(pc) =	sbr.rel @p0 .LBB2_6-.Ltmp2, $4  }
0x93: {  	s31 =	simm.s32 @p1 $0x2;
	s1 =	simm.s32 @!p1 $0x1000  }
0x94: {  	[spmem:s2] =	stream.indirect.scatter.add.f32 @!p1 [tilespmem:s1], [sflag:$0x3], $0x80, s28, s0, $0xb8;
	[tilespmem:$0x1CC00] =	vst v63  }
0x95: {  	_ =	swait.ge [sflag:s31], $0x4000  }
0x96: {  	s30 =	sadd.s32 $0x80, s30;
	[sflag:s31] =	ssyncset.done $0x0  }
0x97: {  	[sflag:s31] =	ssyncadd.s32 $0xFFFFC000  }
0x98: {  	_ =	swait.ge [sflag:s22], $0x4000  }
0x99: {  	[sflag:s22] =	ssyncset.done $0x0  }
0x9a: {  	s0 =	simm.s32 $0x80;
	[sflag:s22] =	ssyncadd.s32 $0xFFFFC000  }
0x9b: {  	[spmem:s2] =	stream.indirect.scatter.add.f32 [tilespmem:s24], [sflag:$0x2], $0x80, s23, s0, $0xb8;
	[tilespmem:$0x1CC00] =	vst v63  }
0x9c: {  	_ =	swait.ge [sflag:s20], $0x4000  }
0x9d: {  	[sflag:s20] =	ssyncset.done $0x0  }
0x9e: {  	s1 =	simm.s32 $0x0;
	[sflag:s20] =	ssyncadd.s32 $0xFFFFC000  }
0x9f: {  	[tilespmem:s1], [sflag:$0x2] =	stream.linear.gather [hbm4b:s13+s1], $0x800, $0x38;
	[tilespmem:$0x1CC00] =	vst v63  }
0xa0: {  	_ =	swait.ge [sflag:s20], $0x800  }
0xa1: {  	[sflag:s20] =	ssyncset.done $0x0  }
0xa2: {  	s28 =	simm.s32 $0x800;
	[sflag:s20] =	ssyncadd.s32 $0xFFFFF800  }
0xa3: {  	[tilespmem:s28], [sflag:$0x2] =	stream.linear.gather [hbm4b:s14+s1], $0x800, $0x38;
	[tilespmem:$0x1CC00] =	vst v63  }
0xa4: {  	_ =	swait.ge [sflag:s20], $0x800  }
0xa5: {  	[sflag:s20] =	ssyncset.done $0x0  }
0xa6: {  	[sflag:s20] =	ssyncadd.s32 $0xFFFFF800  }
0xa7: {  	[tilespmem:s21], [sflag:$0x1] =	stream.indirect.gather [hbm4b:s4+s0], $0x80, s1, s0, $0xb8;
	[tilespmem:$0x1CC00] =	vst v63  }
0xa8: {  	s1 =	sand.u32 $0x1, s1;
	_ =	swait.ge [sflag:s22], $0x4000  }
0xa9: {  	p0 =	seq.s32 s1, $0x1;
	[sflag:s22] =	ssyncset.done $0x0  }
0xaa: {  	s1 =	simm.s32 @p0 $0x80;
	s29 =	simm.s32 @p0 $0x1000;
	[sflag:s22] =	ssyncadd.s32 $0xFFFFC000  }
0xab: {  	[tilespmem:s29], [sflag:$0x1] =	stream.indirect.gather @p0 [hbm4b:s4+s1], $0x80, s0, s1, $0xb8;
	[tilespmem:$0x1CC00] =	vst v63  }
0xac: {  	s29 =	simm.s32 @p0 $0x5000  }
0xad: {  	[spmem:s2] =	stream.indirect.scatter.add.f32 @p0 [tilespmem:s29], [sflag:$0x2], $0x80, s28, s1, $0xb8;
	[tilespmem:$0x1CC00] =	vst v63  }
0xae: {  	s31 =	simm.s32 @!p0 $0x3;
	s1 =	simm.s32 @!p0 $0x80;
	s29 =	simm.s32 @!p0 $0x5000  }
0xaf: {  	[tilespmem:s29], [sflag:$0x1] =	stream.indirect.gather @!p0 [hbm4b:s4+s1], $0x80, s0, s1, $0xb8;
	[tilespmem:$0x1CC00] =	vst v63  }
0xb0: {  	s31 =	simm.s32 @p0 $0x2;
	s0 =	simm.s32 @!p0 $0x1000  }
0xb1: {  	[spmem:s2] =	stream.indirect.scatter.add.f32 @!p0 [tilespmem:s0], [sflag:$0x3], $0x80, s28, s1, $0xb8;
	[tilespmem:$0x1CC00] =	vst v63  }
0xb2: {  	_ =	swait.ge [sflag:s31], $0x4000  }
0xb3: {  	s30 =	simm.s32 $0x100;
	s29 =	simm.s32 $0x1;
	[sflag:s31] =	ssyncset.done $0x0  }
.LBB2_8:
0xb4: {  	[sflag:s31] =	ssyncadd.s32 $0xFFFFC000  }
0xb5: {  	s28 =	sadd.s32 $0x80, s28;
	s0 =	smov.u32 s29;
	s29 =	sadd.s32 $0x1, s29  }
0xb6: {  	p0 =	sne.s32 s29, $0xF  }
0xb7: {  	s0 =	sand.u32 $0x1, s0;
	_ =	swait.ge [sflag:s22], $0x4000  }
0xb8: {  	p1 =	seq.s32 s0, $0x1;
	[sflag:s22] =	ssyncset.done $0x0  }
0xb9: {  	s0 =	simm.s32 @p1 $0x80;
	s1 =	simm.s32 @p1 $0x1000;
	[sflag:s22] =	ssyncadd.s32 $0xFFFFC000  }
0xba: {  	[tilespmem:s1], [sflag:$0x1] =	stream.indirect.gather @p1 [hbm4b:s4+s0], $0x80, s30, s0, $0xb8;
	[tilespmem:$0x1CC00] =	vst v63  }
0xbb: {  	s31 =	simm.s32 @!p1 $0x3;
	s1 =	simm.s32 @p1 $0x5000  }
0xbc: {  	[spmem:s2] =	stream.indirect.scatter.add.f32 @p1 [tilespmem:s1], [sflag:$0x2], $0x80, s28, s0, $0xb8;
	[tilespmem:$0x1CC00] =	vst v63  }
0xbd: {  	s0 =	simm.s32 @!p1 $0x80;
	s1 =	simm.s32 @!p1 $0x5000  }
0xbe: {  	[tilespmem:s1], [sflag:$0x1] =	stream.indirect.gather @!p1 [hbm4b:s4+s0], $0x80, s30, s0, $0xb8;
	[tilespmem:$0x1CC00] =	vst v63  }
.Ltmp3:
0xbf: {  	_ = 	snop;
	(pc) =	sbr.rel @p0 .LBB2_8-.Ltmp3, $4  }
0xc0: {  	s31 =	simm.s32 @p1 $0x2;
	s1 =	simm.s32 @!p1 $0x1000  }
0xc1: {  	[spmem:s2] =	stream.indirect.scatter.add.f32 @!p1 [tilespmem:s1], [sflag:$0x3], $0x80, s28, s0, $0xb8;
	[tilespmem:$0x1CC00] =	vst v63  }
0xc2: {  	_ =	swait.ge [sflag:s31], $0x4000  }
0xc3: {  	s30 =	sadd.s32 $0x80, s30;
	[sflag:s31] =	ssyncset.done $0x0  }
0xc4: {  	[sflag:s31] =	ssyncadd.s32 $0xFFFFC000  }
0xc5: {  	_ =	swait.ge [sflag:s22], $0x4000  }
0xc6: {  	[sflag:s22] =	ssyncset.done $0x0  }
0xc7: {  	s0 =	simm.s32 $0x80;
	[sflag:s22] =	ssyncadd.s32 $0xFFFFC000  }
0xc8: {  	[spmem:s2] =	stream.indirect.scatter.add.f32 [tilespmem:s24], [sflag:$0x2], $0x80, s23, s0, $0xb8;
	[tilespmem:$0x1CC00] =	vst v63  }
0xc9: {  	_ =	swait.ge [sflag:s20], $0x4000  }
0xca: {  	[sflag:s20] =	ssyncset.done $0x0  }
0xcb: {  	s1 =	simm.s32 $0x0;
	[sflag:s20] =	ssyncadd.s32 $0xFFFFC000  }
0xcc: {  	[tilespmem:s1], [sflag:$0x2] =	stream.linear.gather [hbm4b:s15+s1], $0x800, $0x38;
	[tilespmem:$0x1CC00] =	vst v63  }
0xcd: {  	_ =	swait.ge [sflag:s20], $0x800  }
0xce: {  	[sflag:s20] =	ssyncset.done $0x0  }
0xcf: {  	s28 =	simm.s32 $0x800;
	[sflag:s20] =	ssyncadd.s32 $0xFFFFF800  }
0xd0: {  	[tilespmem:s28], [sflag:$0x2] =	stream.linear.gather [hbm4b:s16+s1], $0x800, $0x38;
	[tilespmem:$0x1CC00] =	vst v63  }
0xd1: {  	_ =	swait.ge [sflag:s20], $0x800  }
0xd2: {  	[sflag:s20] =	ssyncset.done $0x0  }
0xd3: {  	[sflag:s20] =	ssyncadd.s32 $0xFFFFF800  }
0xd4: {  	[tilespmem:s21], [sflag:$0x1] =	stream.indirect.gather [hbm4b:s4+s0], $0x80, s1, s0, $0xb8;
	[tilespmem:$0x1CC00] =	vst v63  }
0xd5: {  	s1 =	sand.u32 $0x1, s1;
	_ =	swait.ge [sflag:s22], $0x4000  }
0xd6: {  	p0 =	seq.s32 s1, $0x1;
	[sflag:s22] =	ssyncset.done $0x0  }
0xd7: {  	s1 =	simm.s32 @p0 $0x80;
	s29 =	simm.s32 @p0 $0x1000;
	[sflag:s22] =	ssyncadd.s32 $0xFFFFC000  }
0xd8: {  	[tilespmem:s29], [sflag:$0x1] =	stream.indirect.gather @p0 [hbm4b:s4+s1], $0x80, s0, s1, $0xb8;
	[tilespmem:$0x1CC00] =	vst v63  }
0xd9: {  	s29 =	simm.s32 @p0 $0x5000  }
0xda: {  	[spmem:s2] =	stream.indirect.scatter.add.f32 @p0 [tilespmem:s29], [sflag:$0x2], $0x80, s28, s1, $0xb8;
	[tilespmem:$0x1CC00] =	vst v63  }
0xdb: {  	s31 =	simm.s32 @!p0 $0x3;
	s1 =	simm.s32 @!p0 $0x80;
	s29 =	simm.s32 @!p0 $0x5000  }
0xdc: {  	[tilespmem:s29], [sflag:$0x1] =	stream.indirect.gather @!p0 [hbm4b:s4+s1], $0x80, s0, s1, $0xb8;
	[tilespmem:$0x1CC00] =	vst v63  }
0xdd: {  	s31 =	simm.s32 @p0 $0x2;
	s0 =	simm.s32 @!p0 $0x1000  }
0xde: {  	[spmem:s2] =	stream.indirect.scatter.add.f32 @!p0 [tilespmem:s0], [sflag:$0x3], $0x80, s28, s1, $0xb8;
	[tilespmem:$0x1CC00] =	vst v63  }
0xdf: {  	_ =	swait.ge [sflag:s31], $0x4000  }
0xe0: {  	s30 =	simm.s32 $0x100;
	s29 =	simm.s32 $0x1;
	[sflag:s31] =	ssyncset.done $0x0  }
.LBB2_10:
0xe1: {  	[sflag:s31] =	ssyncadd.s32 $0xFFFFC000  }
0xe2: {  	s28 =	sadd.s32 $0x80, s28;
	s0 =	smov.u32 s29;
	s29 =	sadd.s32 $0x1, s29  }
0xe3: {  	p0 =	sne.s32 s29, $0xF  }
0xe4: {  	s0 =	sand.u32 $0x1, s0;
	_ =	swait.ge [sflag:s22], $0x4000  }
0xe5: {  	p1 =	seq.s32 s0, $0x1;
	[sflag:s22] =	ssyncset.done $0x0  }
0xe6: {  	s0 =	simm.s32 @p1 $0x80;
	s1 =	simm.s32 @p1 $0x1000;
	[sflag:s22] =	ssyncadd.s32 $0xFFFFC000  }
0xe7: {  	[tilespmem:s1], [sflag:$0x1] =	stream.indirect.gather @p1 [hbm4b:s4+s0], $0x80, s30, s0, $0xb8;
	[tilespmem:$0x1CC00] =	vst v63  }
0xe8: {  	s31 =	simm.s32 @!p1 $0x3;
	s1 =	simm.s32 @p1 $0x5000  }
0xe9: {  	[spmem:s2] =	stream.indirect.scatter.add.f32 @p1 [tilespmem:s1], [sflag:$0x2], $0x80, s28, s0, $0xb8;
	[tilespmem:$0x1CC00] =	vst v63  }
0xea: {  	s0 =	simm.s32 @!p1 $0x80;
	s1 =	simm.s32 @!p1 $0x5000  }
0xeb: {  	[tilespmem:s1], [sflag:$0x1] =	stream.indirect.gather @!p1 [hbm4b:s4+s0], $0x80, s30, s0, $0xb8;
	[tilespmem:$0x1CC00] =	vst v63  }
.Ltmp4:
0xec: {  	_ = 	snop;
	(pc) =	sbr.rel @p0 .LBB2_10-.Ltmp4, $4  }
0xed: {  	s31 =	simm.s32 @p1 $0x2;
	s1 =	simm.s32 @!p1 $0x1000  }
0xee: {  	[spmem:s2] =	stream.indirect.scatter.add.f32 @!p1 [tilespmem:s1], [sflag:$0x3], $0x80, s28, s0, $0xb8;
	[tilespmem:$0x1CC00] =	vst v63  }
0xef: {  	_ =	swait.ge [sflag:s31], $0x4000  }
0xf0: {  	s30 =	sadd.s32 $0x80, s30;
	[sflag:s31] =	ssyncset.done $0x0  }
0xf1: {  	[sflag:s31] =	ssyncadd.s32 $0xFFFFC000  }
0xf2: {  	_ =	swait.ge [sflag:s22], $0x4000  }
0xf3: {  	[sflag:s22] =	ssyncset.done $0x0  }
0xf4: {  	[sflag:s22] =	ssyncadd.s32 $0xFFFFC000  }
0xf5: {  	[spmem:s2] =	stream.indirect.scatter.add.f32 [tilespmem:s24], [sflag:$0x2], $0x80, s23, s25, $0xb8;
	[tilespmem:$0x1CC00] =	vst v63  }
0xf6: {  	_ =	swait.ge [sflag:s20], $0x4000  }
0xf7: {  	s26 =	sadd.s32 $0x1, s26;
	[sflag:s20] =	ssyncset.done $0x0  }
0xf8: {  	p0 =	sne.s32 s26, s18;
	[sflag:s20] =	ssyncadd.s32 $0xFFFFC000  }
.Ltmp5:
0xf9: {  	[bflag:$0x0] =	sbarrier.arrive $0xFFFF;
	(pc) =	sbr.rel @p0 .LBB2_1-.Ltmp5, $4  }
0xfa: {  	[hbm:s17], [sflag:s6] =	dma.local [spmem:s19], $0x2780  }
0xfb: {  	_ =	swait.ge [sflag:s20], $0x2780  }
0xfc: {  	[sflag:s20] =	ssyncset.done $0x0  }
0xfd: {  	[sflag:s20] =	ssyncadd.s32 $0xFFFFD880  }
0xfe: {  	_ =	sfence.sel $0x180000  }
0xff: {  	[bflag:$0x0] =	sbarrier.arrive $0xFFFF  }
0x100: {  	_ =	strace $0x9000004D  }
0x101: {  	s0 =	stileid.u32;
	[bflag:$0x2] =	sbarrier.arrive $0xFFFF  }
0x102: {  	p0 =	sne.s32 s0, $0x0;
	s0 =	rddreg [dreg:$0x2]  }
0x103: {  	s0 =	sadd.s32 @!p0 $0x100000, s0  }
0x104: {  	[sflag:s0] =	ssyncadd.tile.s32 @!p0 $0x1;
	_ =	shalt  }
.Lfunc_end2:
_tile_overlayer_lowered:
.L_overlay_start_2:
0x105: {  	(tag) =	ssettag $0x2  }
0x106: {  	s0 =	rddreg [dreg:$0x0];
	s2 =	stileid.u32  }
0x107: {  	s1 =	rddreg [dreg:$0x1];
	p0 =	sne.s32 s2, $0x0  }
0x108: {  	s3 =	rddreg [dreg:$0x2];
	[bflag:$0x3] =	sbarrier.arrive $0xFFFF;
	s2 =	simm.s32 @!p0 $0x1C02  }
0x109: {  	[timem:s3], [sflag:s2] =	dma.local @!p0 [hbm:s0], s1  }
0x10a: {  	s0 =	simm.s32 @!p0 $0x2  }
0x10b: {  	_ =	swait.ge @!p0 [sflag:s0], s1  }
0x10c: {  	s1 =	ssub.s32 @!p0 $0x0, s1;
	[sflag:s0] =	ssyncset.done @!p0 $0x0  }
0x10d: {  	[sflag:s0] =	ssyncadd.s32 @!p0 s1  }
0x10e: {  	[bflag:$0x3] =	sbarrier.arrive $0xFFFF  }
0x10f: {  	_ =	shalt  }

// kernel: kernel.8.cloned.1.call-start
scs
__scs_entry_jumppad:
0x0: {  	(pc) =	sbr.rel $0x88, $3  }
0x1: {  	(tag) =	ssettag $0x0;
	lr =	simm.s32 $0x1  }
0x2: {  	[smem:$0x3F98] =	sst lr;
	_ =	strace $0xD0000000  }
0x3: {  	_ = 	snop  }
0x4: {  	_ = 	snop  }
0x5: {  	_ = 	snop  }
0x6: {  	_ = 	snop  }
0x7: {  	_ = 	snop  }
__scs_overlays_trampoline_lowered:
0x8: {  	[smem:$0x3FA7] =	sst s0  }
0x9: {  	[smem:$0x3FA8] =	sst s1  }
0xa: {  	[smem:$0x3FA9] =	sst s2  }
0xb: {  	[smem:$0x3FAA] =	sst s3  }
0xc: {  	[smem:$0x3FAB] =	sst s4  }
0xd: {  	[smem:$0x3FAC] =	sst s5  }
0xe: {  	[smem:$0x3FAD] =	sst s6  }
0xf: {  	[smem:$0x3FAE] =	sst s7  }
0x10: {  	[smem:$0x3FAF] =	sst s8  }
0x11: {  	[smem:$0x3FB0] =	sst s9;
	s0 =	simm.s32 @!p0 $0x0  }
0x12: {  	s1 =	sld [smem:$0x3F96];
	s0 =	simm.s32 @p0 $0x1  }
0x13: {  	[smem:$0x3FB1] =	sst s0;
	s0 =	simm.s32 @!p1 $0x0  }
0x14: {  	s2 =	sld [smem:$0x3F95];
	s0 =	simm.s32 @p1 $0x1  }
0x15: {  	[smem:$0x3FB2] =	sst s0;
	s0 =	simm.s32 @!p2 $0x0  }
0x16: {  	s3 =	sld [smem:$0x3FDB];
	s0 =	simm.s32 @p2 $0x1  }
0x17: {  	s4 =	simm.s32 $0x1BF5;
	[smem:$0x3FB4] =	sst s0  }
0x18: {  	s0 =	sld [smem:$0x3F97];
	_ =	swait.ge [sflag:s4], $0x0  }
0x19: {  	s7 =	sld [smem:$0x3F98]  }
0x1a: {  	s8 =	sadd.s32 $0xFFFFE003, lr  }
0x1b: {  	s9 =	sadd.s32 $0xFFFFFEF7, lr;
	s5 =	simm.s32 $0xFFFFFFFF;
	p2 =	slt.u32 s8, $0xFFFFF086  }
0x1c: {  	p1 =	slt.u32 s9, $0xF7A;
	s5 =	simm.s32 @!p2 $0x0  }
0x1d: {  	s5 =	simm.s32 @p1 $0x1;
	p0 =	seq.s32 s7, s2  }
0x1e: {  	s7 =	smul.u32 @!p0 $0xF7A, s2;
	p2 =	seq.s32 @!p0 s5, $0x0  }
0x1f: {  	s9 =	smul.u32 $0xF7A, s1;
	s8 =	simm.s32 @!p0 $0x1BF5;
	p2 =	por !p2, p0  }
0x20: {  	[sflag:s8] =	ssyncset.s32 @!p0 $0xFFFFF086;
	s6 =	sadd.s32 @!p0 s3, s7;
	s7 =	simm.s32 @!p0 $0x108  }
0x21: {  	s3 =	sadd.s32 s3, s9;
	s6 =	sadd.s32 @!p0 $0x88, s6;
	s7 =	simm.s32 @p2 $0x1082  }
0x22: {  	[simem:s7], [sflag:s8] =	dma.local @!p0 [hbm:s6], $0xF7A  }
0x23: {  	s9 =	sor.u32 $0xD0000000, s2;
	s6 =	simm.s32 $0x108;
	_ =	swait.ge @!p0 [sflag:s8], $0x0  }
0x24: {  	s3 =	sadd.s32 $0x88, s3;
	s6 =	simm.s32 @!p1 $0x1082;
	[sflag:s4] =	ssyncset.s32 $0xFFFFF086  }
0x25: {  	[simem:s6], [sflag:s4] =	dma.local [hbm:s3], $0xF7A  }
0x26: {  	[smem:$0x3F98] =	sst s1;
	(tag) =	ssettag s2;
	_ =	strace s9  }
0x27: {  	s1 =	sld [smem:$0x3FA8]  }
0x28: {  	s2 =	sld [smem:$0x3FA9]  }
0x29: {  	s4 =	sld [smem:$0x3FAB]  }
0x2a: {  	p0 =	seq.s32 s5, $0x0;
	s5 =	sld [smem:$0x3FAC]  }
0x2b: {  	s6 =	sld [smem:$0x3FAD]  }
0x2c: {  	s7 =	sld [smem:$0x3FAE]  }
0x2d: {  	s3 =	simm.s32 $0x108;
	s8 =	sld [smem:$0x3FAF]  }
0x2e: {  	s3 =	simm.s32 @!p0 $0x1082;
	s9 =	sld [smem:$0x3FB0]  }
0x2f: {  	lr =	sadd.s32 s0, s3;
	s0 =	sld [smem:$0x3FA7]  }
0x30: {  	s3 =	sld [smem:$0x3FAA]  }
0x31: {  	[smem:$0x3FB3] =	sst s10  }
0x32: {  	s10 =	sld [smem:$0x3FB1];
	_ =	sdelay $0x3  }
0x33: {  	p0 =	seq.s32 s10, $0x1;
	s10 =	sld [smem:$0x3FB3];
	_ =	sdelay $0x3  }
0x34: {  	[smem:$0x3FB3] =	sst s10  }
0x35: {  	s10 =	sld [smem:$0x3FB2];
	_ =	sdelay $0x3  }
0x36: {  	p1 =	seq.s32 s10, $0x1;
	s10 =	sld [smem:$0x3FB3];
	_ =	sdelay $0x3  }
0x37: {  	[smem:$0x3FB3] =	sst s10  }
0x38: {  	s10 =	sld [smem:$0x3FB4]  }
0x39: {  	_ = 	snop;
	(pc) =	sbr.ind lr, $3  }
0x3a: {  	_ = 	snop  }
0x3b: {  	_ = 	snop  }
0x3c: {  	p2 =	seq.s32 s10, $0x1;
	s10 =	sld [smem:$0x3FB3]  }
0x3d: {  	_ =	shalt  }
0x3e: {  	_ =	shalt  }
0x3f: {  	_ =	shalt  }
0x40: {  	_ =	shalt  }
0x41: {  	_ =	shalt  }
0x42: {  	_ =	shalt  }
0x43: {  	_ =	shalt  }
0x44: {  	_ =	shalt  }
0x45: {  	_ =	shalt  }
0x46: {  	_ =	shalt  }
0x47: {  	_ =	shalt  }
0x48: {  	_ =	shalt  }
0x49: {  	_ =	shalt  }
0x4a: {  	_ =	shalt  }
0x4b: {  	_ =	shalt  }
0x4c: {  	_ =	shalt  }
0x4d: {  	_ =	shalt  }
0x4e: {  	_ =	shalt  }
0x4f: {  	_ =	shalt  }
0x50: {  	_ =	shalt  }
0x51: {  	_ =	shalt  }
0x52: {  	_ =	shalt  }
0x53: {  	_ =	shalt  }
0x54: {  	_ =	shalt  }
0x55: {  	_ =	shalt  }
0x56: {  	_ =	shalt  }
0x57: {  	_ =	shalt  }
0x58: {  	_ =	shalt  }
0x59: {  	_ =	shalt  }
0x5a: {  	_ =	shalt  }
0x5b: {  	_ =	shalt  }
0x5c: {  	_ =	shalt  }
0x5d: {  	_ =	shalt  }
0x5e: {  	_ =	shalt  }
0x5f: {  	_ =	shalt  }
0x60: {  	_ =	shalt  }
0x61: {  	_ =	shalt  }
0x62: {  	_ =	shalt  }
0x63: {  	_ =	shalt  }
0x64: {  	_ =	shalt  }
0x65: {  	_ =	shalt  }
0x66: {  	_ =	shalt  }
0x67: {  	_ =	shalt  }
0x68: {  	_ =	shalt  }
0x69: {  	_ =	shalt  }
0x6a: {  	_ =	shalt  }
0x6b: {  	_ =	shalt  }
0x6c: {  	_ =	shalt  }
0x6d: {  	_ =	shalt  }
0x6e: {  	_ =	shalt  }
0x6f: {  	_ =	shalt  }
0x70: {  	_ =	shalt  }
0x71: {  	_ =	shalt  }
0x72: {  	_ =	shalt  }
0x73: {  	_ =	shalt  }
0x74: {  	_ =	shalt  }
0x75: {  	_ =	shalt  }
0x76: {  	_ =	shalt  }
0x77: {  	_ =	shalt  }
0x78: {  	_ =	shalt  }
0x79: {  	_ =	shalt  }
0x7a: {  	_ =	shalt  }
0x7b: {  	_ =	shalt  }
0x7c: {  	_ =	shalt  }
0x7d: {  	_ =	shalt  }
0x7e: {  	_ =	shalt  }
0x7f: {  	_ =	shalt  }
0x80: {  	_ =	shalt  }
0x81: {  	_ =	shalt  }
0x82: {  	_ =	shalt  }
0x83: {  	_ =	shalt  }
0x84: {  	_ =	shalt  }
0x85: {  	_ =	shalt  }
0x86: {  	_ =	shalt  }
0x87: {  	_ =	shalt  }
.Lfunc_end0:
.L_simem_size_0:
called_computation_lowered:
.L_overlay_start_0:
0x88: {  	s2 =	sld [smem:$0x3FD9]  }
0x89: {  	s3 =	sld [smem:$0x3FFE];
	_ =	sdelay $0x1  }
0x8a: {  	s1 =	srdreg.scid  }
0x8b: {  	s0 =	sand.u32 $0x1, s1  }
0x8c: {  	s16 =	sshll.u32 s0, $0xA;
	s2 =	sadd.s32 s3, s2  }
0x8d: {  	s2 =	sadd.s32 s2, s16  }
0x8e: {  	[smem:$0x3FBF] =	sst s2  }
0x8f: {  	_ = 	snop  }
0x90: {  	(tm) =	ssettm $0x1  }
0x91: {  	s17 =	sld [smem:$0x3FFB];
	_ =	sdelay $0x3  }
0x92: {  	_ =	strace s17  }
0x93: {  	s2 =	sld [smem:$0x3FFC];
	_ =	sdelay $0x3  }
0x94: {  	_ =	strace s2  }
0x95: {  	s2 =	sld [smem:$0x3FFD];
	_ =	sdelay $0x3  }
0x96: {  	_ =	strace s2  }
0x97: {  	_ =	strace $0x8FFFFFFF  }
0x98: {  	s18 =	sld [smem:$0x3FDB];
	_ =	sdelay $0x1  }
0x99: {  	s19 =	simm.s32 $_scs_section_size  }
0x9a: {  	s4 =	simm.s32 $_size__tile_overlayer_lowered;
	s5 =	simm.s32 $_tile_overlayer_lowered  }
0x9b: {  	s22 =	simm.s32 $0x1BFF;
	s21 =	sshll.u32 s5, $0x1;
	s2 =	sadd.s32 s19, s18  }
0x9c: {  	s6 =	simm.s32 $0x0;
	s20 =	sshll.u32 s4, $0x1;
	s4 =	sadd.s32 s21, s2  }
0x9d: {  	[timem:s6], [sflag:s22] =	dma.local [hbm:s4], s20  }
0x9e: {  	_ =	swait.ge [sflag:s22], s20  }
0x9f: {  	s3 =	ssub.s32 $0x0, s20;
	[sflag:s22] =	ssyncset.done $0x0  }
0xa0: {  	[sflag:s22] =	ssyncadd.s32 s3;
	_ =	sdelay $0x1  }
0xa1: {  	s23 =	simm.s32 $0x1B8B  }
0xa2: {  	_ =	swait.ge [sflag:s23], $0x1  }
0xa3: {  	[sflag:s23] =	ssyncset.done $0x0  }
0xa4: {  	s25 =	simm.s32 $0x1B8E;
	s24 =	sld [smem:$0x3FFE];
	[sflag:s23] =	ssyncadd.s32 $0xFFFFFFFF  }
0xa5: {  	s26 =	simm.s32 $execute0_lowered;
	[smem:$0x3FD2] =	sst s25  }
0xa6: {  	s4 =	sshll.u32 s26, $0x1;
	_ =	strace $0x80000046;
	[dreg:$0x1] =	wrdreg $0xFFFFFFFF  }
0xa7: {  	s28 =	simm.s32 $_size_execute0_lowered;
	s2 =	sadd.s32 s2, s4;
	[dreg:$0x0] =	wrdreg $0x0  }
0xa8: {  	s4 =	sshll.u32 s28, $0x1;
	[dreg:$0x2] =	wrdreg s2  }
0xa9: {  	[dreg:$0x3] =	wrdreg s4  }
0xaa: {  	[dreg:$0x4] =	wrdreg $0xC0  }
0xab: {  	_ =	task [dreg:s6], $0x5FFFF  }
0xac: {  	[dreg:$0x1] =	wrdreg $0xFFFFFFFF  }
0xad: {  	[dreg:$0x0] =	wrdreg $0x60  }
0xae: {  	[dreg:$0x2] =	wrdreg s24  }
0xaf: {  	[dreg:$0x3] =	wrdreg $0x68000  }
0xb0: {  	[dreg:$0x4] =	wrdreg $0x9  }
0xb1: {  	_ =	task.clear_ibuf [dreg:s6], $0x5FFFF;
	_ =	strace $0x90000046  }
0xb2: {  	s29 =	simm.s32 $0x9;
	_ =	strace $0x80000048  }
0xb3: {  	_ =	swait.ge [sflag:s29], $0x1  }
0xb4: {  	[sflag:s29] =	ssyncadd.s32 $0xFFFFFFFF  }
0xb5: {  	_ =	strace $0x90000048  }
0xb6: {  	_ =	sfence  }
0xb7: {  	s30 =	sld [smem:$0x0];
	_ =	sdelay $0x2  }
0xb8: {  	s31 =	sshll.u32 s1, $0xD;
	s1 =	sshrl.u32 s1, $0x2  }
0xb9: {  	s3 =	sand.u32 $0x4000, s31;
	s1 =	sadd.s32 s1, s30  }
0xba: {  	s0 =	sor.u32 s3, s0;
	s1 =	sshll.u32 s1, $0x11  }
0xbb: {  	s0 =	sor.u32 s1, s0  }
0xbc: {  	s0 =	sadd.s32 $0x8F2B, s0  }
0xbd: {  	[sflag:s0] =	ssyncadd.remote.s32 $0x1  }
0xbe: {  	_ =	sfence.sel $0xFFFF  }
0xbf: {  	[dreg:$0x0] =	wrdreg $0xFFFFFFFF;
	(pc) =	sbr.abs _section_cstart, $3  }
0xc0: {  	[dreg:$0x1] =	wrdreg $0xFFFFFFFF  }
0xc1: {  	_ =	task.clear_ibuf [dreg:s6], $0x2FFFF;
	_ =	strace $0x9FFFFFFF  }
0xc2: {  	(tm) =	ssettm $0x7FFFFFFF  }
0xc3: {  	_ =	shalt  }
tec
execute0_lowered:
.L_overlay_start_1:
0x0: {  	(tag) =	ssettag $0x1  }
0x1: {  	s6 =	rddreg [dreg:$0x0]  }
0x2: {  	s0 =	srdreg.scid;
	s2 =	rddreg [dreg:$0x1]  }
0x3: {  	s3 =	simm.s32 $0x0;
	s5 =	sand.u32 $0x1, s0;
	s0 =	stileid.u32  }
0x4: {  	s13 =	simm.s32 $0x80;
	s14 =	simm.s32 $0x1;
	s7 =	smul.u32 $0x2780, s0  }
0x5: {  	s15 =	simm.s32 $0x0;
	[smem:$0x7FF] =	sst s3;
	s9 =	smul.u32 $0x27800, s5  }
0x6: {  	s1 =	sshll.u32 s5, $0x4;
	s10 =	ssub.s32 $0x2, s5;
	s11 =	smul.u32 $0x4F000, s0  }
0x7: {  	s5 =	sadd.s32 $0xC400, s6;
	s31 =	sshll.u32 s0, $0x6;
	s4 =	sor.u32 s0, s1  }
0x8: {  	s1 =	rddreg [dreg:$0x2];
	_ =	strace $0x80000047;
	s29 =	sshrl.u32 s10, $0x1  }
0x9: {  	s4 =	smul.u32 $0x500, s4;
	s7 =	sadd.s32 s7, s9;
	s9 =	ssub.s32 s10, s29  }
0xa: {  	s30 =	sshrl.u32 s11, $0x2;
	s10 =	simm.s32 $0x2800;
	s11 =	sor.u32 $0x1C02, s31  }
0xb: {  	s7 =	sadd.s32 s7, s6;
	s12 =	sadd.s32 s30, s2;
	s8 =	sadd.s32 s4, s6  }
0xc: {  	s4 =	sadd.s32 $0xEC00, s6;
	s7 =	sadd.s32 $0xF400, s7;
	s12 =	sshrl.u32 s12, $0x3  }
0xd: {  	s6 =	sadd.s32 $0x2400, s8;
	s8 =	smax.u32 s9, $0x1;
	s9 =	simm.s32 $0x2  }
.LBB2_1:
0xe: {  	[tilespmem:s3], [sflag:$0x2] =	stream.linear.gather [hbm4b:s6+s3], $0x2800, $0x38;
	[tilespmem:$0x8F80] =	vst v63  }
0xf: {  	_ =	swait.ge [sflag:s9], $0x2800  }
0x10: {  	[sflag:s9] =	ssyncset.done $0x0  }
0x11: {  	[sflag:s9] =	ssyncadd.s32 $0xFFFFD800  }
0x12: {  	[tilespmem:s10], [sflag:$0x2] =	stream.linear.gather [hbm4b:s4+s3], $0x4000, $0x38;
	[tilespmem:$0x8F80] =	vst v63  }
0x13: {  	_ =	swait.ge [sflag:s9], $0x4000  }
0x14: {  	[sflag:s9] =	ssyncset.done $0x0  }
0x15: {  	[sflag:s9] =	ssyncadd.s32 $0xFFFFC000  }
0x16: {  	[spmem:s12], [sflag:s11] =	dma.local [hbm:s5], $0x2780  }
0x17: {  	_ =	swait.ge [sflag:s9], $0x2780  }
0x18: {  	[sflag:s9] =	ssyncset.done $0x0  }
0x19: {  	[sflag:s9] =	ssyncadd.s32 $0xFFFFD880  }
0x1a: {  	s16 =	simm.s32 $0x0;
	[bflag:$0x0] =	sbarrier.arrive $0xFFFF  }
.LBB2_2:
0x1b: {  	p0 =	sne.s32 s16, $0x9E00  }
.Ltmp0:
0x1c: {  	_ = 	snop;
	(pc) =	sbr.rel @p0 .LBB2_2-.Ltmp0, $3  }
0x1d: {  	_ =	sdelay $0x1  }
0x1e: {  	s17 =	sshra.s32 s16, $0x2;
	s16 =	sadd.s32 $0x200, s16  }
0x1f: {  	[spmem:s2] =	stream.indirect.scatter.add.f32 [tilespmem:s10], [sflag:$0x1], $0x10, s17, s13, $0xb8;
	[tilespmem:$0x8F80] =	vst v63  }
0x20: {  	_ =	swait.ge [sflag:s14], $0x800  }
0x21: {  	s16 =	simm.s32 $0x4F;
	[sflag:s14] =	ssyncset.done $0x0  }
.LBB2_4:
0x22: {  	p0 =	sne.s32 s16, $0x1;
	s16 =	sadd.s32 $0xFFFFFFFF, s16;
	[sflag:s14] =	ssyncadd.s32 $0xFFFFF800  }
.Ltmp1:
0x23: {  	(pc) =	sbr.rel @p0 .LBB2_4-.Ltmp1, $3  }
0x24: {  	_ =	sdelay $0x1  }
0x25: {  	_ =	swait.ge [sflag:s14], $0x800  }
0x26: {  	[sflag:s14] =	ssyncset.done $0x0  }
0x27: {  	s15 =	sadd.s32 $0x1, s15  }
0x28: {  	[sflag:s14] =	ssyncadd.s32 $0xFFFFF800;
	p0 =	sne.s32 s15, s8  }
.Ltmp2:
0x29: {  	[bflag:$0x0] =	sbarrier.arrive $0xFFFF;
	(pc) =	sbr.rel @p0 .LBB2_1-.Ltmp2, $4  }
0x2a: {  	[hbm:s7], [sflag:s11] =	dma.local [spmem:s12], $0x2780  }
0x2b: {  	_ =	swait.ge [sflag:s9], $0x2780  }
0x2c: {  	[sflag:s9] =	ssyncset.done $0x0  }
0x2d: {  	[sflag:s9] =	ssyncadd.s32 $0xFFFFD880  }
0x2e: {  	_ =	sfence.sel $0x180000  }
0x2f: {  	[bflag:$0x0] =	sbarrier.arrive $0xFFFF  }
0x30: {  	p0 =	sne.s32 s0, $0x0;
	_ =	strace $0x90000047  }
0x31: {  	s0 =	sadd.s32 @!p0 $0x100000, s1;
	[bflag:$0x2] =	sbarrier.arrive $0xFFFF  }
0x32: {  	[sflag:s0] =	ssyncadd.tile.s32 @!p0 $0x1;
	_ =	shalt  }
.Lfunc_end2:
_tile_overlayer_lowered:
.L_overlay_start_2:
0x33: {  	(tag) =	ssettag $0x2  }
0x34: {  	s0 =	rddreg [dreg:$0x0];
	s2 =	stileid.u32  }
0x35: {  	s1 =	rddreg [dreg:$0x1];
	p0 =	sne.s32 s2, $0x0  }
0x36: {  	s3 =	rddreg [dreg:$0x2];
	[bflag:$0x3] =	sbarrier.arrive $0xFFFF;
	s2 =	simm.s32 @!p0 $0x1C02  }
0x37: {  	[timem:s3], [sflag:s2] =	dma.local @!p0 [hbm:s0], s1  }
0x38: {  	s0 =	simm.s32 @!p0 $0x2  }
0x39: {  	_ =	swait.ge @!p0 [sflag:s0], s1  }
0x3a: {  	s1 =	ssub.s32 @!p0 $0x0, s1;
	[sflag:s0] =	ssyncset.done @!p0 $0x0  }
0x3b: {  	[sflag:s0] =	ssyncadd.s32 @!p0 s1  }
0x3c: {  	[bflag:$0x3] =	sbarrier.arrive $0xFFFF  }
0x3d: {  	_ =	shalt  }

</sc_bundles>
